<compile_context>
chip_gen: v7x
topology: tpu7x:2x2x1
jax: 0.10.2.dev20260603
libtpu: 0.0.44.dev20260713+nightly
codegen_flags: <defaults>
</compile_context>

<pallas_src>
import math

import jax
import jax.numpy as jnp
import numpy as np
from jax import lax
from jax.experimental import pallas as pl
from jax.experimental.pallas import tpu as pltpu
from jax.experimental.pallas import tpu_sc as plsc

_NUM_CORES = 2
_NUM_SUBCORES = 16
_NW = _NUM_CORES * _NUM_SUBCORES

_D_ID = 32
_D_MODEL = 64
_MAX_DAYS = 365
_N_FREQ = 8


def _sc_gather(table, idx, sigma, chunk):
    n = sigma.shape[0]
    d = table.shape[1]
    per_w = n // _NW
    n_chunks = per_w // chunk
    mesh = plsc.VectorSubcoreMesh(
        core_axis_name="c", subcore_axis_name="s",
        num_cores=_NUM_CORES, num_subcores=_NUM_SUBCORES,
    )

    def body(table_hbm, idx_hbm, sigma_hbm, out_hbm, sig_v, idx_v, rows_v, sem):
        wid = lax.axis_index("s") * _NUM_CORES + lax.axis_index("c")
        base = wid * per_w

        @pl.loop(0, n_chunks)
        def _chunk(c):
            off = base + c * chunk
            pltpu.sync_copy(sigma_hbm.at[pl.ds(off, chunk)], sig_v)
            pltpu.async_copy(idx_hbm.at[sig_v], idx_v, sem).wait()
            pltpu.async_copy(table_hbm.at[idx_v], rows_v, sem).wait()
            pltpu.sync_copy(rows_v, out_hbm.at[pl.ds(off, chunk)])

    f = pl.kernel(
        body,
        out_type=jax.ShapeDtypeStruct((n, d), jnp.float32),
        mesh=mesh,
        compiler_params=pltpu.CompilerParams(use_tc_tiling_on_sc=False),
        scratch_types=[
            pltpu.VMEM((chunk,), jnp.int32),
            pltpu.VMEM((chunk,), jnp.int32),
            pltpu.VMEM((chunk, d), jnp.float32),
            pltpu.SemaphoreType.DMA,
        ],
    )
    return f(table, idx, sigma)


def _tc_body(typ_ref, cat_ref, ctry_ref, day_ref, imp_ref, nv_ref, sp_ref,
             ma_ref, eid_ref, w4_ref, wall_ref, div_ref, lnt_ref, o_ref):
    nb = typ_ref.shape[2]
    qb = nb // 4
    typ = typ_ref[0]
    cat = cat_ref[0]
    ctry = ctry_ref[0]
    day = day_ref[0]

    it = lax.broadcasted_iota(jnp.int32, (20, nb), 0)
    oh = ((it == typ) | (it == cat + 6) | (it == ctry + 14)).astype(jnp.float32)

    dayf = jnp.clip(jnp.abs(day), 0, _MAX_DAYS - 1).astype(jnp.float32)
    ang = div_ref[...] * dayf
    nrot = (ang * jnp.float32(0.15915494309644432)
            + jnp.float32(0.5)).astype(jnp.int32).astype(jnp.float32)
    r = (ang - nrot * jnp.float32(6.28125)) - nrot * jnp.float32(0.0019353071795864769)
    r2 = r * r
    s = r * (jnp.float32(9.99984587e-01) + r2 * (jnp.float32(-1.66632582e-01)
        + r2 * (jnp.float32(8.31238293e-03) + r2 * (jnp.float32(-1.93161822e-04)
        + r2 * jnp.float32(2.17321007e-06)))))
    c = (jnp.float32(9.99999443e-01) + r2 * (jnp.float32(-4.99995580e-01)
        + r2 * (jnp.float32(4.16610316e-02) + r2 * (jnp.float32(-1.38627433e-03)
        + r2 * (jnp.float32(2.42531378e-05) + r2 * jnp.float32(-2.21936942e-07))))))

    fv = jnp.concatenate([imp_ref[0], nv_ref[0], sp_ref[0], ma_ref[0]], axis=0)
    ones = jnp.ones((1, nb), jnp.float32)
    feats = jnp.concatenate([oh, s, c, fv, ones], axis=0)

    fpart = lax.dot_general(
        wall_ref[...], feats, (((0,), (0,)), ((), ())),
        preferred_element_type=jnp.float32,
    )

    eid_t = jnp.transpose(eid_ref[...], (1, 0))
    c4 = lax.dot_general(
        w4_ref[...], eid_t, (((0,), (0,)), ((), ())),
        preferred_element_type=jnp.float32,
    )

    g = lnt_ref[:, 0:1]
    b = lnt_ref[:, 1:2]
    one_row = jnp.ones((1, _D_MODEL), jnp.float32)
    for j in range(4):
        dlt = fpart[:, j * qb:(j + 1) * qb] + c4[j * 64:(j + 1) * 64, :]
        sq = dlt * dlt
        v = lax.dot_general(
            one_row, sq, (((1,), (0,)), ((), ())),
            preferred_element_type=jnp.float32,
        ) * (1.0 / _D_MODEL)
        xh = dlt * lax.rsqrt(v + 1e-5)
        o_ref[0, :, j * qb:(j + 1) * qb] = xh * g + b


def kernel(indicator_ids, pub_type_ids, category_ids, country_ids, importance,
           days_offset, normalized_value, surprise, ma5,
           identity_emb, type_emb, category_emb, country_emb,
           imp_W, imp_b, proj_W, proj_b, ln_g, ln_b):
    bsz, ssz = indicator_ids.shape
    n = bsz * ssz
    qb = bsz // 4

    u = np.arange(n)
    rr = u % bsz
    sigma = jnp.asarray(
        (u - rr + (rr % 4) * qb + rr // 4).astype(np.int32))
    idx_flat = indicator_ids.T.reshape(-1)
    nsplit = 4
    npart = n // nsplit
    prows = npart * _D_ID // 128
    eid_parts = [
        _sc_gather(identity_emb, idx_flat,
                   sigma[k * npart:(k + 1) * npart], chunk=3200)
        .reshape(-1).reshape(prows, 128)
        for k in range(nsplit)
    ]

    w_id = proj_W[:, 0:32].T
    t_type = type_emb @ proj_W[:, 32:40].T
    t_cat = category_emb @ proj_W[:, 40:56].T
    t_ctry = country_emb @ proj_W[:, 56:64].T
    w_imp = proj_W[:, 64:72]
    v_imp = w_imp @ imp_W[:, 0]
    const = proj_b + w_imp @ imp_b
    w_temp = proj_W[:, 72:88]
    w_sin = w_temp[:, 0::2].T
    w_cos = w_temp[:, 1::2].T
    w_num = proj_W[:, 88:91].T
    w_all = jnp.concatenate(
        [t_type, t_cat, t_ctry, w_sin, w_cos,
         v_imp[None, :], w_num, const[None, :]], axis=0)
    w_id = w_id - jnp.mean(w_id, axis=1, keepdims=True)
    w_all = w_all - jnp.mean(w_all, axis=1, keepdims=True)
    w4 = jnp.kron(jnp.eye(4, dtype=jnp.float32), w_id)

    div = np.exp(np.arange(0, 2 * _N_FREQ, 2, dtype=np.float32)
                 * (-math.log(10000.0) / (2 * _N_FREQ))).astype(np.float32)
    div = jnp.asarray(div).reshape(_N_FREQ, 1)

    lnt = jnp.stack([ln_g, ln_b], axis=1)

    def tview(x):
        return x.T.reshape(ssz, 1, bsz)

    full = lambda shape: pl.BlockSpec(shape, lambda i: tuple(0 for _ in shape))
    scalars = (tview(pub_type_ids), tview(category_ids), tview(country_ids),
               tview(days_offset), tview(importance), tview(normalized_value),
               tview(surprise), tview(ma5))
    weights = (w4, w_all, div, lnt)
    wspecs = [full((128, 256)), full((41, _D_MODEL)),
              full((_N_FREQ, 1)), full((_D_MODEL, 2))]
    out_shape = jax.ShapeDtypeStruct((ssz, _D_MODEL, bsz), jnp.float32)

    def tc_part(eid_part, offs, prev):
        svec = pl.BlockSpec((1, 1, bsz), lambda i: (i + offs, 0, 0))
        especs = [svec] * 8 + [
            pl.BlockSpec((bsz * _D_ID // 128, 128), lambda i: (i, 0))
        ] + wspecs
        args = scalars + (eid_part,) + weights
        if prev is None:
            return pl.pallas_call(
                _tc_body,
                grid=(ssz // nsplit,),
                in_specs=especs,
                out_specs=pl.BlockSpec((1, _D_MODEL, bsz),
                                       lambda i: (i + offs, 0, 0)),
                out_shape=out_shape,
            )(*args)

        def body2(*refs):
            _tc_body(*refs[:13], refs[14])

        return pl.pallas_call(
            body2,
            grid=(ssz // nsplit,),
            in_specs=especs + [pl.BlockSpec(memory_space=pl.ANY)],
            out_specs=pl.BlockSpec((1, _D_MODEL, bsz),
                                   lambda i: (i + offs, 0, 0)),
            out_shape=out_shape,
            input_output_aliases={13: 0},
        )(*args, prev)

    out = None
    for k in range(nsplit):
        out = tc_part(eid_parts[k], k * (ssz // nsplit), out)

    return out.transpose(2, 0, 1)

# --- scband reference (transcript-rebuilt; emitter-appended) ---
"""Pipeline reference for scband-macro-token-embedding-9053791060337 (READ-ONLY COPY).

The authoritative reference and input builder live on the scoring server;
editing this copy changes nothing except your own understanding.
"""

import jax, jax.numpy as jnp
import numpy as np
import math

NUM_INDICATORS = 100000
D_IDENTITY = 32
D_TYPE = 8
D_IMPORTANCE = 8
D_TEMPORAL = 16
D_CATEGORY = 16
D_COUNTRY = 8
D_MODEL = 64
MAX_DAYS = 365
B, S = 4096, 200


def _make_pe(d_model=D_TEMPORAL, max_days=MAX_DAYS):
    position = np.arange(max_days)[:, None].astype(np.float32)
    div_term = np.exp(np.arange(0, d_model, 2).astype(np.float32) * (-math.log(10000.0) / d_model))
    pe = np.zeros((max_days, d_model), dtype=np.float32)
    pe[:, 0::2] = np.sin(position * div_term)
    pe[:, 1::2] = np.cos(position * div_term)
    return jnp.asarray(pe)


def setup_inputs(seed: int = 0) -> dict:
    key = jax.random.key(seed)
    ks = [jax.random.fold_in(key, i) for i in range(30)]
    d_embed_total = D_IDENTITY + D_TYPE + D_IMPORTANCE + D_TEMPORAL + D_CATEGORY + D_COUNTRY
    inp = {
        'indicator_ids': jax.random.randint(ks[0], (B, S), 0, NUM_INDICATORS, dtype=jnp.int32),
        'pub_type_ids': jax.random.randint(ks[1], (B, S), 0, 6, dtype=jnp.int32),
        'category_ids': jax.random.randint(ks[2], (B, S), 0, 8, dtype=jnp.int32),
        'country_ids': jax.random.randint(ks[3], (B, S), 0, 6, dtype=jnp.int32),
        'importance': jax.random.uniform(ks[4], (B, S), dtype=jnp.float32),
        'days_offset': jax.random.randint(ks[5], (B, S), 0, MAX_DAYS, dtype=jnp.int32),
        'normalized_value': jax.random.normal(ks[6], (B, S), dtype=jnp.float32),
        'surprise': jax.random.normal(ks[7], (B, S), dtype=jnp.float32),
        'ma5': jax.random.normal(ks[8], (B, S), dtype=jnp.float32),
        'identity_emb': jax.random.normal(ks[9], (NUM_INDICATORS, D_IDENTITY), dtype=jnp.float32) * 0.02,
        'type_emb': jax.random.normal(ks[10], (6, D_TYPE), dtype=jnp.float32) * 0.02,
        'category_emb': jax.random.normal(ks[11], (8, D_CATEGORY), dtype=jnp.float32) * 0.02,
        'country_emb': jax.random.normal(ks[12], (6, D_COUNTRY), dtype=jnp.float32) * 0.02,
        'imp_W': jax.random.normal(ks[13], (D_IMPORTANCE, 1), dtype=jnp.float32) * 0.02,
        'imp_b': jnp.zeros((D_IMPORTANCE,), dtype=jnp.float32),
        'proj_W': jax.random.normal(ks[14], (D_MODEL, d_embed_total + 3), dtype=jnp.float32) * 0.02,
        'proj_b': jnp.zeros((D_MODEL,), dtype=jnp.float32),
        'ln_g': jnp.ones((D_MODEL,), dtype=jnp.float32),
        'ln_b': jnp.zeros((D_MODEL,), dtype=jnp.float32),
    }
    return inp


def reference(indicator_ids, pub_type_ids, category_ids, country_ids, importance, days_offset,
              normalized_value, surprise, ma5,
              identity_emb, type_emb, category_emb, country_emb,
              imp_W, imp_b, proj_W, proj_b, ln_g, ln_b):
    pe = _make_pe()
    e_identity = jnp.take(identity_emb, indicator_ids, axis=0)
    e_type = jnp.take(type_emb, pub_type_ids, axis=0)
    e_category = jnp.take(category_emb, category_ids, axis=0)
    e_country = jnp.take(country_emb, country_ids, axis=0)
    e_importance = importance[..., None] @ imp_W.T + imp_b
    idx = jnp.clip(jnp.abs(days_offset).astype(jnp.int32), 0, pe.shape[0] - 1)
    e_temporal = jnp.take(pe, idx, axis=0)
    e_total = jnp.concatenate([e_identity, e_type, e_category, e_country, e_importance, e_temporal], axis=-1)
    numerical = jnp.stack([normalized_value, surprise, ma5], axis=-1)
    combined = jnp.concatenate([e_total, numerical], axis=-1)
    out = combined @ proj_W.T + proj_b
    mean = jnp.mean(out, axis=-1, keepdims=True)
    var = jnp.var(out, axis=-1, keepdims=True)
    out = (out - mean) / jnp.sqrt(var + 1e-5) * ln_g + ln_b
    # dropout: eval mode (p effectively ignored; identity)
    return out

if __name__ == "__main__":
    import jax
    _d = setup_inputs()
    print(jax.jit(kernel)(*tuple(_d.values())))

</pallas_src>

<mosaic_0001>
#map = affine_map<(d0, d1) -> (0, 0)>
#map1 = affine_map<(d0, d1) -> (0)>
module attributes {stable_mosaic.version = 14 : i64} {
  func.func @body(%arg0: i32, %arg1: i32, %arg2: memref<100000x32xf32, #tpu.memory_space<hbm>>, %arg3: memref<819200xi32, #tpu.memory_space<hbm>>, %arg4: memref<204800xi32, #tpu.memory_space<hbm>>, %arg5: memref<204800x32xf32, #tpu.memory_space<hbm>>, %arg6: memref<3200xi32, #tpu.memory_space<vmem>>, %arg7: memref<3200xi32, #tpu.memory_space<vmem>>, %arg8: memref<3200x32xf32, #tpu.memory_space<vmem>>, %arg9: memref<!tpu.dma_semaphore, #tpu.memory_space<semaphore_mem>>) attributes {dimension_semantics = [#tpu.dimension_semantics<core_parallel>, #tpu.dimension_semantics<subcore_parallel>], iteration_bounds = array<i64: 2, 16>, scalar_prefetch = 0 : i64, scratch_operands = 4 : i64, tpu.core_type = #tpu.core_type<sc_vector_subcore>, window_params = [{transform_indices = #map}, {transform_indices = #map1}, {transform_indices = #map1}, {transform_indices = #map}]} {
    %mul3A = arith.constant 2 : i32
    %mul3A_0 = arith.muli %arg1, %mul3A : i32
    %add3A = arith.addi %mul3A_0, %arg0 : i32
    %mul3A_1 = arith.constant 6400 : i32
    %mul3A_2 = arith.muli %add3A, %mul3A_1 : i32
    %scan3A = arith.constant 0 : i32
    %scan3A_3 = arith.constant 2 : i32
    %scan3A_4 = arith.addi %scan3A, %scan3A_3 : i32
    %scan3A_5 = arith.constant 1 : i32
    scf.for %scan3A_7 = %scan3A to %scan3A_4 step %scan3A_5  : i32 {
      %mul3A_8 = arith.constant 1 : i32
      %mul3A_9 = arith.muli %scan3A_7, %mul3A_8 : i32
      %add3A_10 = arith.constant 0 : i32
      %add3A_11 = arith.addi %add3A_10, %mul3A_9 : i32
      %mul3A_12 = arith.constant 3200 : i32
      %mul3A_13 = arith.muli %add3A_11, %mul3A_12 : i32
      %add3A_14 = arith.addi %mul3A_2, %mul3A_13 : i32
      "tpu.region"() ({
        %run_scoped3A = tpu.sem_alloc : memref<!tpu.dma_semaphore, #tpu.memory_space<semaphore_mem>>
        %dma_start3A_23 = tpu.memref_slice %arg4[%add3A_14] : memref<204800xi32, #tpu.memory_space<hbm>> -> memref<3200xi32, #tpu.memory_space<hbm>>
        %dma_start3A_24 = tpu.memref_slice %arg4[%add3A_14] : memref<204800xi32, #tpu.memory_space<hbm>> -> memref<3200xi32, #tpu.memory_space<hbm>>
        tpu.enqueue_dma source(%dma_start3A_24 : memref<3200xi32, #tpu.memory_space<hbm>>) target(%arg6 : memref<3200xi32, #tpu.memory_space<vmem>>) target_semaphore(%run_scoped3A : memref<!tpu.dma_semaphore, #tpu.memory_space<semaphore_mem>>)
        %dma_wait3A_25 = tpu.memref_slice %arg4[%add3A_14] : memref<204800xi32, #tpu.memory_space<hbm>> -> memref<3200xi32, #tpu.memory_space<hbm>>
        %dma_wait3A_26 = tpu.memref_slice %arg4[%add3A_14] : memref<204800xi32, #tpu.memory_space<hbm>> -> memref<3200xi32, #tpu.memory_space<hbm>>
        tpu.wait_dma2 semaphore(%run_scoped3A : memref<!tpu.dma_semaphore, #tpu.memory_space<semaphore_mem>>) src(%dma_wait3A_26 : memref<3200xi32, #tpu.memory_space<hbm>>) dst(%arg6 : memref<3200xi32, #tpu.memory_space<vmem>>)
        tpu.yield
      }) : () -> ()
      %dma_start3A = arith.constant 0 : i32
      %dma_start3A_15 = tpu.memref_slice %arg3[%dma_start3A] : memref<819200xi32, #tpu.memory_space<hbm>> -> memref<819200xi32, #tpu.memory_space<hbm>>
      tpu.enqueue_indirect_dma source(%dma_start3A_15 : memref<819200xi32, #tpu.memory_space<hbm>>) target(%arg7 : memref<3200xi32, #tpu.memory_space<vmem>>) offsets(%arg6 : memref<3200xi32, #tpu.memory_space<vmem>>) semaphore(%arg9 : memref<!tpu.dma_semaphore, #tpu.memory_space<semaphore_mem>>)
      %dma_wait3A = arith.constant 0 : i32
      %dma_wait3A_16 = tpu.memref_slice %arg3[%dma_wait3A] : memref<819200xi32, #tpu.memory_space<hbm>> -> memref<819200xi32, #tpu.memory_space<hbm>>
      tpu.wait_indirect_dma semaphore(%arg9 : memref<!tpu.dma_semaphore, #tpu.memory_space<semaphore_mem>>) src(%dma_wait3A_16 : memref<819200xi32, #tpu.memory_space<hbm>>) dst(%arg7 : memref<3200xi32, #tpu.memory_space<vmem>>)
      %dma_start3A_17 = arith.constant 0 : i32
      %dma_start3A_18 = arith.constant 0 : i32
      %dma_start3A_19 = tpu.memref_slice %arg2[%dma_start3A_17, %dma_start3A_18] : memref<100000x32xf32, #tpu.memory_space<hbm>> -> memref<100000x32xf32, #tpu.memory_space<hbm>>
      tpu.enqueue_indirect_dma source(%dma_start3A_19 : memref<100000x32xf32, #tpu.memory_space<hbm>>) target(%arg8 : memref<3200x32xf32, #tpu.memory_space<vmem>>) offsets(%arg7 : memref<3200xi32, #tpu.memory_space<vmem>>) semaphore(%arg9 : memref<!tpu.dma_semaphore, #tpu.memory_space<semaphore_mem>>)
      %dma_wait3A_20 = arith.constant 0 : i32
      %dma_wait3A_21 = arith.constant 0 : i32
      %dma_wait3A_22 = tpu.memref_slice %arg2[%dma_wait3A_20, %dma_wait3A_21] : memref<100000x32xf32, #tpu.memory_space<hbm>> -> memref<100000x32xf32, #tpu.memory_space<hbm>>
      tpu.wait_indirect_dma semaphore(%arg9 : memref<!tpu.dma_semaphore, #tpu.memory_space<semaphore_mem>>) src(%dma_wait3A_22 : memref<100000x32xf32, #tpu.memory_space<hbm>>) dst(%arg8 : memref<3200x32xf32, #tpu.memory_space<vmem>>)
      "tpu.region"() ({
        %run_scoped3A = tpu.sem_alloc : memref<!tpu.dma_semaphore, #tpu.memory_space<semaphore_mem>>
        %dma_start3A_23 = arith.constant 0 : i32
        %dma_start3A_24 = tpu.memref_slice %arg5[%add3A_14, %dma_start3A_23] : memref<204800x32xf32, #tpu.memory_space<hbm>> -> memref<3200x32xf32, #tpu.memory_space<hbm>>
        %dma_start3A_25 = arith.constant 0 : i32
        %dma_start3A_26 = tpu.memref_slice %arg5[%add3A_14, %dma_start3A_25] : memref<204800x32xf32, #tpu.memory_space<hbm>> -> memref<3200x32xf32, #tpu.memory_space<hbm>>
        tpu.enqueue_dma source(%arg8 : memref<3200x32xf32, #tpu.memory_space<vmem>>) target(%dma_start3A_26 : memref<3200x32xf32, #tpu.memory_space<hbm>>) target_semaphore(%run_scoped3A : memref<!tpu.dma_semaphore, #tpu.memory_space<semaphore_mem>>)
        %dma_wait3A_27 = arith.constant 0 : i32
        %dma_wait3A_28 = tpu.memref_slice %arg5[%add3A_14, %dma_wait3A_27] : memref<204800x32xf32, #tpu.memory_space<hbm>> -> memref<3200x32xf32, #tpu.memory_space<hbm>>
        %dma_wait3A_29 = arith.constant 0 : i32
        %dma_wait3A_30 = tpu.memref_slice %arg5[%add3A_14, %dma_wait3A_29] : memref<204800x32xf32, #tpu.memory_space<hbm>> -> memref<3200x32xf32, #tpu.memory_space<hbm>>
        tpu.wait_dma2 semaphore(%run_scoped3A : memref<!tpu.dma_semaphore, #tpu.memory_space<semaphore_mem>>) src(%arg8 : memref<3200x32xf32, #tpu.memory_space<vmem>>) dst(%dma_wait3A_30 : memref<3200x32xf32, #tpu.memory_space<hbm>>)
        tpu.yield
      }) : () -> ()
    }
    %scan3A_6 = arith.constant 2 : i32
    return
  }
}

#map = affine_map<(d0, d1) -> (0, 0)>
#map1 = affine_map<(d0, d1) -> (0)>
module attributes {stable_mosaic.version = 14 : i64} {
  func.func @body(%arg0: i32, %arg1: i32, %arg2: memref<100000x32xf32, #tpu.memory_space<hbm>>, %arg3: memref<819200xi32, #tpu.memory_space<hbm>>, %arg4: memref<204800xi32, #tpu.memory_space<hbm>>, %arg5: memref<204800x32xf32, #tpu.memory_space<hbm>>, %arg6: memref<3200xi32, #tpu.memory_space<vmem>>, %arg7: memref<3200xi32, #tpu.memory_space<vmem>>, %arg8: memref<3200x32xf32, #tpu.memory_space<vmem>>, %arg9: memref<!tpu.dma_semaphore, #tpu.memory_space<semaphore_mem>>) attributes {dimension_semantics = [#tpu.dimension_semantics<core_parallel>, #tpu.dimension_semantics<subcore_parallel>], iteration_bounds = array<i64: 2, 16>, scalar_prefetch = 0 : i64, scratch_operands = 4 : i64, tpu.core_type = #tpu.core_type<sc_vector_subcore>, window_params = [{transform_indices = #map}, {transform_indices = #map1}, {transform_indices = #map1}, {transform_indices = #map}]} {
    %mul3A = arith.constant 2 : i32
    %mul3A_0 = arith.muli %arg1, %mul3A : i32
    %add3A = arith.addi %mul3A_0, %arg0 : i32
    %mul3A_1 = arith.constant 6400 : i32
    %mul3A_2 = arith.muli %add3A, %mul3A_1 : i32
    %scan3A = arith.constant 0 : i32
    %scan3A_3 = arith.constant 2 : i32
    %scan3A_4 = arith.addi %scan3A, %scan3A_3 : i32
    %scan3A_5 = arith.constant 1 : i32
    scf.for %scan3A_7 = %scan3A to %scan3A_4 step %scan3A_5  : i32 {
      %mul3A_8 = arith.constant 1 : i32
      %mul3A_9 = arith.muli %scan3A_7, %mul3A_8 : i32
      %add3A_10 = arith.constant 0 : i32
      %add3A_11 = arith.addi %add3A_10, %mul3A_9 : i32
      %mul3A_12 = arith.constant 3200 : i32
      %mul3A_13 = arith.muli %add3A_11, %mul3A_12 : i32
      %add3A_14 = arith.addi %mul3A_2, %mul3A_13 : i32
      "tpu.region"() ({
        %run_scoped3A = tpu.sem_alloc : memref<!tpu.dma_semaphore, #tpu.memory_space<semaphore_mem>>
        %dma_start3A_23 = tpu.memref_slice %arg4[%add3A_14] : memref<204800xi32, #tpu.memory_space<hbm>> -> memref<3200xi32, #tpu.memory_space<hbm>>
        %dma_start3A_24 = tpu.memref_slice %arg4[%add3A_14] : memref<204800xi32, #tpu.memory_space<hbm>> -> memref<3200xi32, #tpu.memory_space<hbm>>
        tpu.enqueue_dma source(%dma_start3A_24 : memref<3200xi32, #tpu.memory_space<hbm>>) target(%arg6 : memref<3200xi32, #tpu.memory_space<vmem>>) target_semaphore(%run_scoped3A : memref<!tpu.dma_semaphore, #tpu.memory_space<semaphore_mem>>)
        %dma_wait3A_25 = tpu.memref_slice %arg4[%add3A_14] : memref<204800xi32, #tpu.memory_space<hbm>> -> memref<3200xi32, #tpu.memory_space<hbm>>
        %dma_wait3A_26 = tpu.memref_slice %arg4[%add3A_14] : memref<204800xi32, #tpu.memory_space<hbm>> -> memref<3200xi32, #tpu.memory_space<hbm>>
        tpu.wait_dma2 semaphore(%run_scoped3A : memref<!tpu.dma_semaphore, #tpu.memory_space<semaphore_mem>>) src(%dma_wait3A_26 : memref<3200xi32, #tpu.memory_space<hbm>>) dst(%arg6 : memref<3200xi32, #tpu.memory_space<vmem>>)
        tpu.yield
      }) : () -> ()
      %dma_start3A = arith.constant 0 : i32
      %dma_start3A_15 = tpu.memref_slice %arg3[%dma_start3A] : memref<819200xi32, #tpu.memory_space<hbm>> -> memref<819200xi32, #tpu.memory_space<hbm>>
      tpu.enqueue_indirect_dma source(%dma_start3A_15 : memref<819200xi32, #tpu.memory_space<hbm>>) target(%arg7 : memref<3200xi32, #tpu.memory_space<vmem>>) offsets(%arg6 : memref<3200xi32, #tpu.memory_space<vmem>>) semaphore(%arg9 : memref<!tpu.dma_semaphore, #tpu.memory_space<semaphore_mem>>)
      %dma_wait3A = arith.constant 0 : i32
      %dma_wait3A_16 = tpu.memref_slice %arg3[%dma_wait3A] : memref<819200xi32, #tpu.memory_space<hbm>> -> memref<819200xi32, #tpu.memory_space<hbm>>
      tpu.wait_indirect_dma semaphore(%arg9 : memref<!tpu.dma_semaphore, #tpu.memory_space<semaphore_mem>>) src(%dma_wait3A_16 : memref<819200xi32, #tpu.memory_space<hbm>>) dst(%arg7 : memref<3200xi32, #tpu.memory_space<vmem>>)
      %dma_start3A_17 = arith.constant 0 : i32
      %dma_start3A_18 = arith.constant 0 : i32
      %dma_start3A_19 = tpu.memref_slice %arg2[%dma_start3A_17, %dma_start3A_18] : memref<100000x32xf32, #tpu.memory_space<hbm>> -> memref<100000x32xf32, #tpu.memory_space<hbm>>
      tpu.enqueue_indirect_dma source(%dma_start3A_19 : memref<100000x32xf32, #tpu.memory_space<hbm>>) target(%arg8 : memref<3200x32xf32, #tpu.memory_space<vmem>>) offsets(%arg7 : memref<3200xi32, #tpu.memory_space<vmem>>) semaphore(%arg9 : memref<!tpu.dma_semaphore, #tpu.memory_space<semaphore_mem>>)
      %dma_wait3A_20 = arith.constant 0 : i32
      %dma_wait3A_21 = arith.constant 0 : i32
      %dma_wait3A_22 = tpu.memref_slice %arg2[%dma_wait3A_20, %dma_wait3A_21] : memref<100000x32xf32, #tpu.memory_space<hbm>> -> memref<100000x32xf32, #tpu.memory_space<hbm>>
      tpu.wait_indirect_dma semaphore(%arg9 : memref<!tpu.dma_semaphore, #tpu.memory_space<semaphore_mem>>) src(%dma_wait3A_22 : memref<100000x32xf32, #tpu.memory_space<hbm>>) dst(%arg8 : memref<3200x32xf32, #tpu.memory_space<vmem>>)
      "tpu.region"() ({
        %run_scoped3A = tpu.sem_alloc : memref<!tpu.dma_semaphore, #tpu.memory_space<semaphore_mem>>
        %dma_start3A_23 = arith.constant 0 : i32
        %dma_start3A_24 = tpu.memref_slice %arg5[%add3A_14, %dma_start3A_23] : memref<204800x32xf32, #tpu.memory_space<hbm>> -> memref<3200x32xf32, #tpu.memory_space<hbm>>
        %dma_start3A_25 = arith.constant 0 : i32
        %dma_start3A_26 = tpu.memref_slice %arg5[%add3A_14, %dma_start3A_25] : memref<204800x32xf32, #tpu.memory_space<hbm>> -> memref<3200x32xf32, #tpu.memory_space<hbm>>
        tpu.enqueue_dma source(%arg8 : memref<3200x32xf32, #tpu.memory_space<vmem>>) target(%dma_start3A_26 : memref<3200x32xf32, #tpu.memory_space<hbm>>) target_semaphore(%run_scoped3A : memref<!tpu.dma_semaphore, #tpu.memory_space<semaphore_mem>>)
        %dma_wait3A_27 = arith.constant 0 : i32
        %dma_wait3A_28 = tpu.memref_slice %arg5[%add3A_14, %dma_wait3A_27] : memref<204800x32xf32, #tpu.memory_space<hbm>> -> memref<3200x32xf32, #tpu.memory_space<hbm>>
        %dma_wait3A_29 = arith.constant 0 : i32
        %dma_wait3A_30 = tpu.memref_slice %arg5[%add3A_14, %dma_wait3A_29] : memref<204800x32xf32, #tpu.memory_space<hbm>> -> memref<3200x32xf32, #tpu.memory_space<hbm>>
        tpu.wait_dma2 semaphore(%run_scoped3A : memref<!tpu.dma_semaphore, #tpu.memory_space<semaphore_mem>>) src(%arg8 : memref<3200x32xf32, #tpu.memory_space<vmem>>) dst(%dma_wait3A_30 : memref<3200x32xf32, #tpu.memory_space<hbm>>)
        tpu.yield
      }) : () -> ()
    }
    %scan3A_6 = arith.constant 2 : i32
    return
  }
}

#map = affine_map<(d0, d1) -> (0, 0)>
#map1 = affine_map<(d0, d1) -> (0)>
module attributes {stable_mosaic.version = 14 : i64} {
  func.func @body(%arg0: i32, %arg1: i32, %arg2: memref<100000x32xf32, #tpu.memory_space<hbm>>, %arg3: memref<819200xi32, #tpu.memory_space<hbm>>, %arg4: memref<204800xi32, #tpu.memory_space<hbm>>, %arg5: memref<204800x32xf32, #tpu.memory_space<hbm>>, %arg6: memref<3200xi32, #tpu.memory_space<vmem>>, %arg7: memref<3200xi32, #tpu.memory_space<vmem>>, %arg8: memref<3200x32xf32, #tpu.memory_space<vmem>>, %arg9: memref<!tpu.dma_semaphore, #tpu.memory_space<semaphore_mem>>) attributes {dimension_semantics = [#tpu.dimension_semantics<core_parallel>, #tpu.dimension_semantics<subcore_parallel>], iteration_bounds = array<i64: 2, 16>, scalar_prefetch = 0 : i64, scratch_operands = 4 : i64, tpu.core_type = #tpu.core_type<sc_vector_subcore>, window_params = [{transform_indices = #map}, {transform_indices = #map1}, {transform_indices = #map1}, {transform_indices = #map}]} {
    %mul3A = arith.constant 2 : i32
    %mul3A_0 = arith.muli %arg1, %mul3A : i32
    %add3A = arith.addi %mul3A_0, %arg0 : i32
    %mul3A_1 = arith.constant 6400 : i32
    %mul3A_2 = arith.muli %add3A, %mul3A_1 : i32
    %scan3A = arith.constant 0 : i32
    %scan3A_3 = arith.constant 2 : i32
    %scan3A_4 = arith.addi %scan3A, %scan3A_3 : i32
    %scan3A_5 = arith.constant 1 : i32
    scf.for %scan3A_7 = %scan3A to %scan3A_4 step %scan3A_5  : i32 {
      %mul3A_8 = arith.constant 1 : i32
      %mul3A_9 = arith.muli %scan3A_7, %mul3A_8 : i32
      %add3A_10 = arith.constant 0 : i32
      %add3A_11 = arith.addi %add3A_10, %mul3A_9 : i32
      %mul3A_12 = arith.constant 3200 : i32
      %mul3A_13 = arith.muli %add3A_11, %mul3A_12 : i32
      %add3A_14 = arith.addi %mul3A_2, %mul3A_13 : i32
      "tpu.region"() ({
        %run_scoped3A = tpu.sem_alloc : memref<!tpu.dma_semaphore, #tpu.memory_space<semaphore_mem>>
        %dma_start3A_23 = tpu.memref_slice %arg4[%add3A_14] : memref<204800xi32, #tpu.memory_space<hbm>> -> memref<3200xi32, #tpu.memory_space<hbm>>
        %dma_start3A_24 = tpu.memref_slice %arg4[%add3A_14] : memref<204800xi32, #tpu.memory_space<hbm>> -> memref<3200xi32, #tpu.memory_space<hbm>>
        tpu.enqueue_dma source(%dma_start3A_24 : memref<3200xi32, #tpu.memory_space<hbm>>) target(%arg6 : memref<3200xi32, #tpu.memory_space<vmem>>) target_semaphore(%run_scoped3A : memref<!tpu.dma_semaphore, #tpu.memory_space<semaphore_mem>>)
        %dma_wait3A_25 = tpu.memref_slice %arg4[%add3A_14] : memref<204800xi32, #tpu.memory_space<hbm>> -> memref<3200xi32, #tpu.memory_space<hbm>>
        %dma_wait3A_26 = tpu.memref_slice %arg4[%add3A_14] : memref<204800xi32, #tpu.memory_space<hbm>> -> memref<3200xi32, #tpu.memory_space<hbm>>
        tpu.wait_dma2 semaphore(%run_scoped3A : memref<!tpu.dma_semaphore, #tpu.memory_space<semaphore_mem>>) src(%dma_wait3A_26 : memref<3200xi32, #tpu.memory_space<hbm>>) dst(%arg6 : memref<3200xi32, #tpu.memory_space<vmem>>)
        tpu.yield
      }) : () -> ()
      %dma_start3A = arith.constant 0 : i32
      %dma_start3A_15 = tpu.memref_slice %arg3[%dma_start3A] : memref<819200xi32, #tpu.memory_space<hbm>> -> memref<819200xi32, #tpu.memory_space<hbm>>
      tpu.enqueue_indirect_dma source(%dma_start3A_15 : memref<819200xi32, #tpu.memory_space<hbm>>) target(%arg7 : memref<3200xi32, #tpu.memory_space<vmem>>) offsets(%arg6 : memref<3200xi32, #tpu.memory_space<vmem>>) semaphore(%arg9 : memref<!tpu.dma_semaphore, #tpu.memory_space<semaphore_mem>>)
      %dma_wait3A = arith.constant 0 : i32
      %dma_wait3A_16 = tpu.memref_slice %arg3[%dma_wait3A] : memref<819200xi32, #tpu.memory_space<hbm>> -> memref<819200xi32, #tpu.memory_space<hbm>>
      tpu.wait_indirect_dma semaphore(%arg9 : memref<!tpu.dma_semaphore, #tpu.memory_space<semaphore_mem>>) src(%dma_wait3A_16 : memref<819200xi32, #tpu.memory_space<hbm>>) dst(%arg7 : memref<3200xi32, #tpu.memory_space<vmem>>)
      %dma_start3A_17 = arith.constant 0 : i32
      %dma_start3A_18 = arith.constant 0 : i32
      %dma_start3A_19 = tpu.memref_slice %arg2[%dma_start3A_17, %dma_start3A_18] : memref<100000x32xf32, #tpu.memory_space<hbm>> -> memref<100000x32xf32, #tpu.memory_space<hbm>>
      tpu.enqueue_indirect_dma source(%dma_start3A_19 : memref<100000x32xf32, #tpu.memory_space<hbm>>) target(%arg8 : memref<3200x32xf32, #tpu.memory_space<vmem>>) offsets(%arg7 : memref<3200xi32, #tpu.memory_space<vmem>>) semaphore(%arg9 : memref<!tpu.dma_semaphore, #tpu.memory_space<semaphore_mem>>)
      %dma_wait3A_20 = arith.constant 0 : i32
      %dma_wait3A_21 = arith.constant 0 : i32
      %dma_wait3A_22 = tpu.memref_slice %arg2[%dma_wait3A_20, %dma_wait3A_21] : memref<100000x32xf32, #tpu.memory_space<hbm>> -> memref<100000x32xf32, #tpu.memory_space<hbm>>
      tpu.wait_indirect_dma semaphore(%arg9 : memref<!tpu.dma_semaphore, #tpu.memory_space<semaphore_mem>>) src(%dma_wait3A_22 : memref<100000x32xf32, #tpu.memory_space<hbm>>) dst(%arg8 : memref<3200x32xf32, #tpu.memory_space<vmem>>)
      "tpu.region"() ({
        %run_scoped3A = tpu.sem_alloc : memref<!tpu.dma_semaphore, #tpu.memory_space<semaphore_mem>>
        %dma_start3A_23 = arith.constant 0 : i32
        %dma_start3A_24 = tpu.memref_slice %arg5[%add3A_14, %dma_start3A_23] : memref<204800x32xf32, #tpu.memory_space<hbm>> -> memref<3200x32xf32, #tpu.memory_space<hbm>>
        %dma_start3A_25 = arith.constant 0 : i32
        %dma_start3A_26 = tpu.memref_slice %arg5[%add3A_14, %dma_start3A_25] : memref<204800x32xf32, #tpu.memory_space<hbm>> -> memref<3200x32xf32, #tpu.memory_space<hbm>>
        tpu.enqueue_dma source(%arg8 : memref<3200x32xf32, #tpu.memory_space<vmem>>) target(%dma_start3A_26 : memref<3200x32xf32, #tpu.memory_space<hbm>>) target_semaphore(%run_scoped3A : memref<!tpu.dma_semaphore, #tpu.memory_space<semaphore_mem>>)
        %dma_wait3A_27 = arith.constant 0 : i32
        %dma_wait3A_28 = tpu.memref_slice %arg5[%add3A_14, %dma_wait3A_27] : memref<204800x32xf32, #tpu.memory_space<hbm>> -> memref<3200x32xf32, #tpu.memory_space<hbm>>
        %dma_wait3A_29 = arith.constant 0 : i32
        %dma_wait3A_30 = tpu.memref_slice %arg5[%add3A_14, %dma_wait3A_29] : memref<204800x32xf32, #tpu.memory_space<hbm>> -> memref<3200x32xf32, #tpu.memory_space<hbm>>
        tpu.wait_dma2 semaphore(%run_scoped3A : memref<!tpu.dma_semaphore, #tpu.memory_space<semaphore_mem>>) src(%arg8 : memref<3200x32xf32, #tpu.memory_space<vmem>>) dst(%dma_wait3A_30 : memref<3200x32xf32, #tpu.memory_space<hbm>>)
        tpu.yield
      }) : () -> ()
    }
    %scan3A_6 = arith.constant 2 : i32
    return
  }
}

#map = affine_map<(d0, d1) -> (0, 0)>
#map1 = affine_map<(d0, d1) -> (0)>
module attributes {stable_mosaic.version = 14 : i64} {
  func.func @body(%arg0: i32, %arg1: i32, %arg2: memref<100000x32xf32, #tpu.memory_space<hbm>>, %arg3: memref<819200xi32, #tpu.memory_space<hbm>>, %arg4: memref<204800xi32, #tpu.memory_space<hbm>>, %arg5: memref<204800x32xf32, #tpu.memory_space<hbm>>, %arg6: memref<3200xi32, #tpu.memory_space<vmem>>, %arg7: memref<3200xi32, #tpu.memory_space<vmem>>, %arg8: memref<3200x32xf32, #tpu.memory_space<vmem>>, %arg9: memref<!tpu.dma_semaphore, #tpu.memory_space<semaphore_mem>>) attributes {dimension_semantics = [#tpu.dimension_semantics<core_parallel>, #tpu.dimension_semantics<subcore_parallel>], iteration_bounds = array<i64: 2, 16>, scalar_prefetch = 0 : i64, scratch_operands = 4 : i64, tpu.core_type = #tpu.core_type<sc_vector_subcore>, window_params = [{transform_indices = #map}, {transform_indices = #map1}, {transform_indices = #map1}, {transform_indices = #map}]} {
    %mul3A = arith.constant 2 : i32
    %mul3A_0 = arith.muli %arg1, %mul3A : i32
    %add3A = arith.addi %mul3A_0, %arg0 : i32
    %mul3A_1 = arith.constant 6400 : i32
    %mul3A_2 = arith.muli %add3A, %mul3A_1 : i32
    %scan3A = arith.constant 0 : i32
    %scan3A_3 = arith.constant 2 : i32
    %scan3A_4 = arith.addi %scan3A, %scan3A_3 : i32
    %scan3A_5 = arith.constant 1 : i32
    scf.for %scan3A_7 = %scan3A to %scan3A_4 step %scan3A_5  : i32 {
      %mul3A_8 = arith.constant 1 : i32
      %mul3A_9 = arith.muli %scan3A_7, %mul3A_8 : i32
      %add3A_10 = arith.constant 0 : i32
      %add3A_11 = arith.addi %add3A_10, %mul3A_9 : i32
      %mul3A_12 = arith.constant 3200 : i32
      %mul3A_13 = arith.muli %add3A_11, %mul3A_12 : i32
      %add3A_14 = arith.addi %mul3A_2, %mul3A_13 : i32
      "tpu.region"() ({
        %run_scoped3A = tpu.sem_alloc : memref<!tpu.dma_semaphore, #tpu.memory_space<semaphore_mem>>
        %dma_start3A_23 = tpu.memref_slice %arg4[%add3A_14] : memref<204800xi32, #tpu.memory_space<hbm>> -> memref<3200xi32, #tpu.memory_space<hbm>>
        %dma_start3A_24 = tpu.memref_slice %arg4[%add3A_14] : memref<204800xi32, #tpu.memory_space<hbm>> -> memref<3200xi32, #tpu.memory_space<hbm>>
        tpu.enqueue_dma source(%dma_start3A_24 : memref<3200xi32, #tpu.memory_space<hbm>>) target(%arg6 : memref<3200xi32, #tpu.memory_space<vmem>>) target_semaphore(%run_scoped3A : memref<!tpu.dma_semaphore, #tpu.memory_space<semaphore_mem>>)
        %dma_wait3A_25 = tpu.memref_slice %arg4[%add3A_14] : memref<204800xi32, #tpu.memory_space<hbm>> -> memref<3200xi32, #tpu.memory_space<hbm>>
        %dma_wait3A_26 = tpu.memref_slice %arg4[%add3A_14] : memref<204800xi32, #tpu.memory_space<hbm>> -> memref<3200xi32, #tpu.memory_space<hbm>>
        tpu.wait_dma2 semaphore(%run_scoped3A : memref<!tpu.dma_semaphore, #tpu.memory_space<semaphore_mem>>) src(%dma_wait3A_26 : memref<3200xi32, #tpu.memory_space<hbm>>) dst(%arg6 : memref<3200xi32, #tpu.memory_space<vmem>>)
        tpu.yield
      }) : () -> ()
      %dma_start3A = arith.constant 0 : i32
      %dma_start3A_15 = tpu.memref_slice %arg3[%dma_start3A] : memref<819200xi32, #tpu.memory_space<hbm>> -> memref<819200xi32, #tpu.memory_space<hbm>>
      tpu.enqueue_indirect_dma source(%dma_start3A_15 : memref<819200xi32, #tpu.memory_space<hbm>>) target(%arg7 : memref<3200xi32, #tpu.memory_space<vmem>>) offsets(%arg6 : memref<3200xi32, #tpu.memory_space<vmem>>) semaphore(%arg9 : memref<!tpu.dma_semaphore, #tpu.memory_space<semaphore_mem>>)
      %dma_wait3A = arith.constant 0 : i32
      %dma_wait3A_16 = tpu.memref_slice %arg3[%dma_wait3A] : memref<819200xi32, #tpu.memory_space<hbm>> -> memref<819200xi32, #tpu.memory_space<hbm>>
      tpu.wait_indirect_dma semaphore(%arg9 : memref<!tpu.dma_semaphore, #tpu.memory_space<semaphore_mem>>) src(%dma_wait3A_16 : memref<819200xi32, #tpu.memory_space<hbm>>) dst(%arg7 : memref<3200xi32, #tpu.memory_space<vmem>>)
      %dma_start3A_17 = arith.constant 0 : i32
      %dma_start3A_18 = arith.constant 0 : i32
      %dma_start3A_19 = tpu.memref_slice %arg2[%dma_start3A_17, %dma_start3A_18] : memref<100000x32xf32, #tpu.memory_space<hbm>> -> memref<100000x32xf32, #tpu.memory_space<hbm>>
      tpu.enqueue_indirect_dma source(%dma_start3A_19 : memref<100000x32xf32, #tpu.memory_space<hbm>>) target(%arg8 : memref<3200x32xf32, #tpu.memory_space<vmem>>) offsets(%arg7 : memref<3200xi32, #tpu.memory_space<vmem>>) semaphore(%arg9 : memref<!tpu.dma_semaphore, #tpu.memory_space<semaphore_mem>>)
      %dma_wait3A_20 = arith.constant 0 : i32
      %dma_wait3A_21 = arith.constant 0 : i32
      %dma_wait3A_22 = tpu.memref_slice %arg2[%dma_wait3A_20, %dma_wait3A_21] : memref<100000x32xf32, #tpu.memory_space<hbm>> -> memref<100000x32xf32, #tpu.memory_space<hbm>>
      tpu.wait_indirect_dma semaphore(%arg9 : memref<!tpu.dma_semaphore, #tpu.memory_space<semaphore_mem>>) src(%dma_wait3A_22 : memref<100000x32xf32, #tpu.memory_space<hbm>>) dst(%arg8 : memref<3200x32xf32, #tpu.memory_space<vmem>>)
      "tpu.region"() ({
        %run_scoped3A = tpu.sem_alloc : memref<!tpu.dma_semaphore, #tpu.memory_space<semaphore_mem>>
        %dma_start3A_23 = arith.constant 0 : i32
        %dma_start3A_24 = tpu.memref_slice %arg5[%add3A_14, %dma_start3A_23] : memref<204800x32xf32, #tpu.memory_space<hbm>> -> memref<3200x32xf32, #tpu.memory_space<hbm>>
        %dma_start3A_25 = arith.constant 0 : i32
        %dma_start3A_26 = tpu.memref_slice %arg5[%add3A_14, %dma_start3A_25] : memref<204800x32xf32, #tpu.memory_space<hbm>> -> memref<3200x32xf32, #tpu.memory_space<hbm>>
        tpu.enqueue_dma source(%arg8 : memref<3200x32xf32, #tpu.memory_space<vmem>>) target(%dma_start3A_26 : memref<3200x32xf32, #tpu.memory_space<hbm>>) target_semaphore(%run_scoped3A : memref<!tpu.dma_semaphore, #tpu.memory_space<semaphore_mem>>)
        %dma_wait3A_27 = arith.constant 0 : i32
        %dma_wait3A_28 = tpu.memref_slice %arg5[%add3A_14, %dma_wait3A_27] : memref<204800x32xf32, #tpu.memory_space<hbm>> -> memref<3200x32xf32, #tpu.memory_space<hbm>>
        %dma_wait3A_29 = arith.constant 0 : i32
        %dma_wait3A_30 = tpu.memref_slice %arg5[%add3A_14, %dma_wait3A_29] : memref<204800x32xf32, #tpu.memory_space<hbm>> -> memref<3200x32xf32, #tpu.memory_space<hbm>>
        tpu.wait_dma2 semaphore(%run_scoped3A : memref<!tpu.dma_semaphore, #tpu.memory_space<semaphore_mem>>) src(%arg8 : memref<3200x32xf32, #tpu.memory_space<vmem>>) dst(%dma_wait3A_30 : memref<3200x32xf32, #tpu.memory_space<hbm>>)
        tpu.yield
      }) : () -> ()
    }
    %scan3A_6 = arith.constant 2 : i32
    return
  }
}

module attributes {stable_mosaic.version = 14 : i64} {
  func.func @_tc_body(%arg0: i32, %arg1: memref<1x1x4096xi32, #tpu.memory_space<vmem>>, %arg2: memref<1x1x4096xi32, #tpu.memory_space<vmem>>, %arg3: memref<1x1x4096xi32, #tpu.memory_space<vmem>>, %arg4: memref<1x1x4096xi32, #tpu.memory_space<vmem>>, %arg5: memref<1x1x4096xf32, #tpu.memory_space<vmem>>, %arg6: memref<1x1x4096xf32, #tpu.memory_space<vmem>>, %arg7: memref<1x1x4096xf32, #tpu.memory_space<vmem>>, %arg8: memref<1x1x4096xf32, #tpu.memory_space<vmem>>, %arg9: memref<1024x128xf32, #tpu.memory_space<vmem>>, %arg10: memref<128x256xf32, #tpu.memory_space<vmem>>, %arg11: memref<41x64xf32, #tpu.memory_space<vmem>>, %arg12: memref<8x1xf32, #tpu.memory_space<vmem>>, %arg13: memref<64x2xf32, #tpu.memory_space<vmem>>, %arg14: memref<1x64x4096xf32, #tpu.memory_space<vmem>>) attributes {dimension_semantics = [#tpu.dimension_semantics<arbitrary>], iteration_bounds = array<i64: 50>, scalar_prefetch = 0 : i64, scratch_operands = 0 : i64, tpu.core_type = #tpu.core_type<tc>, window_params = [{transform_indices = @transform_0, window_bounds = array<i64: 1, 1, 4096>}, {transform_indices = @transform_1, window_bounds = array<i64: 1, 1, 4096>}, {transform_indices = @transform_2, window_bounds = array<i64: 1, 1, 4096>}, {transform_indices = @transform_3, window_bounds = array<i64: 1, 1, 4096>}, {transform_indices = @transform_4, window_bounds = array<i64: 1, 1, 4096>}, {transform_indices = @transform_5, window_bounds = array<i64: 1, 1, 4096>}, {transform_indices = @transform_6, window_bounds = array<i64: 1, 1, 4096>}, {transform_indices = @transform_7, window_bounds = array<i64: 1, 1, 4096>}, {transform_indices = @transform_8, window_bounds = array<i64: 1024, 128>}, {pipeline_mode = #tpu.pipeline_mode<synchronous>, transform_indices = @transform_9, window_bounds = array<i64: 128, 256>}, {pipeline_mode = #tpu.pipeline_mode<synchronous>, transform_indices = @transform_10, window_bounds = array<i64: 41, 64>}, {pipeline_mode = #tpu.pipeline_mode<synchronous>, transform_indices = @transform_11, window_bounds = array<i64: 8, 1>}, {pipeline_mode = #tpu.pipeline_mode<synchronous>, transform_indices = @transform_12, window_bounds = array<i64: 64, 2>}, {transform_indices = @transform_13, window_bounds = array<i64: 1, 64, 4096>}]} {
    %get3A = arith.constant 0 : index
    %get3A_0 = arith.constant 0 : index
    %get3A_1 = arith.constant 0 : index
    %get3A_2 = vector.load %arg1[%get3A, %get3A_0, %get3A_1] : memref<1x1x4096xi32, #tpu.memory_space<vmem>>, vector<1x1x4096xi32>
    %get3A_3 = vector.shape_cast %get3A_2 : vector<1x1x4096xi32> to vector<1x4096xi32>
    %get3A_4 = arith.constant 0 : index
    %get3A_5 = arith.constant 0 : index
    %get3A_6 = arith.constant 0 : index
    %get3A_7 = vector.load %arg2[%get3A_4, %get3A_5, %get3A_6] : memref<1x1x4096xi32, #tpu.memory_space<vmem>>, vector<1x1x4096xi32>
    %get3A_8 = vector.shape_cast %get3A_7 : vector<1x1x4096xi32> to vector<1x4096xi32>
    %get3A_9 = arith.constant 0 : index
    %get3A_10 = arith.constant 0 : index
    %get3A_11 = arith.constant 0 : index
    %get3A_12 = vector.load %arg3[%get3A_9, %get3A_10, %get3A_11] : memref<1x1x4096xi32, #tpu.memory_space<vmem>>, vector<1x1x4096xi32>
    %get3A_13 = vector.shape_cast %get3A_12 : vector<1x1x4096xi32> to vector<1x4096xi32>
    %get3A_14 = arith.constant 0 : index
    %get3A_15 = arith.constant 0 : index
    %get3A_16 = arith.constant 0 : index
    %get3A_17 = vector.load %arg4[%get3A_14, %get3A_15, %get3A_16] : memref<1x1x4096xi32, #tpu.memory_space<vmem>>, vector<1x1x4096xi32>
    %get3A_18 = vector.shape_cast %get3A_17 : vector<1x1x4096xi32> to vector<1x4096xi32>
    %iota3A = tpu.iota {dimensions = array<i32: 0>} : vector<20x4096xi32>
    %eq3A = vector.broadcast %get3A_3 : vector<1x4096xi32> to vector<20x4096xi32>
    %eq3A_19 = arith.cmpi eq, %iota3A, %eq3A : vector<20x4096xi32>
    %add3A = arith.constant 6 : i32
    %add3A_20 = vector.broadcast %add3A : i32 to vector<1x4096xi32>
    %add3A_21 = arith.addi %get3A_8, %add3A_20 : vector<1x4096xi32>
    %eq3A_22 = vector.broadcast %add3A_21 : vector<1x4096xi32> to vector<20x4096xi32>
    %eq3A_23 = arith.cmpi eq, %iota3A, %eq3A_22 : vector<20x4096xi32>
    %or3A = arith.ori %eq3A_19, %eq3A_23 : vector<20x4096xi1>
    %add3A_24 = arith.constant 14 : i32
    %add3A_25 = vector.broadcast %add3A_24 : i32 to vector<1x4096xi32>
    %add3A_26 = arith.addi %get3A_13, %add3A_25 : vector<1x4096xi32>
    %eq3A_27 = vector.broadcast %add3A_26 : vector<1x4096xi32> to vector<20x4096xi32>
    %eq3A_28 = arith.cmpi eq, %iota3A, %eq3A_27 : vector<20x4096xi32>
    %or3A_29 = arith.ori %or3A, %eq3A_28 : vector<20x4096xi1>
    %convert_element_type3A = arith.extui %or3A_29 : vector<20x4096xi1> to vector<20x4096xi32>
    %convert_element_type3A_30 = arith.sitofp %convert_element_type3A : vector<20x4096xi32> to vector<20x4096xf32>
    %abs3A = math.absi %get3A_18 : vector<1x4096xi32>
    %jit3A = arith.constant 0 : i32
    %jit3A_31 = arith.constant 364 : i32
    %max3A = vector.broadcast %jit3A : i32 to vector<1x4096xi32>
    %max3A_32 = arith.maxsi %max3A, %abs3A : vector<1x4096xi32>
    %min3A = vector.broadcast %jit3A_31 : i32 to vector<1x4096xi32>
    %min3A_33 = arith.minsi %min3A, %max3A_32 : vector<1x4096xi32>
    %convert_element_type3A_34 = arith.sitofp %min3A_33 : vector<1x4096xi32> to vector<1x4096xf32>
    %get3A_35 = arith.constant 0 : index
    %get3A_36 = arith.constant 0 : index
    %get3A_37 = vector.load %arg12[%get3A_35, %get3A_36] : memref<8x1xf32, #tpu.memory_space<vmem>>, vector<8x1xf32>
    %mul3A = vector.broadcast %get3A_37 : vector<8x1xf32> to vector<8x4096xf32>
    %mul3A_38 = vector.broadcast %convert_element_type3A_34 : vector<1x4096xf32> to vector<8x4096xf32>
    %mul3A_39 = arith.mulf %mul3A, %mul3A_38 : vector<8x4096xf32>
    %mul3A_40 = arith.constant 0.159154937 : f32
    %mul3A_41 = vector.broadcast %mul3A_40 : f32 to vector<8x4096xf32>
    %mul3A_42 = arith.mulf %mul3A_39, %mul3A_41 : vector<8x4096xf32>
    %add3A_43 = arith.constant 5.000000e-01 : f32
    %add3A_44 = vector.broadcast %add3A_43 : f32 to vector<8x4096xf32>
    %add3A_45 = arith.addf %mul3A_42, %add3A_44 : vector<8x4096xf32>
    %convert_element_type3A_46 = arith.fptosi %add3A_45 : vector<8x4096xf32> to vector<8x4096xi32>
    %convert_element_type3A_47 = arith.sitofp %convert_element_type3A_46 : vector<8x4096xi32> to vector<8x4096xf32>
    %mul3A_48 = arith.constant 6.281250e+00 : f32
    %mul3A_49 = vector.broadcast %mul3A_48 : f32 to vector<8x4096xf32>
    %mul3A_50 = arith.mulf %convert_element_type3A_47, %mul3A_49 : vector<8x4096xf32>
    %sub3A = arith.subf %mul3A_39, %mul3A_50 : vector<8x4096xf32>
    %mul3A_51 = arith.constant 0.00193530717 : f32
    %mul3A_52 = vector.broadcast %mul3A_51 : f32 to vector<8x4096xf32>
    %mul3A_53 = arith.mulf %convert_element_type3A_47, %mul3A_52 : vector<8x4096xf32>
    %sub3A_54 = arith.subf %sub3A, %mul3A_53 : vector<8x4096xf32>
    %mul3A_55 = arith.mulf %sub3A_54, %sub3A_54 : vector<8x4096xf32>
    %mul3A_56 = arith.constant 2.173210e-06 : f32
    %mul3A_57 = vector.broadcast %mul3A_56 : f32 to vector<8x4096xf32>
    %mul3A_58 = arith.mulf %mul3A_55, %mul3A_57 : vector<8x4096xf32>
    %add3A_59 = arith.constant -1.93161817E-4 : f32
    %add3A_60 = vector.broadcast %add3A_59 : f32 to vector<8x4096xf32>
    %add3A_61 = arith.addf %add3A_60, %mul3A_58 : vector<8x4096xf32>
    %mul3A_62 = arith.mulf %mul3A_55, %add3A_61 : vector<8x4096xf32>
    %add3A_63 = arith.constant 0.00831238274 : f32
    %add3A_64 = vector.broadcast %add3A_63 : f32 to vector<8x4096xf32>
    %add3A_65 = arith.addf %add3A_64, %mul3A_62 : vector<8x4096xf32>
    %mul3A_66 = arith.mulf %mul3A_55, %add3A_65 : vector<8x4096xf32>
    %add3A_67 = arith.constant -0.166632578 : f32
    %add3A_68 = vector.broadcast %add3A_67 : f32 to vector<8x4096xf32>
    %add3A_69 = arith.addf %add3A_68, %mul3A_66 : vector<8x4096xf32>
    %mul3A_70 = arith.mulf %mul3A_55, %add3A_69 : vector<8x4096xf32>
    %add3A_71 = arith.constant 0.999984562 : f32
    %add3A_72 = vector.broadcast %add3A_71 : f32 to vector<8x4096xf32>
    %add3A_73 = arith.addf %add3A_72, %mul3A_70 : vector<8x4096xf32>
    %mul3A_74 = arith.mulf %sub3A_54, %add3A_73 : vector<8x4096xf32>
    %mul3A_75 = arith.constant -2.21936943E-7 : f32
    %mul3A_76 = vector.broadcast %mul3A_75 : f32 to vector<8x4096xf32>
    %mul3A_77 = arith.mulf %mul3A_55, %mul3A_76 : vector<8x4096xf32>
    %add3A_78 = arith.constant 2.42531387E-5 : f32
    %add3A_79 = vector.broadcast %add3A_78 : f32 to vector<8x4096xf32>
    %add3A_80 = arith.addf %add3A_79, %mul3A_77 : vector<8x4096xf32>
    %mul3A_81 = arith.mulf %mul3A_55, %add3A_80 : vector<8x4096xf32>
    %add3A_82 = arith.constant -0.00138627435 : f32
    %add3A_83 = vector.broadcast %add3A_82 : f32 to vector<8x4096xf32>
    %add3A_84 = arith.addf %add3A_83, %mul3A_81 : vector<8x4096xf32>
    %mul3A_85 = arith.mulf %mul3A_55, %add3A_84 : vector<8x4096xf32>
    %add3A_86 = arith.constant 0.0416610315 : f32
    %add3A_87 = vector.broadcast %add3A_86 : f32 to vector<8x4096xf32>
    %add3A_88 = arith.addf %add3A_87, %mul3A_85 : vector<8x4096xf32>
    %mul3A_89 = arith.mulf %mul3A_55, %add3A_88 : vector<8x4096xf32>
    %add3A_90 = arith.constant -0.499995589 : f32
    %add3A_91 = vector.broadcast %add3A_90 : f32 to vector<8x4096xf32>
    %add3A_92 = arith.addf %add3A_91, %mul3A_89 : vector<8x4096xf32>
    %mul3A_93 = arith.mulf %mul3A_55, %add3A_92 : vector<8x4096xf32>
    %add3A_94 = arith.constant 0.999999463 : f32
    %add3A_95 = vector.broadcast %add3A_94 : f32 to vector<8x4096xf32>
    %add3A_96 = arith.addf %add3A_95, %mul3A_93 : vector<8x4096xf32>
    %get3A_97 = arith.constant 0 : index
    %get3A_98 = arith.constant 0 : index
    %get3A_99 = arith.constant 0 : index
    %get3A_100 = vector.load %arg5[%get3A_97, %get3A_98, %get3A_99] : memref<1x1x4096xf32, #tpu.memory_space<vmem>>, vector<1x1x4096xf32>
    %get3A_101 = vector.shape_cast %get3A_100 : vector<1x1x4096xf32> to vector<1x4096xf32>
    %get3A_102 = arith.constant 0 : index
    %get3A_103 = arith.constant 0 : index
    %get3A_104 = arith.constant 0 : index
    %get3A_105 = vector.load %arg6[%get3A_102, %get3A_103, %get3A_104] : memref<1x1x4096xf32, #tpu.memory_space<vmem>>, vector<1x1x4096xf32>
    %get3A_106 = vector.shape_cast %get3A_105 : vector<1x1x4096xf32> to vector<1x4096xf32>
    %get3A_107 = arith.constant 0 : index
    %get3A_108 = arith.constant 0 : index
    %get3A_109 = arith.constant 0 : index
    %get3A_110 = vector.load %arg7[%get3A_107, %get3A_108, %get3A_109] : memref<1x1x4096xf32, #tpu.memory_space<vmem>>, vector<1x1x4096xf32>
    %get3A_111 = vector.shape_cast %get3A_110 : vector<1x1x4096xf32> to vector<1x4096xf32>
    %get3A_112 = arith.constant 0 : index
    %get3A_113 = arith.constant 0 : index
    %get3A_114 = arith.constant 0 : index
    %get3A_115 = vector.load %arg8[%get3A_112, %get3A_113, %get3A_114] : memref<1x1x4096xf32, #tpu.memory_space<vmem>>, vector<1x1x4096xf32>
    %get3A_116 = vector.shape_cast %get3A_115 : vector<1x1x4096xf32> to vector<1x4096xf32>
    %concatenate3A = tpu.concatenate %get3A_101, %get3A_106, %get3A_111, %get3A_116 in 0 : vector<1x4096xf32>, vector<1x4096xf32>, vector<1x4096xf32>, vector<1x4096xf32> -> vector<4x4096xf32>
    %broadcast_in_dim3A = arith.constant 1.000000e+00 : f32
    %broadcast_in_dim3A_117 = vector.broadcast %broadcast_in_dim3A : f32 to vector<1x4096xf32>
    %concatenate3A_118 = tpu.concatenate %convert_element_type3A_30, %mul3A_74, %add3A_96, %concatenate3A, %broadcast_in_dim3A_117 in 0 : vector<20x4096xf32>, vector<8x4096xf32>, vector<8x4096xf32>, vector<4x4096xf32>, vector<1x4096xf32> -> vector<41x4096xf32>
    %get3A_119 = arith.constant 0 : index
    %get3A_120 = arith.constant 0 : index
    %get3A_121 = vector.load %arg11[%get3A_119, %get3A_120] : memref<41x64xf32, #tpu.memory_space<vmem>>, vector<41x64xf32>
    %dot_general3A = arith.constant dense<0.000000e+00> : vector<64x4096xf32>
    %dot_general3A_122 = tpu.matmul %get3A_121, %concatenate3A_118, %dot_general3A {dimension_numbers = #tpu.dot_dimension_numbers<[0], [0], [1], [1], [0, 1, 1, 1], [], []>, transpose_lhs_hint = false} : vector<41x64xf32>, vector<41x4096xf32>, vector<64x4096xf32> -> vector<64x4096xf32>
    %get3A_123 = arith.constant 0 : index
    %get3A_124 = arith.constant 0 : index
    %get3A_125 = vector.load %arg9[%get3A_123, %get3A_124] : memref<1024x128xf32, #tpu.memory_space<vmem>>, vector<1024x128xf32>
    %transpose3A = tpu.transpose %get3A_125, [1, 0] : vector<1024x128xf32> -> vector<128x1024xf32>
    %get3A_126 = arith.constant 0 : index
    %get3A_127 = arith.constant 0 : index
    %get3A_128 = vector.load %arg10[%get3A_126, %get3A_127] : memref<128x256xf32, #tpu.memory_space<vmem>>, vector<128x256xf32>
    %dot_general3A_129 = arith.constant dense<0.000000e+00> : vector<256x1024xf32>
    %dot_general3A_130 = tpu.matmul %get3A_128, %transpose3A, %dot_general3A_129 {dimension_numbers = #tpu.dot_dimension_numbers<[0], [0], [1], [1], [0, 1, 1, 1], [], []>, transpose_lhs_hint = false} : vector<128x256xf32>, vector<128x1024xf32>, vector<256x1024xf32> -> vector<256x1024xf32>
    %get3A_131 = arith.constant 0 : index
    %get3A_132 = arith.constant 0 : index
    %get3A_133 = vector.load %arg13[%get3A_131, %get3A_132] : memref<64x2xf32, #tpu.memory_space<vmem>>, vector<64x1xf32>
    %get3A_134 = arith.constant 0 : index
    %get3A_135 = arith.constant 1 : index
    %get3A_136 = vector.load %arg13[%get3A_134, %get3A_135] : memref<64x2xf32, #tpu.memory_space<vmem>>, vector<64x1xf32>
    %broadcast_in_dim3A_137 = arith.constant 1.000000e+00 : f32
    %broadcast_in_dim3A_138 = vector.broadcast %broadcast_in_dim3A_137 : f32 to vector<1x64xf32>
    %slice3A = vector.extract_strided_slice %dot_general3A_122 {offsets = [0, 0], sizes = [64, 1024], strides = [1, 1]} : vector<64x4096xf32> to vector<64x1024xf32>
    %slice3A_139 = vector.extract_strided_slice %dot_general3A_130 {offsets = [0, 0], sizes = [64, 1024], strides = [1, 1]} : vector<256x1024xf32> to vector<64x1024xf32>
    %add3A_140 = arith.addf %slice3A, %slice3A_139 : vector<64x1024xf32>
    %mul3A_141 = arith.mulf %add3A_140, %add3A_140 : vector<64x1024xf32>
    %dot_general3A_142 = arith.constant dense<0.000000e+00> : vector<1x1024xf32>
    %dot_general3A_143 = tpu.matmul %broadcast_in_dim3A_138, %mul3A_141, %dot_general3A_142 {dimension_numbers = #tpu.dot_dimension_numbers<[1], [0], [0], [1], [0, 0, 1, 1], [], []>, transpose_lhs_hint = false} : vector<1x64xf32>, vector<64x1024xf32>, vector<1x1024xf32> -> vector<1x1024xf32>
    %mul3A_144 = arith.constant 1.562500e-02 : f32
    %mul3A_145 = vector.broadcast %mul3A_144 : f32 to vector<1x1024xf32>
    %mul3A_146 = arith.mulf %dot_general3A_143, %mul3A_145 : vector<1x1024xf32>
    %add3A_147 = arith.constant 9.99999974E-6 : f32
    %add3A_148 = vector.broadcast %add3A_147 : f32 to vector<1x1024xf32>
    %add3A_149 = arith.addf %mul3A_146, %add3A_148 : vector<1x1024xf32>
    %rsqrt3A = math.rsqrt %add3A_149 : vector<1x1024xf32>
    %mul3A_150 = vector.broadcast %rsqrt3A : vector<1x1024xf32> to vector<64x1024xf32>
    %mul3A_151 = arith.mulf %add3A_140, %mul3A_150 : vector<64x1024xf32>
    %mul3A_152 = vector.broadcast %get3A_133 : vector<64x1xf32> to vector<64x1024xf32>
    %mul3A_153 = arith.mulf %mul3A_151, %mul3A_152 : vector<64x1024xf32>
    %add3A_154 = vector.broadcast %get3A_136 : vector<64x1xf32> to vector<64x1024xf32>
    %add3A_155 = arith.addf %mul3A_153, %add3A_154 : vector<64x1024xf32>
    %swap3A = arith.constant 0 : index
    %swap3A_156 = arith.constant 0 : index
    %swap3A_157 = arith.constant 0 : index
    %swap3A_158 = vector.load %arg14[%swap3A, %swap3A_156, %swap3A_157] : memref<1x64x4096xf32, #tpu.memory_space<vmem>>, vector<1x64x1024xf32>
    %swap3A_159 = vector.shape_cast %swap3A_158 : vector<1x64x1024xf32> to vector<64x1024xf32>
    %swap3A_160 = vector.shape_cast %add3A_155 : vector<64x1024xf32> to vector<1x64x1024xf32>
    tpu.vector_store %arg14[%swap3A, %swap3A_156, %swap3A_157], %swap3A_160 {strides = array<i32>} : memref<1x64x4096xf32, #tpu.memory_space<vmem>>, vector<1x64x1024xf32>,
    %slice3A_161 = vector.extract_strided_slice %dot_general3A_122 {offsets = [0, 1024], sizes = [64, 1024], strides = [1, 1]} : vector<64x4096xf32> to vector<64x1024xf32>
    %slice3A_162 = vector.extract_strided_slice %dot_general3A_130 {offsets = [64, 0], sizes = [64, 1024], strides = [1, 1]} : vector<256x1024xf32> to vector<64x1024xf32>
    %add3A_163 = arith.addf %slice3A_161, %slice3A_162 : vector<64x1024xf32>
    %mul3A_164 = arith.mulf %add3A_163, %add3A_163 : vector<64x1024xf32>
    %dot_general3A_165 = arith.constant dense<0.000000e+00> : vector<1x1024xf32>
    %dot_general3A_166 = tpu.matmul %broadcast_in_dim3A_138, %mul3A_164, %dot_general3A_165 {dimension_numbers = #tpu.dot_dimension_numbers<[1], [0], [0], [1], [0, 0, 1, 1], [], []>, transpose_lhs_hint = false} : vector<1x64xf32>, vector<64x1024xf32>, vector<1x1024xf32> -> vector<1x1024xf32>
    %mul3A_167 = arith.constant 1.562500e-02 : f32
    %mul3A_168 = vector.broadcast %mul3A_167 : f32 to vector<1x1024xf32>
    %mul3A_169 = arith.mulf %dot_general3A_166, %mul3A_168 : vector<1x1024xf32>
    %add3A_170 = arith.constant 9.99999974E-6 : f32
    %add3A_171 = vector.broadcast %add3A_170 : f32 to vector<1x1024xf32>
    %add3A_172 = arith.addf %mul3A_169, %add3A_171 : vector<1x1024xf32>
    %rsqrt3A_173 = math.rsqrt %add3A_172 : vector<1x1024xf32>
    %mul3A_174 = vector.broadcast %rsqrt3A_173 : vector<1x1024xf32> to vector<64x1024xf32>
    %mul3A_175 = arith.mulf %add3A_163, %mul3A_174 : vector<64x1024xf32>
    %mul3A_176 = vector.broadcast %get3A_133 : vector<64x1xf32> to vector<64x1024xf32>
    %mul3A_177 = arith.mulf %mul3A_175, %mul3A_176 : vector<64x1024xf32>
    %add3A_178 = vector.broadcast %get3A_136 : vector<64x1xf32> to vector<64x1024xf32>
    %add3A_179 = arith.addf %mul3A_177, %add3A_178 : vector<64x1024xf32>
    %swap3A_180 = arith.constant 0 : index
    %swap3A_181 = arith.constant 0 : index
    %swap3A_182 = arith.constant 1024 : index
    %swap3A_183 = vector.load %arg14[%swap3A_180, %swap3A_181, %swap3A_182] : memref<1x64x4096xf32, #tpu.memory_space<vmem>>, vector<1x64x1024xf32>
    %swap3A_184 = vector.shape_cast %swap3A_183 : vector<1x64x1024xf32> to vector<64x1024xf32>
    %swap3A_185 = vector.shape_cast %add3A_179 : vector<64x1024xf32> to vector<1x64x1024xf32>
    tpu.vector_store %arg14[%swap3A_180, %swap3A_181, %swap3A_182], %swap3A_185 {strides = array<i32>} : memref<1x64x4096xf32, #tpu.memory_space<vmem>>, vector<1x64x1024xf32>,
    %slice3A_186 = vector.extract_strided_slice %dot_general3A_122 {offsets = [0, 2048], sizes = [64, 1024], strides = [1, 1]} : vector<64x4096xf32> to vector<64x1024xf32>
    %slice3A_187 = vector.extract_strided_slice %dot_general3A_130 {offsets = [128, 0], sizes = [64, 1024], strides = [1, 1]} : vector<256x1024xf32> to vector<64x1024xf32>
    %add3A_188 = arith.addf %slice3A_186, %slice3A_187 : vector<64x1024xf32>
    %mul3A_189 = arith.mulf %add3A_188, %add3A_188 : vector<64x1024xf32>
    %dot_general3A_190 = arith.constant dense<0.000000e+00> : vector<1x1024xf32>
    %dot_general3A_191 = tpu.matmul %broadcast_in_dim3A_138, %mul3A_189, %dot_general3A_190 {dimension_numbers = #tpu.dot_dimension_numbers<[1], [0], [0], [1], [0, 0, 1, 1], [], []>, transpose_lhs_hint = false} : vector<1x64xf32>, vector<64x1024xf32>, vector<1x1024xf32> -> vector<1x1024xf32>
    %mul3A_192 = arith.constant 1.562500e-02 : f32
    %mul3A_193 = vector.broadcast %mul3A_192 : f32 to vector<1x1024xf32>
    %mul3A_194 = arith.mulf %dot_general3A_191, %mul3A_193 : vector<1x1024xf32>
    %add3A_195 = arith.constant 9.99999974E-6 : f32
    %add3A_196 = vector.broadcast %add3A_195 : f32 to vector<1x1024xf32>
    %add3A_197 = arith.addf %mul3A_194, %add3A_196 : vector<1x1024xf32>
    %rsqrt3A_198 = math.rsqrt %add3A_197 : vector<1x1024xf32>
    %mul3A_199 = vector.broadcast %rsqrt3A_198 : vector<1x1024xf32> to vector<64x1024xf32>
    %mul3A_200 = arith.mulf %add3A_188, %mul3A_199 : vector<64x1024xf32>
    %mul3A_201 = vector.broadcast %get3A_133 : vector<64x1xf32> to vector<64x1024xf32>
    %mul3A_202 = arith.mulf %mul3A_200, %mul3A_201 : vector<64x1024xf32>
    %add3A_203 = vector.broadcast %get3A_136 : vector<64x1xf32> to vector<64x1024xf32>
    %add3A_204 = arith.addf %mul3A_202, %add3A_203 : vector<64x1024xf32>
    %swap3A_205 = arith.constant 0 : index
    %swap3A_206 = arith.constant 0 : index
    %swap3A_207 = arith.constant 2048 : index
    %swap3A_208 = vector.load %arg14[%swap3A_205, %swap3A_206, %swap3A_207] : memref<1x64x4096xf32, #tpu.memory_space<vmem>>, vector<1x64x1024xf32>
    %swap3A_209 = vector.shape_cast %swap3A_208 : vector<1x64x1024xf32> to vector<64x1024xf32>
    %swap3A_210 = vector.shape_cast %add3A_204 : vector<64x1024xf32> to vector<1x64x1024xf32>
    tpu.vector_store %arg14[%swap3A_205, %swap3A_206, %swap3A_207], %swap3A_210 {strides = array<i32>} : memref<1x64x4096xf32, #tpu.memory_space<vmem>>, vector<1x64x1024xf32>,
    %slice3A_211 = vector.extract_strided_slice %dot_general3A_122 {offsets = [0, 3072], sizes = [64, 1024], strides = [1, 1]} : vector<64x4096xf32> to vector<64x1024xf32>
    %slice3A_212 = vector.extract_strided_slice %dot_general3A_130 {offsets = [192, 0], sizes = [64, 1024], strides = [1, 1]} : vector<256x1024xf32> to vector<64x1024xf32>
    %add3A_213 = arith.addf %slice3A_211, %slice3A_212 : vector<64x1024xf32>
    %mul3A_214 = arith.mulf %add3A_213, %add3A_213 : vector<64x1024xf32>
    %dot_general3A_215 = arith.constant dense<0.000000e+00> : vector<1x1024xf32>
    %dot_general3A_216 = tpu.matmul %broadcast_in_dim3A_138, %mul3A_214, %dot_general3A_215 {dimension_numbers = #tpu.dot_dimension_numbers<[1], [0], [0], [1], [0, 0, 1, 1], [], []>, transpose_lhs_hint = false} : vector<1x64xf32>, vector<64x1024xf32>, vector<1x1024xf32> -> vector<1x1024xf32>
    %mul3A_217 = arith.constant 1.562500e-02 : f32
    %mul3A_218 = vector.broadcast %mul3A_217 : f32 to vector<1x1024xf32>
    %mul3A_219 = arith.mulf %dot_general3A_216, %mul3A_218 : vector<1x1024xf32>
    %add3A_220 = arith.constant 9.99999974E-6 : f32
    %add3A_221 = vector.broadcast %add3A_220 : f32 to vector<1x1024xf32>
    %add3A_222 = arith.addf %mul3A_219, %add3A_221 : vector<1x1024xf32>
    %rsqrt3A_223 = math.rsqrt %add3A_222 : vector<1x1024xf32>
    %mul3A_224 = vector.broadcast %rsqrt3A_223 : vector<1x1024xf32> to vector<64x1024xf32>
    %mul3A_225 = arith.mulf %add3A_213, %mul3A_224 : vector<64x1024xf32>
    %mul3A_226 = vector.broadcast %get3A_133 : vector<64x1xf32> to vector<64x1024xf32>
    %mul3A_227 = arith.mulf %mul3A_225, %mul3A_226 : vector<64x1024xf32>
    %add3A_228 = vector.broadcast %get3A_136 : vector<64x1xf32> to vector<64x1024xf32>
    %add3A_229 = arith.addf %mul3A_227, %add3A_228 : vector<64x1024xf32>
    %swap3A_230 = arith.constant 0 : index
    %swap3A_231 = arith.constant 0 : index
    %swap3A_232 = arith.constant 3072 : index
    %swap3A_233 = vector.load %arg14[%swap3A_230, %swap3A_231, %swap3A_232] : memref<1x64x4096xf32, #tpu.memory_space<vmem>>, vector<1x64x1024xf32>
    %swap3A_234 = vector.shape_cast %swap3A_233 : vector<1x64x1024xf32> to vector<64x1024xf32>
    %swap3A_235 = vector.shape_cast %add3A_229 : vector<64x1024xf32> to vector<1x64x1024xf32>
    tpu.vector_store %arg14[%swap3A_230, %swap3A_231, %swap3A_232], %swap3A_235 {strides = array<i32>} : memref<1x64x4096xf32, #tpu.memory_space<vmem>>, vector<1x64x1024xf32>,
    return
  }
  func.func @transform_0(%arg0: i32) -> (i32, i32, i32) {
    %add3A = arith.constant 0 : i32
    %add3A_0 = arith.addi %arg0, %add3A : i32
    %c0_i32 = arith.constant 0 : i32
    %c0_i32_1 = arith.constant 0 : i32
    %c0_i32_2 = arith.constant 0 : i32
    return %add3A_0, %c0_i32, %c0_i32_1 : i32, i32, i32
  }
  func.func @transform_1(%arg0: i32) -> (i32, i32, i32) {
    %add3A = arith.constant 0 : i32
    %add3A_0 = arith.addi %arg0, %add3A : i32
    %c0_i32 = arith.constant 0 : i32
    %c0_i32_1 = arith.constant 0 : i32
    %c0_i32_2 = arith.constant 0 : i32
    return %add3A_0, %c0_i32, %c0_i32_1 : i32, i32, i32
  }
  func.func @transform_2(%arg0: i32) -> (i32, i32, i32) {
    %add3A = arith.constant 0 : i32
    %add3A_0 = arith.addi %arg0, %add3A : i32
    %c0_i32 = arith.constant 0 : i32
    %c0_i32_1 = arith.constant 0 : i32
    %c0_i32_2 = arith.constant 0 : i32
    return %add3A_0, %c0_i32, %c0_i32_1 : i32, i32, i32
  }
  func.func @transform_3(%arg0: i32) -> (i32, i32, i32) {
    %add3A = arith.constant 0 : i32
    %add3A_0 = arith.addi %arg0, %add3A : i32
    %c0_i32 = arith.constant 0 : i32
    %c0_i32_1 = arith.constant 0 : i32
    %c0_i32_2 = arith.constant 0 : i32
    return %add3A_0, %c0_i32, %c0_i32_1 : i32, i32, i32
  }
  func.func @transform_4(%arg0: i32) -> (i32, i32, i32) {
    %add3A = arith.constant 0 : i32
    %add3A_0 = arith.addi %arg0, %add3A : i32
    %c0_i32 = arith.constant 0 : i32
    %c0_i32_1 = arith.constant 0 : i32
    %c0_i32_2 = arith.constant 0 : i32
    return %add3A_0, %c0_i32, %c0_i32_1 : i32, i32, i32
  }
  func.func @transform_5(%arg0: i32) -> (i32, i32, i32) {
    %add3A = arith.constant 0 : i32
    %add3A_0 = arith.addi %arg0, %add3A : i32
    %c0_i32 = arith.constant 0 : i32
    %c0_i32_1 = arith.constant 0 : i32
    %c0_i32_2 = arith.constant 0 : i32
    return %add3A_0, %c0_i32, %c0_i32_1 : i32, i32, i32
  }
  func.func @transform_6(%arg0: i32) -> (i32, i32, i32) {
    %add3A = arith.constant 0 : i32
    %add3A_0 = arith.addi %arg0, %add3A : i32
    %c0_i32 = arith.constant 0 : i32
    %c0_i32_1 = arith.constant 0 : i32
    %c0_i32_2 = arith.constant 0 : i32
    return %add3A_0, %c0_i32, %c0_i32_1 : i32, i32, i32
  }
  func.func @transform_7(%arg0: i32) -> (i32, i32, i32) {
    %add3A = arith.constant 0 : i32
    %add3A_0 = arith.addi %arg0, %add3A : i32
    %c0_i32 = arith.constant 0 : i32
    %c0_i32_1 = arith.constant 0 : i32
    %c0_i32_2 = arith.constant 0 : i32
    return %add3A_0, %c0_i32, %c0_i32_1 : i32, i32, i32
  }
  func.func @transform_8(%arg0: i32) -> (i32, i32) {
    %c0_i32 = arith.constant 0 : i32
    %c0_i32_0 = arith.constant 0 : i32
    return %arg0, %c0_i32 : i32, i32
  }
  func.func @transform_9(%arg0: i32) -> (i32, i32) {
    %c0_i32 = arith.constant 0 : i32
    %c0_i32_0 = arith.constant 0 : i32
    %c0_i32_1 = arith.constant 0 : i32
    return %c0_i32, %c0_i32_0 : i32, i32
  }
  func.func @transform_10(%arg0: i32) -> (i32, i32) {
    %c0_i32 = arith.constant 0 : i32
    %c0_i32_0 = arith.constant 0 : i32
    %c0_i32_1 = arith.constant 0 : i32
    return %c0_i32, %c0_i32_0 : i32, i32
  }
  func.func @transform_11(%arg0: i32) -> (i32, i32) {
    %c0_i32 = arith.constant 0 : i32
    %c0_i32_0 = arith.constant 0 : i32
    %c0_i32_1 = arith.constant 0 : i32
    return %c0_i32, %c0_i32_0 : i32, i32
  }
  func.func @transform_12(%arg0: i32) -> (i32, i32) {
    %c0_i32 = arith.constant 0 : i32
    %c0_i32_0 = arith.constant 0 : i32
    %c0_i32_1 = arith.constant 0 : i32
    return %c0_i32, %c0_i32_0 : i32, i32
  }
  func.func @transform_13(%arg0: i32) -> (i32, i32, i32) {
    %add3A = arith.constant 0 : i32
    %add3A_0 = arith.addi %arg0, %add3A : i32
    %c0_i32 = arith.constant 0 : i32
    %c0_i32_1 = arith.constant 0 : i32
    %c0_i32_2 = arith.constant 0 : i32
    return %add3A_0, %c0_i32, %c0_i32_1 : i32, i32, i32
  }
}

module attributes {stable_mosaic.version = 14 : i64} {
  func.func @body2(%arg0: i32, %arg1: memref<1x1x4096xi32, #tpu.memory_space<vmem>>, %arg2: memref<1x1x4096xi32, #tpu.memory_space<vmem>>, %arg3: memref<1x1x4096xi32, #tpu.memory_space<vmem>>, %arg4: memref<1x1x4096xi32, #tpu.memory_space<vmem>>, %arg5: memref<1x1x4096xf32, #tpu.memory_space<vmem>>, %arg6: memref<1x1x4096xf32, #tpu.memory_space<vmem>>, %arg7: memref<1x1x4096xf32, #tpu.memory_space<vmem>>, %arg8: memref<1x1x4096xf32, #tpu.memory_space<vmem>>, %arg9: memref<1024x128xf32, #tpu.memory_space<vmem>>, %arg10: memref<128x256xf32, #tpu.memory_space<vmem>>, %arg11: memref<41x64xf32, #tpu.memory_space<vmem>>, %arg12: memref<8x1xf32, #tpu.memory_space<vmem>>, %arg13: memref<64x2xf32, #tpu.memory_space<vmem>>, %arg14: memref<200x64x4096xf32, #tpu.memory_space<any>>, %arg15: memref<1x64x4096xf32, #tpu.memory_space<vmem>>) attributes {dimension_semantics = [#tpu.dimension_semantics<arbitrary>], iteration_bounds = array<i64: 50>, scalar_prefetch = 0 : i64, scratch_operands = 0 : i64, tpu.core_type = #tpu.core_type<tc>, window_params = [{transform_indices = @transform_0, window_bounds = array<i64: 1, 1, 4096>}, {transform_indices = @transform_1, window_bounds = array<i64: 1, 1, 4096>}, {transform_indices = @transform_2, window_bounds = array<i64: 1, 1, 4096>}, {transform_indices = @transform_3, window_bounds = array<i64: 1, 1, 4096>}, {transform_indices = @transform_4, window_bounds = array<i64: 1, 1, 4096>}, {transform_indices = @transform_5, window_bounds = array<i64: 1, 1, 4096>}, {transform_indices = @transform_6, window_bounds = array<i64: 1, 1, 4096>}, {transform_indices = @transform_7, window_bounds = array<i64: 1, 1, 4096>}, {transform_indices = @transform_8, window_bounds = array<i64: 1024, 128>}, {pipeline_mode = #tpu.pipeline_mode<synchronous>, transform_indices = @transform_9, window_bounds = array<i64: 128, 256>}, {pipeline_mode = #tpu.pipeline_mode<synchronous>, transform_indices = @transform_10, window_bounds = array<i64: 41, 64>}, {pipeline_mode = #tpu.pipeline_mode<synchronous>, transform_indices = @transform_11, window_bounds = array<i64: 8, 1>}, {pipeline_mode = #tpu.pipeline_mode<synchronous>, transform_indices = @transform_12, window_bounds = array<i64: 64, 2>}, {}, {transform_indices = @transform_14, window_bounds = array<i64: 1, 64, 4096>}]} {
    %get3A = arith.constant 0 : index
    %get3A_0 = arith.constant 0 : index
    %get3A_1 = arith.constant 0 : index
    %get3A_2 = vector.load %arg1[%get3A, %get3A_0, %get3A_1] : memref<1x1x4096xi32, #tpu.memory_space<vmem>>, vector<1x1x4096xi32>
    %get3A_3 = vector.shape_cast %get3A_2 : vector<1x1x4096xi32> to vector<1x4096xi32>
    %get3A_4 = arith.constant 0 : index
    %get3A_5 = arith.constant 0 : index
    %get3A_6 = arith.constant 0 : index
    %get3A_7 = vector.load %arg2[%get3A_4, %get3A_5, %get3A_6] : memref<1x1x4096xi32, #tpu.memory_space<vmem>>, vector<1x1x4096xi32>
    %get3A_8 = vector.shape_cast %get3A_7 : vector<1x1x4096xi32> to vector<1x4096xi32>
    %get3A_9 = arith.constant 0 : index
    %get3A_10 = arith.constant 0 : index
    %get3A_11 = arith.constant 0 : index
    %get3A_12 = vector.load %arg3[%get3A_9, %get3A_10, %get3A_11] : memref<1x1x4096xi32, #tpu.memory_space<vmem>>, vector<1x1x4096xi32>
    %get3A_13 = vector.shape_cast %get3A_12 : vector<1x1x4096xi32> to vector<1x4096xi32>
    %get3A_14 = arith.constant 0 : index
    %get3A_15 = arith.constant 0 : index
    %get3A_16 = arith.constant 0 : index
    %get3A_17 = vector.load %arg4[%get3A_14, %get3A_15, %get3A_16] : memref<1x1x4096xi32, #tpu.memory_space<vmem>>, vector<1x1x4096xi32>
    %get3A_18 = vector.shape_cast %get3A_17 : vector<1x1x4096xi32> to vector<1x4096xi32>
    %iota3A = tpu.iota {dimensions = array<i32: 0>} : vector<20x4096xi32>
    %eq3A = vector.broadcast %get3A_3 : vector<1x4096xi32> to vector<20x4096xi32>
    %eq3A_19 = arith.cmpi eq, %iota3A, %eq3A : vector<20x4096xi32>
    %add3A = arith.constant 6 : i32
    %add3A_20 = vector.broadcast %add3A : i32 to vector<1x4096xi32>
    %add3A_21 = arith.addi %get3A_8, %add3A_20 : vector<1x4096xi32>
    %eq3A_22 = vector.broadcast %add3A_21 : vector<1x4096xi32> to vector<20x4096xi32>
    %eq3A_23 = arith.cmpi eq, %iota3A, %eq3A_22 : vector<20x4096xi32>
    %or3A = arith.ori %eq3A_19, %eq3A_23 : vector<20x4096xi1>
    %add3A_24 = arith.constant 14 : i32
    %add3A_25 = vector.broadcast %add3A_24 : i32 to vector<1x4096xi32>
    %add3A_26 = arith.addi %get3A_13, %add3A_25 : vector<1x4096xi32>
    %eq3A_27 = vector.broadcast %add3A_26 : vector<1x4096xi32> to vector<20x4096xi32>
    %eq3A_28 = arith.cmpi eq, %iota3A, %eq3A_27 : vector<20x4096xi32>
    %or3A_29 = arith.ori %or3A, %eq3A_28 : vector<20x4096xi1>
    %convert_element_type3A = arith.extui %or3A_29 : vector<20x4096xi1> to vector<20x4096xi32>
    %convert_element_type3A_30 = arith.sitofp %convert_element_type3A : vector<20x4096xi32> to vector<20x4096xf32>
    %abs3A = math.absi %get3A_18 : vector<1x4096xi32>
    %jit3A = arith.constant 0 : i32
    %jit3A_31 = arith.constant 364 : i32
    %max3A = vector.broadcast %jit3A : i32 to vector<1x4096xi32>
    %max3A_32 = arith.maxsi %max3A, %abs3A : vector<1x4096xi32>
    %min3A = vector.broadcast %jit3A_31 : i32 to vector<1x4096xi32>
    %min3A_33 = arith.minsi %min3A, %max3A_32 : vector<1x4096xi32>
    %convert_element_type3A_34 = arith.sitofp %min3A_33 : vector<1x4096xi32> to vector<1x4096xf32>
    %get3A_35 = arith.constant 0 : index
    %get3A_36 = arith.constant 0 : index
    %get3A_37 = vector.load %arg12[%get3A_35, %get3A_36] : memref<8x1xf32, #tpu.memory_space<vmem>>, vector<8x1xf32>
    %mul3A = vector.broadcast %get3A_37 : vector<8x1xf32> to vector<8x4096xf32>
    %mul3A_38 = vector.broadcast %convert_element_type3A_34 : vector<1x4096xf32> to vector<8x4096xf32>
    %mul3A_39 = arith.mulf %mul3A, %mul3A_38 : vector<8x4096xf32>
    %mul3A_40 = arith.constant 0.159154937 : f32
    %mul3A_41 = vector.broadcast %mul3A_40 : f32 to vector<8x4096xf32>
    %mul3A_42 = arith.mulf %mul3A_39, %mul3A_41 : vector<8x4096xf32>
    %add3A_43 = arith.constant 5.000000e-01 : f32
    %add3A_44 = vector.broadcast %add3A_43 : f32 to vector<8x4096xf32>
    %add3A_45 = arith.addf %mul3A_42, %add3A_44 : vector<8x4096xf32>
    %convert_element_type3A_46 = arith.fptosi %add3A_45 : vector<8x4096xf32> to vector<8x4096xi32>
    %convert_element_type3A_47 = arith.sitofp %convert_element_type3A_46 : vector<8x4096xi32> to vector<8x4096xf32>
    %mul3A_48 = arith.constant 6.281250e+00 : f32
    %mul3A_49 = vector.broadcast %mul3A_48 : f32 to vector<8x4096xf32>
    %mul3A_50 = arith.mulf %convert_element_type3A_47, %mul3A_49 : vector<8x4096xf32>
    %sub3A = arith.subf %mul3A_39, %mul3A_50 : vector<8x4096xf32>
    %mul3A_51 = arith.constant 0.00193530717 : f32
    %mul3A_52 = vector.broadcast %mul3A_51 : f32 to vector<8x4096xf32>
    %mul3A_53 = arith.mulf %convert_element_type3A_47, %mul3A_52 : vector<8x4096xf32>
    %sub3A_54 = arith.subf %sub3A, %mul3A_53 : vector<8x4096xf32>
    %mul3A_55 = arith.mulf %sub3A_54, %sub3A_54 : vector<8x4096xf32>
    %mul3A_56 = arith.constant 2.173210e-06 : f32
    %mul3A_57 = vector.broadcast %mul3A_56 : f32 to vector<8x4096xf32>
    %mul3A_58 = arith.mulf %mul3A_55, %mul3A_57 : vector<8x4096xf32>
    %add3A_59 = arith.constant -1.93161817E-4 : f32
    %add3A_60 = vector.broadcast %add3A_59 : f32 to vector<8x4096xf32>
    %add3A_61 = arith.addf %add3A_60, %mul3A_58 : vector<8x4096xf32>
    %mul3A_62 = arith.mulf %mul3A_55, %add3A_61 : vector<8x4096xf32>
    %add3A_63 = arith.constant 0.00831238274 : f32
    %add3A_64 = vector.broadcast %add3A_63 : f32 to vector<8x4096xf32>
    %add3A_65 = arith.addf %add3A_64, %mul3A_62 : vector<8x4096xf32>
    %mul3A_66 = arith.mulf %mul3A_55, %add3A_65 : vector<8x4096xf32>
    %add3A_67 = arith.constant -0.166632578 : f32
    %add3A_68 = vector.broadcast %add3A_67 : f32 to vector<8x4096xf32>
    %add3A_69 = arith.addf %add3A_68, %mul3A_66 : vector<8x4096xf32>
    %mul3A_70 = arith.mulf %mul3A_55, %add3A_69 : vector<8x4096xf32>
    %add3A_71 = arith.constant 0.999984562 : f32
    %add3A_72 = vector.broadcast %add3A_71 : f32 to vector<8x4096xf32>
    %add3A_73 = arith.addf %add3A_72, %mul3A_70 : vector<8x4096xf32>
    %mul3A_74 = arith.mulf %sub3A_54, %add3A_73 : vector<8x4096xf32>
    %mul3A_75 = arith.constant -2.21936943E-7 : f32
    %mul3A_76 = vector.broadcast %mul3A_75 : f32 to vector<8x4096xf32>
    %mul3A_77 = arith.mulf %mul3A_55, %mul3A_76 : vector<8x4096xf32>
    %add3A_78 = arith.constant 2.42531387E-5 : f32
    %add3A_79 = vector.broadcast %add3A_78 : f32 to vector<8x4096xf32>
    %add3A_80 = arith.addf %add3A_79, %mul3A_77 : vector<8x4096xf32>
    %mul3A_81 = arith.mulf %mul3A_55, %add3A_80 : vector<8x4096xf32>
    %add3A_82 = arith.constant -0.00138627435 : f32
    %add3A_83 = vector.broadcast %add3A_82 : f32 to vector<8x4096xf32>
    %add3A_84 = arith.addf %add3A_83, %mul3A_81 : vector<8x4096xf32>
    %mul3A_85 = arith.mulf %mul3A_55, %add3A_84 : vector<8x4096xf32>
    %add3A_86 = arith.constant 0.0416610315 : f32
    %add3A_87 = vector.broadcast %add3A_86 : f32 to vector<8x4096xf32>
    %add3A_88 = arith.addf %add3A_87, %mul3A_85 : vector<8x4096xf32>
    %mul3A_89 = arith.mulf %mul3A_55, %add3A_88 : vector<8x4096xf32>
    %add3A_90 = arith.constant -0.499995589 : f32
    %add3A_91 = vector.broadcast %add3A_90 : f32 to vector<8x4096xf32>
    %add3A_92 = arith.addf %add3A_91, %mul3A_89 : vector<8x4096xf32>
    %mul3A_93 = arith.mulf %mul3A_55, %add3A_92 : vector<8x4096xf32>
    %add3A_94 = arith.constant 0.999999463 : f32
    %add3A_95 = vector.broadcast %add3A_94 : f32 to vector<8x4096xf32>
    %add3A_96 = arith.addf %add3A_95, %mul3A_93 : vector<8x4096xf32>
    %get3A_97 = arith.constant 0 : index
    %get3A_98 = arith.constant 0 : index
    %get3A_99 = arith.constant 0 : index
    %get3A_100 = vector.load %arg5[%get3A_97, %get3A_98, %get3A_99] : memref<1x1x4096xf32, #tpu.memory_space<vmem>>, vector<1x1x4096xf32>
    %get3A_101 = vector.shape_cast %get3A_100 : vector<1x1x4096xf32> to vector<1x4096xf32>
    %get3A_102 = arith.constant 0 : index
    %get3A_103 = arith.constant 0 : index
    %get3A_104 = arith.constant 0 : index
    %get3A_105 = vector.load %arg6[%get3A_102, %get3A_103, %get3A_104] : memref<1x1x4096xf32, #tpu.memory_space<vmem>>, vector<1x1x4096xf32>
    %get3A_106 = vector.shape_cast %get3A_105 : vector<1x1x4096xf32> to vector<1x4096xf32>
    %get3A_107 = arith.constant 0 : index
    %get3A_108 = arith.constant 0 : index
    %get3A_109 = arith.constant 0 : index
    %get3A_110 = vector.load %arg7[%get3A_107, %get3A_108, %get3A_109] : memref<1x1x4096xf32, #tpu.memory_space<vmem>>, vector<1x1x4096xf32>
    %get3A_111 = vector.shape_cast %get3A_110 : vector<1x1x4096xf32> to vector<1x4096xf32>
    %get3A_112 = arith.constant 0 : index
    %get3A_113 = arith.constant 0 : index
    %get3A_114 = arith.constant 0 : index
    %get3A_115 = vector.load %arg8[%get3A_112, %get3A_113, %get3A_114] : memref<1x1x4096xf32, #tpu.memory_space<vmem>>, vector<1x1x4096xf32>
    %get3A_116 = vector.shape_cast %get3A_115 : vector<1x1x4096xf32> to vector<1x4096xf32>
    %concatenate3A = tpu.concatenate %get3A_101, %get3A_106, %get3A_111, %get3A_116 in 0 : vector<1x4096xf32>, vector<1x4096xf32>, vector<1x4096xf32>, vector<1x4096xf32> -> vector<4x4096xf32>
    %broadcast_in_dim3A = arith.constant 1.000000e+00 : f32
    %broadcast_in_dim3A_117 = vector.broadcast %broadcast_in_dim3A : f32 to vector<1x4096xf32>
    %concatenate3A_118 = tpu.concatenate %convert_element_type3A_30, %mul3A_74, %add3A_96, %concatenate3A, %broadcast_in_dim3A_117 in 0 : vector<20x4096xf32>, vector<8x4096xf32>, vector<8x4096xf32>, vector<4x4096xf32>, vector<1x4096xf32> -> vector<41x4096xf32>
    %get3A_119 = arith.constant 0 : index
    %get3A_120 = arith.constant 0 : index
    %get3A_121 = vector.load %arg11[%get3A_119, %get3A_120] : memref<41x64xf32, #tpu.memory_space<vmem>>, vector<41x64xf32>
    %dot_general3A = arith.constant dense<0.000000e+00> : vector<64x4096xf32>
    %dot_general3A_122 = tpu.matmul %get3A_121, %concatenate3A_118, %dot_general3A {dimension_numbers = #tpu.dot_dimension_numbers<[0], [0], [1], [1], [0, 1, 1, 1], [], []>, transpose_lhs_hint = false} : vector<41x64xf32>, vector<41x4096xf32>, vector<64x4096xf32> -> vector<64x4096xf32>
    %get3A_123 = arith.constant 0 : index
    %get3A_124 = arith.constant 0 : index
    %get3A_125 = vector.load %arg9[%get3A_123, %get3A_124] : memref<1024x128xf32, #tpu.memory_space<vmem>>, vector<1024x128xf32>
    %transpose3A = tpu.transpose %get3A_125, [1, 0] : vector<1024x128xf32> -> vector<128x1024xf32>
    %get3A_126 = arith.constant 0 : index
    %get3A_127 = arith.constant 0 : index
    %get3A_128 = vector.load %arg10[%get3A_126, %get3A_127] : memref<128x256xf32, #tpu.memory_space<vmem>>, vector<128x256xf32>
    %dot_general3A_129 = arith.constant dense<0.000000e+00> : vector<256x1024xf32>
    %dot_general3A_130 = tpu.matmul %get3A_128, %transpose3A, %dot_general3A_129 {dimension_numbers = #tpu.dot_dimension_numbers<[0], [0], [1], [1], [0, 1, 1, 1], [], []>, transpose_lhs_hint = false} : vector<128x256xf32>, vector<128x1024xf32>, vector<256x1024xf32> -> vector<256x1024xf32>
    %get3A_131 = arith.constant 0 : index
    %get3A_132 = arith.constant 0 : index
    %get3A_133 = vector.load %arg13[%get3A_131, %get3A_132] : memref<64x2xf32, #tpu.memory_space<vmem>>, vector<64x1xf32>
    %get3A_134 = arith.constant 0 : index
    %get3A_135 = arith.constant 1 : index
    %get3A_136 = vector.load %arg13[%get3A_134, %get3A_135] : memref<64x2xf32, #tpu.memory_space<vmem>>, vector<64x1xf32>
    %broadcast_in_dim3A_137 = arith.constant 1.000000e+00 : f32
    %broadcast_in_dim3A_138 = vector.broadcast %broadcast_in_dim3A_137 : f32 to vector<1x64xf32>
    %slice3A = vector.extract_strided_slice %dot_general3A_122 {offsets = [0, 0], sizes = [64, 1024], strides = [1, 1]} : vector<64x4096xf32> to vector<64x1024xf32>
    %slice3A_139 = vector.extract_strided_slice %dot_general3A_130 {offsets = [0, 0], sizes = [64, 1024], strides = [1, 1]} : vector<256x1024xf32> to vector<64x1024xf32>
    %add3A_140 = arith.addf %slice3A, %slice3A_139 : vector<64x1024xf32>
    %mul3A_141 = arith.mulf %add3A_140, %add3A_140 : vector<64x1024xf32>
    %dot_general3A_142 = arith.constant dense<0.000000e+00> : vector<1x1024xf32>
    %dot_general3A_143 = tpu.matmul %broadcast_in_dim3A_138, %mul3A_141, %dot_general3A_142 {dimension_numbers = #tpu.dot_dimension_numbers<[1], [0], [0], [1], [0, 0, 1, 1], [], []>, transpose_lhs_hint = false} : vector<1x64xf32>, vector<64x1024xf32>, vector<1x1024xf32> -> vector<1x1024xf32>
    %mul3A_144 = arith.constant 1.562500e-02 : f32
    %mul3A_145 = vector.broadcast %mul3A_144 : f32 to vector<1x1024xf32>
    %mul3A_146 = arith.mulf %dot_general3A_143, %mul3A_145 : vector<1x1024xf32>
    %add3A_147 = arith.constant 9.99999974E-6 : f32
    %add3A_148 = vector.broadcast %add3A_147 : f32 to vector<1x1024xf32>
    %add3A_149 = arith.addf %mul3A_146, %add3A_148 : vector<1x1024xf32>
    %rsqrt3A = math.rsqrt %add3A_149 : vector<1x1024xf32>
    %mul3A_150 = vector.broadcast %rsqrt3A : vector<1x1024xf32> to vector<64x1024xf32>
    %mul3A_151 = arith.mulf %add3A_140, %mul3A_150 : vector<64x1024xf32>
    %mul3A_152 = vector.broadcast %get3A_133 : vector<64x1xf32> to vector<64x1024xf32>
    %mul3A_153 = arith.mulf %mul3A_151, %mul3A_152 : vector<64x1024xf32>
    %add3A_154 = vector.broadcast %get3A_136 : vector<64x1xf32> to vector<64x1024xf32>
    %add3A_155 = arith.addf %mul3A_153, %add3A_154 : vector<64x1024xf32>
    %swap3A = arith.constant 0 : index
    %swap3A_156 = arith.constant 0 : index
    %swap3A_157 = arith.constant 0 : index
    %swap3A_158 = vector.load %arg15[%swap3A, %swap3A_156, %swap3A_157] : memref<1x64x4096xf32, #tpu.memory_space<vmem>>, vector<1x64x1024xf32>
    %swap3A_159 = vector.shape_cast %swap3A_158 : vector<1x64x1024xf32> to vector<64x1024xf32>
    %swap3A_160 = vector.shape_cast %add3A_155 : vector<64x1024xf32> to vector<1x64x1024xf32>
    tpu.vector_store %arg15[%swap3A, %swap3A_156, %swap3A_157], %swap3A_160 {strides = array<i32>} : memref<1x64x4096xf32, #tpu.memory_space<vmem>>, vector<1x64x1024xf32>,
    %slice3A_161 = vector.extract_strided_slice %dot_general3A_122 {offsets = [0, 1024], sizes = [64, 1024], strides = [1, 1]} : vector<64x4096xf32> to vector<64x1024xf32>
    %slice3A_162 = vector.extract_strided_slice %dot_general3A_130 {offsets = [64, 0], sizes = [64, 1024], strides = [1, 1]} : vector<256x1024xf32> to vector<64x1024xf32>
    %add3A_163 = arith.addf %slice3A_161, %slice3A_162 : vector<64x1024xf32>
    %mul3A_164 = arith.mulf %add3A_163, %add3A_163 : vector<64x1024xf32>
    %dot_general3A_165 = arith.constant dense<0.000000e+00> : vector<1x1024xf32>
    %dot_general3A_166 = tpu.matmul %broadcast_in_dim3A_138, %mul3A_164, %dot_general3A_165 {dimension_numbers = #tpu.dot_dimension_numbers<[1], [0], [0], [1], [0, 0, 1, 1], [], []>, transpose_lhs_hint = false} : vector<1x64xf32>, vector<64x1024xf32>, vector<1x1024xf32> -> vector<1x1024xf32>
    %mul3A_167 = arith.constant 1.562500e-02 : f32
    %mul3A_168 = vector.broadcast %mul3A_167 : f32 to vector<1x1024xf32>
    %mul3A_169 = arith.mulf %dot_general3A_166, %mul3A_168 : vector<1x1024xf32>
    %add3A_170 = arith.constant 9.99999974E-6 : f32
    %add3A_171 = vector.broadcast %add3A_170 : f32 to vector<1x1024xf32>
    %add3A_172 = arith.addf %mul3A_169, %add3A_171 : vector<1x1024xf32>
    %rsqrt3A_173 = math.rsqrt %add3A_172 : vector<1x1024xf32>
    %mul3A_174 = vector.broadcast %rsqrt3A_173 : vector<1x1024xf32> to vector<64x1024xf32>
    %mul3A_175 = arith.mulf %add3A_163, %mul3A_174 : vector<64x1024xf32>
    %mul3A_176 = vector.broadcast %get3A_133 : vector<64x1xf32> to vector<64x1024xf32>
    %mul3A_177 = arith.mulf %mul3A_175, %mul3A_176 : vector<64x1024xf32>
    %add3A_178 = vector.broadcast %get3A_136 : vector<64x1xf32> to vector<64x1024xf32>
    %add3A_179 = arith.addf %mul3A_177, %add3A_178 : vector<64x1024xf32>
    %swap3A_180 = arith.constant 0 : index
    %swap3A_181 = arith.constant 0 : index
    %swap3A_182 = arith.constant 1024 : index
    %swap3A_183 = vector.load %arg15[%swap3A_180, %swap3A_181, %swap3A_182] : memref<1x64x4096xf32, #tpu.memory_space<vmem>>, vector<1x64x1024xf32>
    %swap3A_184 = vector.shape_cast %swap3A_183 : vector<1x64x1024xf32> to vector<64x1024xf32>
    %swap3A_185 = vector.shape_cast %add3A_179 : vector<64x1024xf32> to vector<1x64x1024xf32>
    tpu.vector_store %arg15[%swap3A_180, %swap3A_181, %swap3A_182], %swap3A_185 {strides = array<i32>} : memref<1x64x4096xf32, #tpu.memory_space<vmem>>, vector<1x64x1024xf32>,
    %slice3A_186 = vector.extract_strided_slice %dot_general3A_122 {offsets = [0, 2048], sizes = [64, 1024], strides = [1, 1]} : vector<64x4096xf32> to vector<64x1024xf32>
    %slice3A_187 = vector.extract_strided_slice %dot_general3A_130 {offsets = [128, 0], sizes = [64, 1024], strides = [1, 1]} : vector<256x1024xf32> to vector<64x1024xf32>
    %add3A_188 = arith.addf %slice3A_186, %slice3A_187 : vector<64x1024xf32>
    %mul3A_189 = arith.mulf %add3A_188, %add3A_188 : vector<64x1024xf32>
    %dot_general3A_190 = arith.constant dense<0.000000e+00> : vector<1x1024xf32>
    %dot_general3A_191 = tpu.matmul %broadcast_in_dim3A_138, %mul3A_189, %dot_general3A_190 {dimension_numbers = #tpu.dot_dimension_numbers<[1], [0], [0], [1], [0, 0, 1, 1], [], []>, transpose_lhs_hint = false} : vector<1x64xf32>, vector<64x1024xf32>, vector<1x1024xf32> -> vector<1x1024xf32>
    %mul3A_192 = arith.constant 1.562500e-02 : f32
    %mul3A_193 = vector.broadcast %mul3A_192 : f32 to vector<1x1024xf32>
    %mul3A_194 = arith.mulf %dot_general3A_191, %mul3A_193 : vector<1x1024xf32>
    %add3A_195 = arith.constant 9.99999974E-6 : f32
    %add3A_196 = vector.broadcast %add3A_195 : f32 to vector<1x1024xf32>
    %add3A_197 = arith.addf %mul3A_194, %add3A_196 : vector<1x1024xf32>
    %rsqrt3A_198 = math.rsqrt %add3A_197 : vector<1x1024xf32>
    %mul3A_199 = vector.broadcast %rsqrt3A_198 : vector<1x1024xf32> to vector<64x1024xf32>
    %mul3A_200 = arith.mulf %add3A_188, %mul3A_199 : vector<64x1024xf32>
    %mul3A_201 = vector.broadcast %get3A_133 : vector<64x1xf32> to vector<64x1024xf32>
    %mul3A_202 = arith.mulf %mul3A_200, %mul3A_201 : vector<64x1024xf32>
    %add3A_203 = vector.broadcast %get3A_136 : vector<64x1xf32> to vector<64x1024xf32>
    %add3A_204 = arith.addf %mul3A_202, %add3A_203 : vector<64x1024xf32>
    %swap3A_205 = arith.constant 0 : index
    %swap3A_206 = arith.constant 0 : index
    %swap3A_207 = arith.constant 2048 : index
    %swap3A_208 = vector.load %arg15[%swap3A_205, %swap3A_206, %swap3A_207] : memref<1x64x4096xf32, #tpu.memory_space<vmem>>, vector<1x64x1024xf32>
    %swap3A_209 = vector.shape_cast %swap3A_208 : vector<1x64x1024xf32> to vector<64x1024xf32>
    %swap3A_210 = vector.shape_cast %add3A_204 : vector<64x1024xf32> to vector<1x64x1024xf32>
    tpu.vector_store %arg15[%swap3A_205, %swap3A_206, %swap3A_207], %swap3A_210 {strides = array<i32>} : memref<1x64x4096xf32, #tpu.memory_space<vmem>>, vector<1x64x1024xf32>,
    %slice3A_211 = vector.extract_strided_slice %dot_general3A_122 {offsets = [0, 3072], sizes = [64, 1024], strides = [1, 1]} : vector<64x4096xf32> to vector<64x1024xf32>
    %slice3A_212 = vector.extract_strided_slice %dot_general3A_130 {offsets = [192, 0], sizes = [64, 1024], strides = [1, 1]} : vector<256x1024xf32> to vector<64x1024xf32>
    %add3A_213 = arith.addf %slice3A_211, %slice3A_212 : vector<64x1024xf32>
    %mul3A_214 = arith.mulf %add3A_213, %add3A_213 : vector<64x1024xf32>
    %dot_general3A_215 = arith.constant dense<0.000000e+00> : vector<1x1024xf32>
    %dot_general3A_216 = tpu.matmul %broadcast_in_dim3A_138, %mul3A_214, %dot_general3A_215 {dimension_numbers = #tpu.dot_dimension_numbers<[1], [0], [0], [1], [0, 0, 1, 1], [], []>, transpose_lhs_hint = false} : vector<1x64xf32>, vector<64x1024xf32>, vector<1x1024xf32> -> vector<1x1024xf32>
    %mul3A_217 = arith.constant 1.562500e-02 : f32
    %mul3A_218 = vector.broadcast %mul3A_217 : f32 to vector<1x1024xf32>
    %mul3A_219 = arith.mulf %dot_general3A_216, %mul3A_218 : vector<1x1024xf32>
    %add3A_220 = arith.constant 9.99999974E-6 : f32
    %add3A_221 = vector.broadcast %add3A_220 : f32 to vector<1x1024xf32>
    %add3A_222 = arith.addf %mul3A_219, %add3A_221 : vector<1x1024xf32>
    %rsqrt3A_223 = math.rsqrt %add3A_222 : vector<1x1024xf32>
    %mul3A_224 = vector.broadcast %rsqrt3A_223 : vector<1x1024xf32> to vector<64x1024xf32>
    %mul3A_225 = arith.mulf %add3A_213, %mul3A_224 : vector<64x1024xf32>
    %mul3A_226 = vector.broadcast %get3A_133 : vector<64x1xf32> to vector<64x1024xf32>
    %mul3A_227 = arith.mulf %mul3A_225, %mul3A_226 : vector<64x1024xf32>
    %add3A_228 = vector.broadcast %get3A_136 : vector<64x1xf32> to vector<64x1024xf32>
    %add3A_229 = arith.addf %mul3A_227, %add3A_228 : vector<64x1024xf32>
    %swap3A_230 = arith.constant 0 : index
    %swap3A_231 = arith.constant 0 : index
    %swap3A_232 = arith.constant 3072 : index
    %swap3A_233 = vector.load %arg15[%swap3A_230, %swap3A_231, %swap3A_232] : memref<1x64x4096xf32, #tpu.memory_space<vmem>>, vector<1x64x1024xf32>
    %swap3A_234 = vector.shape_cast %swap3A_233 : vector<1x64x1024xf32> to vector<64x1024xf32>
    %swap3A_235 = vector.shape_cast %add3A_229 : vector<64x1024xf32> to vector<1x64x1024xf32>
    tpu.vector_store %arg15[%swap3A_230, %swap3A_231, %swap3A_232], %swap3A_235 {strides = array<i32>} : memref<1x64x4096xf32, #tpu.memory_space<vmem>>, vector<1x64x1024xf32>,
    return
  }
  func.func @transform_0(%arg0: i32) -> (i32, i32, i32) {
    %add3A = arith.constant 50 : i32
    %add3A_0 = arith.addi %arg0, %add3A : i32
    %c0_i32 = arith.constant 0 : i32
    %c0_i32_1 = arith.constant 0 : i32
    %c0_i32_2 = arith.constant 0 : i32
    return %add3A_0, %c0_i32, %c0_i32_1 : i32, i32, i32
  }
  func.func @transform_1(%arg0: i32) -> (i32, i32, i32) {
    %add3A = arith.constant 50 : i32
    %add3A_0 = arith.addi %arg0, %add3A : i32
    %c0_i32 = arith.constant 0 : i32
    %c0_i32_1 = arith.constant 0 : i32
    %c0_i32_2 = arith.constant 0 : i32
    return %add3A_0, %c0_i32, %c0_i32_1 : i32, i32, i32
  }
  func.func @transform_2(%arg0: i32) -> (i32, i32, i32) {
    %add3A = arith.constant 50 : i32
    %add3A_0 = arith.addi %arg0, %add3A : i32
    %c0_i32 = arith.constant 0 : i32
    %c0_i32_1 = arith.constant 0 : i32
    %c0_i32_2 = arith.constant 0 : i32
    return %add3A_0, %c0_i32, %c0_i32_1 : i32, i32, i32
  }
  func.func @transform_3(%arg0: i32) -> (i32, i32, i32) {
    %add3A = arith.constant 50 : i32
    %add3A_0 = arith.addi %arg0, %add3A : i32
    %c0_i32 = arith.constant 0 : i32
    %c0_i32_1 = arith.constant 0 : i32
    %c0_i32_2 = arith.constant 0 : i32
    return %add3A_0, %c0_i32, %c0_i32_1 : i32, i32, i32
  }
  func.func @transform_4(%arg0: i32) -> (i32, i32, i32) {
    %add3A = arith.constant 50 : i32
    %add3A_0 = arith.addi %arg0, %add3A : i32
    %c0_i32 = arith.constant 0 : i32
    %c0_i32_1 = arith.constant 0 : i32
    %c0_i32_2 = arith.constant 0 : i32
    return %add3A_0, %c0_i32, %c0_i32_1 : i32, i32, i32
  }
  func.func @transform_5(%arg0: i32) -> (i32, i32, i32) {
    %add3A = arith.constant 50 : i32
    %add3A_0 = arith.addi %arg0, %add3A : i32
    %c0_i32 = arith.constant 0 : i32
    %c0_i32_1 = arith.constant 0 : i32
    %c0_i32_2 = arith.constant 0 : i32
    return %add3A_0, %c0_i32, %c0_i32_1 : i32, i32, i32
  }
  func.func @transform_6(%arg0: i32) -> (i32, i32, i32) {
    %add3A = arith.constant 50 : i32
    %add3A_0 = arith.addi %arg0, %add3A : i32
    %c0_i32 = arith.constant 0 : i32
    %c0_i32_1 = arith.constant 0 : i32
    %c0_i32_2 = arith.constant 0 : i32
    return %add3A_0, %c0_i32, %c0_i32_1 : i32, i32, i32
  }
  func.func @transform_7(%arg0: i32) -> (i32, i32, i32) {
    %add3A = arith.constant 50 : i32
    %add3A_0 = arith.addi %arg0, %add3A : i32
    %c0_i32 = arith.constant 0 : i32
    %c0_i32_1 = arith.constant 0 : i32
    %c0_i32_2 = arith.constant 0 : i32
    return %add3A_0, %c0_i32, %c0_i32_1 : i32, i32, i32
  }
  func.func @transform_8(%arg0: i32) -> (i32, i32) {
    %c0_i32 = arith.constant 0 : i32
    %c0_i32_0 = arith.constant 0 : i32
    return %arg0, %c0_i32 : i32, i32
  }
  func.func @transform_9(%arg0: i32) -> (i32, i32) {
    %c0_i32 = arith.constant 0 : i32
    %c0_i32_0 = arith.constant 0 : i32
    %c0_i32_1 = arith.constant 0 : i32
    return %c0_i32, %c0_i32_0 : i32, i32
  }
  func.func @transform_10(%arg0: i32) -> (i32, i32) {
    %c0_i32 = arith.constant 0 : i32
    %c0_i32_0 = arith.constant 0 : i32
    %c0_i32_1 = arith.constant 0 : i32
    return %c0_i32, %c0_i32_0 : i32, i32
  }
  func.func @transform_11(%arg0: i32) -> (i32, i32) {
    %c0_i32 = arith.constant 0 : i32
    %c0_i32_0 = arith.constant 0 : i32
    %c0_i32_1 = arith.constant 0 : i32
    return %c0_i32, %c0_i32_0 : i32, i32
  }
  func.func @transform_12(%arg0: i32) -> (i32, i32) {
    %c0_i32 = arith.constant 0 : i32
    %c0_i32_0 = arith.constant 0 : i32
    %c0_i32_1 = arith.constant 0 : i32
    return %c0_i32, %c0_i32_0 : i32, i32
  }
  func.func @transform_14(%arg0: i32) -> (i32, i32, i32) {
    %add3A = arith.constant 50 : i32
    %add3A_0 = arith.addi %arg0, %add3A : i32
    %c0_i32 = arith.constant 0 : i32
    %c0_i32_1 = arith.constant 0 : i32
    %c0_i32_2 = arith.constant 0 : i32
    return %add3A_0, %c0_i32, %c0_i32_1 : i32, i32, i32
  }
}

module attributes {stable_mosaic.version = 14 : i64} {
  func.func @body2(%arg0: i32, %arg1: memref<1x1x4096xi32, #tpu.memory_space<vmem>>, %arg2: memref<1x1x4096xi32, #tpu.memory_space<vmem>>, %arg3: memref<1x1x4096xi32, #tpu.memory_space<vmem>>, %arg4: memref<1x1x4096xi32, #tpu.memory_space<vmem>>, %arg5: memref<1x1x4096xf32, #tpu.memory_space<vmem>>, %arg6: memref<1x1x4096xf32, #tpu.memory_space<vmem>>, %arg7: memref<1x1x4096xf32, #tpu.memory_space<vmem>>, %arg8: memref<1x1x4096xf32, #tpu.memory_space<vmem>>, %arg9: memref<1024x128xf32, #tpu.memory_space<vmem>>, %arg10: memref<128x256xf32, #tpu.memory_space<vmem>>, %arg11: memref<41x64xf32, #tpu.memory_space<vmem>>, %arg12: memref<8x1xf32, #tpu.memory_space<vmem>>, %arg13: memref<64x2xf32, #tpu.memory_space<vmem>>, %arg14: memref<200x64x4096xf32, #tpu.memory_space<any>>, %arg15: memref<1x64x4096xf32, #tpu.memory_space<vmem>>) attributes {dimension_semantics = [#tpu.dimension_semantics<arbitrary>], iteration_bounds = array<i64: 50>, scalar_prefetch = 0 : i64, scratch_operands = 0 : i64, tpu.core_type = #tpu.core_type<tc>, window_params = [{transform_indices = @transform_0, window_bounds = array<i64: 1, 1, 4096>}, {transform_indices = @transform_1, window_bounds = array<i64: 1, 1, 4096>}, {transform_indices = @transform_2, window_bounds = array<i64: 1, 1, 4096>}, {transform_indices = @transform_3, window_bounds = array<i64: 1, 1, 4096>}, {transform_indices = @transform_4, window_bounds = array<i64: 1, 1, 4096>}, {transform_indices = @transform_5, window_bounds = array<i64: 1, 1, 4096>}, {transform_indices = @transform_6, window_bounds = array<i64: 1, 1, 4096>}, {transform_indices = @transform_7, window_bounds = array<i64: 1, 1, 4096>}, {transform_indices = @transform_8, window_bounds = array<i64: 1024, 128>}, {pipeline_mode = #tpu.pipeline_mode<synchronous>, transform_indices = @transform_9, window_bounds = array<i64: 128, 256>}, {pipeline_mode = #tpu.pipeline_mode<synchronous>, transform_indices = @transform_10, window_bounds = array<i64: 41, 64>}, {pipeline_mode = #tpu.pipeline_mode<synchronous>, transform_indices = @transform_11, window_bounds = array<i64: 8, 1>}, {pipeline_mode = #tpu.pipeline_mode<synchronous>, transform_indices = @transform_12, window_bounds = array<i64: 64, 2>}, {}, {transform_indices = @transform_14, window_bounds = array<i64: 1, 64, 4096>}]} {
    %get3A = arith.constant 0 : index
    %get3A_0 = arith.constant 0 : index
    %get3A_1 = arith.constant 0 : index
    %get3A_2 = vector.load %arg1[%get3A, %get3A_0, %get3A_1] : memref<1x1x4096xi32, #tpu.memory_space<vmem>>, vector<1x1x4096xi32>
    %get3A_3 = vector.shape_cast %get3A_2 : vector<1x1x4096xi32> to vector<1x4096xi32>
    %get3A_4 = arith.constant 0 : index
    %get3A_5 = arith.constant 0 : index
    %get3A_6 = arith.constant 0 : index
    %get3A_7 = vector.load %arg2[%get3A_4, %get3A_5, %get3A_6] : memref<1x1x4096xi32, #tpu.memory_space<vmem>>, vector<1x1x4096xi32>
    %get3A_8 = vector.shape_cast %get3A_7 : vector<1x1x4096xi32> to vector<1x4096xi32>
    %get3A_9 = arith.constant 0 : index
    %get3A_10 = arith.constant 0 : index
    %get3A_11 = arith.constant 0 : index
    %get3A_12 = vector.load %arg3[%get3A_9, %get3A_10, %get3A_11] : memref<1x1x4096xi32, #tpu.memory_space<vmem>>, vector<1x1x4096xi32>
    %get3A_13 = vector.shape_cast %get3A_12 : vector<1x1x4096xi32> to vector<1x4096xi32>
    %get3A_14 = arith.constant 0 : index
    %get3A_15 = arith.constant 0 : index
    %get3A_16 = arith.constant 0 : index
    %get3A_17 = vector.load %arg4[%get3A_14, %get3A_15, %get3A_16] : memref<1x1x4096xi32, #tpu.memory_space<vmem>>, vector<1x1x4096xi32>
    %get3A_18 = vector.shape_cast %get3A_17 : vector<1x1x4096xi32> to vector<1x4096xi32>
    %iota3A = tpu.iota {dimensions = array<i32: 0>} : vector<20x4096xi32>
    %eq3A = vector.broadcast %get3A_3 : vector<1x4096xi32> to vector<20x4096xi32>
    %eq3A_19 = arith.cmpi eq, %iota3A, %eq3A : vector<20x4096xi32>
    %add3A = arith.constant 6 : i32
    %add3A_20 = vector.broadcast %add3A : i32 to vector<1x4096xi32>
    %add3A_21 = arith.addi %get3A_8, %add3A_20 : vector<1x4096xi32>
    %eq3A_22 = vector.broadcast %add3A_21 : vector<1x4096xi32> to vector<20x4096xi32>
    %eq3A_23 = arith.cmpi eq, %iota3A, %eq3A_22 : vector<20x4096xi32>
    %or3A = arith.ori %eq3A_19, %eq3A_23 : vector<20x4096xi1>
    %add3A_24 = arith.constant 14 : i32
    %add3A_25 = vector.broadcast %add3A_24 : i32 to vector<1x4096xi32>
    %add3A_26 = arith.addi %get3A_13, %add3A_25 : vector<1x4096xi32>
    %eq3A_27 = vector.broadcast %add3A_26 : vector<1x4096xi32> to vector<20x4096xi32>
    %eq3A_28 = arith.cmpi eq, %iota3A, %eq3A_27 : vector<20x4096xi32>
    %or3A_29 = arith.ori %or3A, %eq3A_28 : vector<20x4096xi1>
    %convert_element_type3A = arith.extui %or3A_29 : vector<20x4096xi1> to vector<20x4096xi32>
    %convert_element_type3A_30 = arith.sitofp %convert_element_type3A : vector<20x4096xi32> to vector<20x4096xf32>
    %abs3A = math.absi %get3A_18 : vector<1x4096xi32>
    %jit3A = arith.constant 0 : i32
    %jit3A_31 = arith.constant 364 : i32
    %max3A = vector.broadcast %jit3A : i32 to vector<1x4096xi32>
    %max3A_32 = arith.maxsi %max3A, %abs3A : vector<1x4096xi32>
    %min3A = vector.broadcast %jit3A_31 : i32 to vector<1x4096xi32>
    %min3A_33 = arith.minsi %min3A, %max3A_32 : vector<1x4096xi32>
    %convert_element_type3A_34 = arith.sitofp %min3A_33 : vector<1x4096xi32> to vector<1x4096xf32>
    %get3A_35 = arith.constant 0 : index
    %get3A_36 = arith.constant 0 : index
    %get3A_37 = vector.load %arg12[%get3A_35, %get3A_36] : memref<8x1xf32, #tpu.memory_space<vmem>>, vector<8x1xf32>
    %mul3A = vector.broadcast %get3A_37 : vector<8x1xf32> to vector<8x4096xf32>
    %mul3A_38 = vector.broadcast %convert_element_type3A_34 : vector<1x4096xf32> to vector<8x4096xf32>
    %mul3A_39 = arith.mulf %mul3A, %mul3A_38 : vector<8x4096xf32>
    %mul3A_40 = arith.constant 0.159154937 : f32
    %mul3A_41 = vector.broadcast %mul3A_40 : f32 to vector<8x4096xf32>
    %mul3A_42 = arith.mulf %mul3A_39, %mul3A_41 : vector<8x4096xf32>
    %add3A_43 = arith.constant 5.000000e-01 : f32
    %add3A_44 = vector.broadcast %add3A_43 : f32 to vector<8x4096xf32>
    %add3A_45 = arith.addf %mul3A_42, %add3A_44 : vector<8x4096xf32>
    %convert_element_type3A_46 = arith.fptosi %add3A_45 : vector<8x4096xf32> to vector<8x4096xi32>
    %convert_element_type3A_47 = arith.sitofp %convert_element_type3A_46 : vector<8x4096xi32> to vector<8x4096xf32>
    %mul3A_48 = arith.constant 6.281250e+00 : f32
    %mul3A_49 = vector.broadcast %mul3A_48 : f32 to vector<8x4096xf32>
    %mul3A_50 = arith.mulf %convert_element_type3A_47, %mul3A_49 : vector<8x4096xf32>
    %sub3A = arith.subf %mul3A_39, %mul3A_50 : vector<8x4096xf32>
    %mul3A_51 = arith.constant 0.00193530717 : f32
    %mul3A_52 = vector.broadcast %mul3A_51 : f32 to vector<8x4096xf32>
    %mul3A_53 = arith.mulf %convert_element_type3A_47, %mul3A_52 : vector<8x4096xf32>
    %sub3A_54 = arith.subf %sub3A, %mul3A_53 : vector<8x4096xf32>
    %mul3A_55 = arith.mulf %sub3A_54, %sub3A_54 : vector<8x4096xf32>
    %mul3A_56 = arith.constant 2.173210e-06 : f32
    %mul3A_57 = vector.broadcast %mul3A_56 : f32 to vector<8x4096xf32>
    %mul3A_58 = arith.mulf %mul3A_55, %mul3A_57 : vector<8x4096xf32>
    %add3A_59 = arith.constant -1.93161817E-4 : f32
    %add3A_60 = vector.broadcast %add3A_59 : f32 to vector<8x4096xf32>
    %add3A_61 = arith.addf %add3A_60, %mul3A_58 : vector<8x4096xf32>
    %mul3A_62 = arith.mulf %mul3A_55, %add3A_61 : vector<8x4096xf32>
    %add3A_63 = arith.constant 0.00831238274 : f32
    %add3A_64 = vector.broadcast %add3A_63 : f32 to vector<8x4096xf32>
    %add3A_65 = arith.addf %add3A_64, %mul3A_62 : vector<8x4096xf32>
    %mul3A_66 = arith.mulf %mul3A_55, %add3A_65 : vector<8x4096xf32>
    %add3A_67 = arith.constant -0.166632578 : f32
    %add3A_68 = vector.broadcast %add3A_67 : f32 to vector<8x4096xf32>
    %add3A_69 = arith.addf %add3A_68, %mul3A_66 : vector<8x4096xf32>
    %mul3A_70 = arith.mulf %mul3A_55, %add3A_69 : vector<8x4096xf32>
    %add3A_71 = arith.constant 0.999984562 : f32
    %add3A_72 = vector.broadcast %add3A_71 : f32 to vector<8x4096xf32>
    %add3A_73 = arith.addf %add3A_72, %mul3A_70 : vector<8x4096xf32>
    %mul3A_74 = arith.mulf %sub3A_54, %add3A_73 : vector<8x4096xf32>
    %mul3A_75 = arith.constant -2.21936943E-7 : f32
    %mul3A_76 = vector.broadcast %mul3A_75 : f32 to vector<8x4096xf32>
    %mul3A_77 = arith.mulf %mul3A_55, %mul3A_76 : vector<8x4096xf32>
    %add3A_78 = arith.constant 2.42531387E-5 : f32
    %add3A_79 = vector.broadcast %add3A_78 : f32 to vector<8x4096xf32>
    %add3A_80 = arith.addf %add3A_79, %mul3A_77 : vector<8x4096xf32>
    %mul3A_81 = arith.mulf %mul3A_55, %add3A_80 : vector<8x4096xf32>
    %add3A_82 = arith.constant -0.00138627435 : f32
    %add3A_83 = vector.broadcast %add3A_82 : f32 to vector<8x4096xf32>
    %add3A_84 = arith.addf %add3A_83, %mul3A_81 : vector<8x4096xf32>
    %mul3A_85 = arith.mulf %mul3A_55, %add3A_84 : vector<8x4096xf32>
    %add3A_86 = arith.constant 0.0416610315 : f32
    %add3A_87 = vector.broadcast %add3A_86 : f32 to vector<8x4096xf32>
    %add3A_88 = arith.addf %add3A_87, %mul3A_85 : vector<8x4096xf32>
    %mul3A_89 = arith.mulf %mul3A_55, %add3A_88 : vector<8x4096xf32>
    %add3A_90 = arith.constant -0.499995589 : f32
    %add3A_91 = vector.broadcast %add3A_90 : f32 to vector<8x4096xf32>
    %add3A_92 = arith.addf %add3A_91, %mul3A_89 : vector<8x4096xf32>
    %mul3A_93 = arith.mulf %mul3A_55, %add3A_92 : vector<8x4096xf32>
    %add3A_94 = arith.constant 0.999999463 : f32
    %add3A_95 = vector.broadcast %add3A_94 : f32 to vector<8x4096xf32>
    %add3A_96 = arith.addf %add3A_95, %mul3A_93 : vector<8x4096xf32>
    %get3A_97 = arith.constant 0 : index
    %get3A_98 = arith.constant 0 : index
    %get3A_99 = arith.constant 0 : index
    %get3A_100 = vector.load %arg5[%get3A_97, %get3A_98, %get3A_99] : memref<1x1x4096xf32, #tpu.memory_space<vmem>>, vector<1x1x4096xf32>
    %get3A_101 = vector.shape_cast %get3A_100 : vector<1x1x4096xf32> to vector<1x4096xf32>
    %get3A_102 = arith.constant 0 : index
    %get3A_103 = arith.constant 0 : index
    %get3A_104 = arith.constant 0 : index
    %get3A_105 = vector.load %arg6[%get3A_102, %get3A_103, %get3A_104] : memref<1x1x4096xf32, #tpu.memory_space<vmem>>, vector<1x1x4096xf32>
    %get3A_106 = vector.shape_cast %get3A_105 : vector<1x1x4096xf32> to vector<1x4096xf32>
    %get3A_107 = arith.constant 0 : index
    %get3A_108 = arith.constant 0 : index
    %get3A_109 = arith.constant 0 : index
    %get3A_110 = vector.load %arg7[%get3A_107, %get3A_108, %get3A_109] : memref<1x1x4096xf32, #tpu.memory_space<vmem>>, vector<1x1x4096xf32>
    %get3A_111 = vector.shape_cast %get3A_110 : vector<1x1x4096xf32> to vector<1x4096xf32>
    %get3A_112 = arith.constant 0 : index
    %get3A_113 = arith.constant 0 : index
    %get3A_114 = arith.constant 0 : index
    %get3A_115 = vector.load %arg8[%get3A_112, %get3A_113, %get3A_114] : memref<1x1x4096xf32, #tpu.memory_space<vmem>>, vector<1x1x4096xf32>
    %get3A_116 = vector.shape_cast %get3A_115 : vector<1x1x4096xf32> to vector<1x4096xf32>
    %concatenate3A = tpu.concatenate %get3A_101, %get3A_106, %get3A_111, %get3A_116 in 0 : vector<1x4096xf32>, vector<1x4096xf32>, vector<1x4096xf32>, vector<1x4096xf32> -> vector<4x4096xf32>
    %broadcast_in_dim3A = arith.constant 1.000000e+00 : f32
    %broadcast_in_dim3A_117 = vector.broadcast %broadcast_in_dim3A : f32 to vector<1x4096xf32>
    %concatenate3A_118 = tpu.concatenate %convert_element_type3A_30, %mul3A_74, %add3A_96, %concatenate3A, %broadcast_in_dim3A_117 in 0 : vector<20x4096xf32>, vector<8x4096xf32>, vector<8x4096xf32>, vector<4x4096xf32>, vector<1x4096xf32> -> vector<41x4096xf32>
    %get3A_119 = arith.constant 0 : index
    %get3A_120 = arith.constant 0 : index
    %get3A_121 = vector.load %arg11[%get3A_119, %get3A_120] : memref<41x64xf32, #tpu.memory_space<vmem>>, vector<41x64xf32>
    %dot_general3A = arith.constant dense<0.000000e+00> : vector<64x4096xf32>
    %dot_general3A_122 = tpu.matmul %get3A_121, %concatenate3A_118, %dot_general3A {dimension_numbers = #tpu.dot_dimension_numbers<[0], [0], [1], [1], [0, 1, 1, 1], [], []>, transpose_lhs_hint = false} : vector<41x64xf32>, vector<41x4096xf32>, vector<64x4096xf32> -> vector<64x4096xf32>
    %get3A_123 = arith.constant 0 : index
    %get3A_124 = arith.constant 0 : index
    %get3A_125 = vector.load %arg9[%get3A_123, %get3A_124] : memref<1024x128xf32, #tpu.memory_space<vmem>>, vector<1024x128xf32>
    %transpose3A = tpu.transpose %get3A_125, [1, 0] : vector<1024x128xf32> -> vector<128x1024xf32>
    %get3A_126 = arith.constant 0 : index
    %get3A_127 = arith.constant 0 : index
    %get3A_128 = vector.load %arg10[%get3A_126, %get3A_127] : memref<128x256xf32, #tpu.memory_space<vmem>>, vector<128x256xf32>
    %dot_general3A_129 = arith.constant dense<0.000000e+00> : vector<256x1024xf32>
    %dot_general3A_130 = tpu.matmul %get3A_128, %transpose3A, %dot_general3A_129 {dimension_numbers = #tpu.dot_dimension_numbers<[0], [0], [1], [1], [0, 1, 1, 1], [], []>, transpose_lhs_hint = false} : vector<128x256xf32>, vector<128x1024xf32>, vector<256x1024xf32> -> vector<256x1024xf32>
    %get3A_131 = arith.constant 0 : index
    %get3A_132 = arith.constant 0 : index
    %get3A_133 = vector.load %arg13[%get3A_131, %get3A_132] : memref<64x2xf32, #tpu.memory_space<vmem>>, vector<64x1xf32>
    %get3A_134 = arith.constant 0 : index
    %get3A_135 = arith.constant 1 : index
    %get3A_136 = vector.load %arg13[%get3A_134, %get3A_135] : memref<64x2xf32, #tpu.memory_space<vmem>>, vector<64x1xf32>
    %broadcast_in_dim3A_137 = arith.constant 1.000000e+00 : f32
    %broadcast_in_dim3A_138 = vector.broadcast %broadcast_in_dim3A_137 : f32 to vector<1x64xf32>
    %slice3A = vector.extract_strided_slice %dot_general3A_122 {offsets = [0, 0], sizes = [64, 1024], strides = [1, 1]} : vector<64x4096xf32> to vector<64x1024xf32>
    %slice3A_139 = vector.extract_strided_slice %dot_general3A_130 {offsets = [0, 0], sizes = [64, 1024], strides = [1, 1]} : vector<256x1024xf32> to vector<64x1024xf32>
    %add3A_140 = arith.addf %slice3A, %slice3A_139 : vector<64x1024xf32>
    %mul3A_141 = arith.mulf %add3A_140, %add3A_140 : vector<64x1024xf32>
    %dot_general3A_142 = arith.constant dense<0.000000e+00> : vector<1x1024xf32>
    %dot_general3A_143 = tpu.matmul %broadcast_in_dim3A_138, %mul3A_141, %dot_general3A_142 {dimension_numbers = #tpu.dot_dimension_numbers<[1], [0], [0], [1], [0, 0, 1, 1], [], []>, transpose_lhs_hint = false} : vector<1x64xf32>, vector<64x1024xf32>, vector<1x1024xf32> -> vector<1x1024xf32>
    %mul3A_144 = arith.constant 1.562500e-02 : f32
    %mul3A_145 = vector.broadcast %mul3A_144 : f32 to vector<1x1024xf32>
    %mul3A_146 = arith.mulf %dot_general3A_143, %mul3A_145 : vector<1x1024xf32>
    %add3A_147 = arith.constant 9.99999974E-6 : f32
    %add3A_148 = vector.broadcast %add3A_147 : f32 to vector<1x1024xf32>
    %add3A_149 = arith.addf %mul3A_146, %add3A_148 : vector<1x1024xf32>
    %rsqrt3A = math.rsqrt %add3A_149 : vector<1x1024xf32>
    %mul3A_150 = vector.broadcast %rsqrt3A : vector<1x1024xf32> to vector<64x1024xf32>
    %mul3A_151 = arith.mulf %add3A_140, %mul3A_150 : vector<64x1024xf32>
    %mul3A_152 = vector.broadcast %get3A_133 : vector<64x1xf32> to vector<64x1024xf32>
    %mul3A_153 = arith.mulf %mul3A_151, %mul3A_152 : vector<64x1024xf32>
    %add3A_154 = vector.broadcast %get3A_136 : vector<64x1xf32> to vector<64x1024xf32>
    %add3A_155 = arith.addf %mul3A_153, %add3A_154 : vector<64x1024xf32>
    %swap3A = arith.constant 0 : index
    %swap3A_156 = arith.constant 0 : index
    %swap3A_157 = arith.constant 0 : index
    %swap3A_158 = vector.load %arg15[%swap3A, %swap3A_156, %swap3A_157] : memref<1x64x4096xf32, #tpu.memory_space<vmem>>, vector<1x64x1024xf32>
    %swap3A_159 = vector.shape_cast %swap3A_158 : vector<1x64x1024xf32> to vector<64x1024xf32>
    %swap3A_160 = vector.shape_cast %add3A_155 : vector<64x1024xf32> to vector<1x64x1024xf32>
    tpu.vector_store %arg15[%swap3A, %swap3A_156, %swap3A_157], %swap3A_160 {strides = array<i32>} : memref<1x64x4096xf32, #tpu.memory_space<vmem>>, vector<1x64x1024xf32>,
    %slice3A_161 = vector.extract_strided_slice %dot_general3A_122 {offsets = [0, 1024], sizes = [64, 1024], strides = [1, 1]} : vector<64x4096xf32> to vector<64x1024xf32>
    %slice3A_162 = vector.extract_strided_slice %dot_general3A_130 {offsets = [64, 0], sizes = [64, 1024], strides = [1, 1]} : vector<256x1024xf32> to vector<64x1024xf32>
    %add3A_163 = arith.addf %slice3A_161, %slice3A_162 : vector<64x1024xf32>
    %mul3A_164 = arith.mulf %add3A_163, %add3A_163 : vector<64x1024xf32>
    %dot_general3A_165 = arith.constant dense<0.000000e+00> : vector<1x1024xf32>
    %dot_general3A_166 = tpu.matmul %broadcast_in_dim3A_138, %mul3A_164, %dot_general3A_165 {dimension_numbers = #tpu.dot_dimension_numbers<[1], [0], [0], [1], [0, 0, 1, 1], [], []>, transpose_lhs_hint = false} : vector<1x64xf32>, vector<64x1024xf32>, vector<1x1024xf32> -> vector<1x1024xf32>
    %mul3A_167 = arith.constant 1.562500e-02 : f32
    %mul3A_168 = vector.broadcast %mul3A_167 : f32 to vector<1x1024xf32>
    %mul3A_169 = arith.mulf %dot_general3A_166, %mul3A_168 : vector<1x1024xf32>
    %add3A_170 = arith.constant 9.99999974E-6 : f32
    %add3A_171 = vector.broadcast %add3A_170 : f32 to vector<1x1024xf32>
    %add3A_172 = arith.addf %mul3A_169, %add3A_171 : vector<1x1024xf32>
    %rsqrt3A_173 = math.rsqrt %add3A_172 : vector<1x1024xf32>
    %mul3A_174 = vector.broadcast %rsqrt3A_173 : vector<1x1024xf32> to vector<64x1024xf32>
    %mul3A_175 = arith.mulf %add3A_163, %mul3A_174 : vector<64x1024xf32>
    %mul3A_176 = vector.broadcast %get3A_133 : vector<64x1xf32> to vector<64x1024xf32>
    %mul3A_177 = arith.mulf %mul3A_175, %mul3A_176 : vector<64x1024xf32>
    %add3A_178 = vector.broadcast %get3A_136 : vector<64x1xf32> to vector<64x1024xf32>
    %add3A_179 = arith.addf %mul3A_177, %add3A_178 : vector<64x1024xf32>
    %swap3A_180 = arith.constant 0 : index
    %swap3A_181 = arith.constant 0 : index
    %swap3A_182 = arith.constant 1024 : index
    %swap3A_183 = vector.load %arg15[%swap3A_180, %swap3A_181, %swap3A_182] : memref<1x64x4096xf32, #tpu.memory_space<vmem>>, vector<1x64x1024xf32>
    %swap3A_184 = vector.shape_cast %swap3A_183 : vector<1x64x1024xf32> to vector<64x1024xf32>
    %swap3A_185 = vector.shape_cast %add3A_179 : vector<64x1024xf32> to vector<1x64x1024xf32>
    tpu.vector_store %arg15[%swap3A_180, %swap3A_181, %swap3A_182], %swap3A_185 {strides = array<i32>} : memref<1x64x4096xf32, #tpu.memory_space<vmem>>, vector<1x64x1024xf32>,
    %slice3A_186 = vector.extract_strided_slice %dot_general3A_122 {offsets = [0, 2048], sizes = [64, 1024], strides = [1, 1]} : vector<64x4096xf32> to vector<64x1024xf32>
    %slice3A_187 = vector.extract_strided_slice %dot_general3A_130 {offsets = [128, 0], sizes = [64, 1024], strides = [1, 1]} : vector<256x1024xf32> to vector<64x1024xf32>
    %add3A_188 = arith.addf %slice3A_186, %slice3A_187 : vector<64x1024xf32>
    %mul3A_189 = arith.mulf %add3A_188, %add3A_188 : vector<64x1024xf32>
    %dot_general3A_190 = arith.constant dense<0.000000e+00> : vector<1x1024xf32>
    %dot_general3A_191 = tpu.matmul %broadcast_in_dim3A_138, %mul3A_189, %dot_general3A_190 {dimension_numbers = #tpu.dot_dimension_numbers<[1], [0], [0], [1], [0, 0, 1, 1], [], []>, transpose_lhs_hint = false} : vector<1x64xf32>, vector<64x1024xf32>, vector<1x1024xf32> -> vector<1x1024xf32>
    %mul3A_192 = arith.constant 1.562500e-02 : f32
    %mul3A_193 = vector.broadcast %mul3A_192 : f32 to vector<1x1024xf32>
    %mul3A_194 = arith.mulf %dot_general3A_191, %mul3A_193 : vector<1x1024xf32>
    %add3A_195 = arith.constant 9.99999974E-6 : f32
    %add3A_196 = vector.broadcast %add3A_195 : f32 to vector<1x1024xf32>
    %add3A_197 = arith.addf %mul3A_194, %add3A_196 : vector<1x1024xf32>
    %rsqrt3A_198 = math.rsqrt %add3A_197 : vector<1x1024xf32>
    %mul3A_199 = vector.broadcast %rsqrt3A_198 : vector<1x1024xf32> to vector<64x1024xf32>
    %mul3A_200 = arith.mulf %add3A_188, %mul3A_199 : vector<64x1024xf32>
    %mul3A_201 = vector.broadcast %get3A_133 : vector<64x1xf32> to vector<64x1024xf32>
    %mul3A_202 = arith.mulf %mul3A_200, %mul3A_201 : vector<64x1024xf32>
    %add3A_203 = vector.broadcast %get3A_136 : vector<64x1xf32> to vector<64x1024xf32>
    %add3A_204 = arith.addf %mul3A_202, %add3A_203 : vector<64x1024xf32>
    %swap3A_205 = arith.constant 0 : index
    %swap3A_206 = arith.constant 0 : index
    %swap3A_207 = arith.constant 2048 : index
    %swap3A_208 = vector.load %arg15[%swap3A_205, %swap3A_206, %swap3A_207] : memref<1x64x4096xf32, #tpu.memory_space<vmem>>, vector<1x64x1024xf32>
    %swap3A_209 = vector.shape_cast %swap3A_208 : vector<1x64x1024xf32> to vector<64x1024xf32>
    %swap3A_210 = vector.shape_cast %add3A_204 : vector<64x1024xf32> to vector<1x64x1024xf32>
    tpu.vector_store %arg15[%swap3A_205, %swap3A_206, %swap3A_207], %swap3A_210 {strides = array<i32>} : memref<1x64x4096xf32, #tpu.memory_space<vmem>>, vector<1x64x1024xf32>,
    %slice3A_211 = vector.extract_strided_slice %dot_general3A_122 {offsets = [0, 3072], sizes = [64, 1024], strides = [1, 1]} : vector<64x4096xf32> to vector<64x1024xf32>
    %slice3A_212 = vector.extract_strided_slice %dot_general3A_130 {offsets = [192, 0], sizes = [64, 1024], strides = [1, 1]} : vector<256x1024xf32> to vector<64x1024xf32>
    %add3A_213 = arith.addf %slice3A_211, %slice3A_212 : vector<64x1024xf32>
    %mul3A_214 = arith.mulf %add3A_213, %add3A_213 : vector<64x1024xf32>
    %dot_general3A_215 = arith.constant dense<0.000000e+00> : vector<1x1024xf32>
    %dot_general3A_216 = tpu.matmul %broadcast_in_dim3A_138, %mul3A_214, %dot_general3A_215 {dimension_numbers = #tpu.dot_dimension_numbers<[1], [0], [0], [1], [0, 0, 1, 1], [], []>, transpose_lhs_hint = false} : vector<1x64xf32>, vector<64x1024xf32>, vector<1x1024xf32> -> vector<1x1024xf32>
    %mul3A_217 = arith.constant 1.562500e-02 : f32
    %mul3A_218 = vector.broadcast %mul3A_217 : f32 to vector<1x1024xf32>
    %mul3A_219 = arith.mulf %dot_general3A_216, %mul3A_218 : vector<1x1024xf32>
    %add3A_220 = arith.constant 9.99999974E-6 : f32
    %add3A_221 = vector.broadcast %add3A_220 : f32 to vector<1x1024xf32>
    %add3A_222 = arith.addf %mul3A_219, %add3A_221 : vector<1x1024xf32>
    %rsqrt3A_223 = math.rsqrt %add3A_222 : vector<1x1024xf32>
    %mul3A_224 = vector.broadcast %rsqrt3A_223 : vector<1x1024xf32> to vector<64x1024xf32>
    %mul3A_225 = arith.mulf %add3A_213, %mul3A_224 : vector<64x1024xf32>
    %mul3A_226 = vector.broadcast %get3A_133 : vector<64x1xf32> to vector<64x1024xf32>
    %mul3A_227 = arith.mulf %mul3A_225, %mul3A_226 : vector<64x1024xf32>
    %add3A_228 = vector.broadcast %get3A_136 : vector<64x1xf32> to vector<64x1024xf32>
    %add3A_229 = arith.addf %mul3A_227, %add3A_228 : vector<64x1024xf32>
    %swap3A_230 = arith.constant 0 : index
    %swap3A_231 = arith.constant 0 : index
    %swap3A_232 = arith.constant 3072 : index
    %swap3A_233 = vector.load %arg15[%swap3A_230, %swap3A_231, %swap3A_232] : memref<1x64x4096xf32, #tpu.memory_space<vmem>>, vector<1x64x1024xf32>
    %swap3A_234 = vector.shape_cast %swap3A_233 : vector<1x64x1024xf32> to vector<64x1024xf32>
    %swap3A_235 = vector.shape_cast %add3A_229 : vector<64x1024xf32> to vector<1x64x1024xf32>
    tpu.vector_store %arg15[%swap3A_230, %swap3A_231, %swap3A_232], %swap3A_235 {strides = array<i32>} : memref<1x64x4096xf32, #tpu.memory_space<vmem>>, vector<1x64x1024xf32>,
    return
  }
  func.func @transform_0(%arg0: i32) -> (i32, i32, i32) {
    %add3A = arith.constant 100 : i32
    %add3A_0 = arith.addi %arg0, %add3A : i32
    %c0_i32 = arith.constant 0 : i32
    %c0_i32_1 = arith.constant 0 : i32
    %c0_i32_2 = arith.constant 0 : i32
    return %add3A_0, %c0_i32, %c0_i32_1 : i32, i32, i32
  }
  func.func @transform_1(%arg0: i32) -> (i32, i32, i32) {
    %add3A = arith.constant 100 : i32
    %add3A_0 = arith.addi %arg0, %add3A : i32
    %c0_i32 = arith.constant 0 : i32
    %c0_i32_1 = arith.constant 0 : i32
    %c0_i32_2 = arith.constant 0 : i32
    return %add3A_0, %c0_i32, %c0_i32_1 : i32, i32, i32
  }
  func.func @transform_2(%arg0: i32) -> (i32, i32, i32) {
    %add3A = arith.constant 100 : i32
    %add3A_0 = arith.addi %arg0, %add3A : i32
    %c0_i32 = arith.constant 0 : i32
    %c0_i32_1 = arith.constant 0 : i32
    %c0_i32_2 = arith.constant 0 : i32
    return %add3A_0, %c0_i32, %c0_i32_1 : i32, i32, i32
  }
  func.func @transform_3(%arg0: i32) -> (i32, i32, i32) {
    %add3A = arith.constant 100 : i32
    %add3A_0 = arith.addi %arg0, %add3A : i32
    %c0_i32 = arith.constant 0 : i32
    %c0_i32_1 = arith.constant 0 : i32
    %c0_i32_2 = arith.constant 0 : i32
    return %add3A_0, %c0_i32, %c0_i32_1 : i32, i32, i32
  }
  func.func @transform_4(%arg0: i32) -> (i32, i32, i32) {
    %add3A = arith.constant 100 : i32
    %add3A_0 = arith.addi %arg0, %add3A : i32
    %c0_i32 = arith.constant 0 : i32
    %c0_i32_1 = arith.constant 0 : i32
    %c0_i32_2 = arith.constant 0 : i32
    return %add3A_0, %c0_i32, %c0_i32_1 : i32, i32, i32
  }
  func.func @transform_5(%arg0: i32) -> (i32, i32, i32) {
    %add3A = arith.constant 100 : i32
    %add3A_0 = arith.addi %arg0, %add3A : i32
    %c0_i32 = arith.constant 0 : i32
    %c0_i32_1 = arith.constant 0 : i32
    %c0_i32_2 = arith.constant 0 : i32
    return %add3A_0, %c0_i32, %c0_i32_1 : i32, i32, i32
  }
  func.func @transform_6(%arg0: i32) -> (i32, i32, i32) {
    %add3A = arith.constant 100 : i32
    %add3A_0 = arith.addi %arg0, %add3A : i32
    %c0_i32 = arith.constant 0 : i32
    %c0_i32_1 = arith.constant 0 : i32
    %c0_i32_2 = arith.constant 0 : i32
    return %add3A_0, %c0_i32, %c0_i32_1 : i32, i32, i32
  }
  func.func @transform_7(%arg0: i32) -> (i32, i32, i32) {
    %add3A = arith.constant 100 : i32
    %add3A_0 = arith.addi %arg0, %add3A : i32
    %c0_i32 = arith.constant 0 : i32
    %c0_i32_1 = arith.constant 0 : i32
    %c0_i32_2 = arith.constant 0 : i32
    return %add3A_0, %c0_i32, %c0_i32_1 : i32, i32, i32
  }
  func.func @transform_8(%arg0: i32) -> (i32, i32) {
    %c0_i32 = arith.constant 0 : i32
    %c0_i32_0 = arith.constant 0 : i32
    return %arg0, %c0_i32 : i32, i32
  }
  func.func @transform_9(%arg0: i32) -> (i32, i32) {
    %c0_i32 = arith.constant 0 : i32
    %c0_i32_0 = arith.constant 0 : i32
    %c0_i32_1 = arith.constant 0 : i32
    return %c0_i32, %c0_i32_0 : i32, i32
  }
  func.func @transform_10(%arg0: i32) -> (i32, i32) {
    %c0_i32 = arith.constant 0 : i32
    %c0_i32_0 = arith.constant 0 : i32
    %c0_i32_1 = arith.constant 0 : i32
    return %c0_i32, %c0_i32_0 : i32, i32
  }
  func.func @transform_11(%arg0: i32) -> (i32, i32) {
    %c0_i32 = arith.constant 0 : i32
    %c0_i32_0 = arith.constant 0 : i32
    %c0_i32_1 = arith.constant 0 : i32
    return %c0_i32, %c0_i32_0 : i32, i32
  }
  func.func @transform_12(%arg0: i32) -> (i32, i32) {
    %c0_i32 = arith.constant 0 : i32
    %c0_i32_0 = arith.constant 0 : i32
    %c0_i32_1 = arith.constant 0 : i32
    return %c0_i32, %c0_i32_0 : i32, i32
  }
  func.func @transform_14(%arg0: i32) -> (i32, i32, i32) {
    %add3A = arith.constant 100 : i32
    %add3A_0 = arith.addi %arg0, %add3A : i32
    %c0_i32 = arith.constant 0 : i32
    %c0_i32_1 = arith.constant 0 : i32
    %c0_i32_2 = arith.constant 0 : i32
    return %add3A_0, %c0_i32, %c0_i32_1 : i32, i32, i32
  }
}

module attributes {stable_mosaic.version = 14 : i64} {
  func.func @body2(%arg0: i32, %arg1: memref<1x1x4096xi32, #tpu.memory_space<vmem>>, %arg2: memref<1x1x4096xi32, #tpu.memory_space<vmem>>, %arg3: memref<1x1x4096xi32, #tpu.memory_space<vmem>>, %arg4: memref<1x1x4096xi32, #tpu.memory_space<vmem>>, %arg5: memref<1x1x4096xf32, #tpu.memory_space<vmem>>, %arg6: memref<1x1x4096xf32, #tpu.memory_space<vmem>>, %arg7: memref<1x1x4096xf32, #tpu.memory_space<vmem>>, %arg8: memref<1x1x4096xf32, #tpu.memory_space<vmem>>, %arg9: memref<1024x128xf32, #tpu.memory_space<vmem>>, %arg10: memref<128x256xf32, #tpu.memory_space<vmem>>, %arg11: memref<41x64xf32, #tpu.memory_space<vmem>>, %arg12: memref<8x1xf32, #tpu.memory_space<vmem>>, %arg13: memref<64x2xf32, #tpu.memory_space<vmem>>, %arg14: memref<200x64x4096xf32, #tpu.memory_space<any>>, %arg15: memref<1x64x4096xf32, #tpu.memory_space<vmem>>) attributes {dimension_semantics = [#tpu.dimension_semantics<arbitrary>], iteration_bounds = array<i64: 50>, scalar_prefetch = 0 : i64, scratch_operands = 0 : i64, tpu.core_type = #tpu.core_type<tc>, window_params = [{transform_indices = @transform_0, window_bounds = array<i64: 1, 1, 4096>}, {transform_indices = @transform_1, window_bounds = array<i64: 1, 1, 4096>}, {transform_indices = @transform_2, window_bounds = array<i64: 1, 1, 4096>}, {transform_indices = @transform_3, window_bounds = array<i64: 1, 1, 4096>}, {transform_indices = @transform_4, window_bounds = array<i64: 1, 1, 4096>}, {transform_indices = @transform_5, window_bounds = array<i64: 1, 1, 4096>}, {transform_indices = @transform_6, window_bounds = array<i64: 1, 1, 4096>}, {transform_indices = @transform_7, window_bounds = array<i64: 1, 1, 4096>}, {transform_indices = @transform_8, window_bounds = array<i64: 1024, 128>}, {pipeline_mode = #tpu.pipeline_mode<synchronous>, transform_indices = @transform_9, window_bounds = array<i64: 128, 256>}, {pipeline_mode = #tpu.pipeline_mode<synchronous>, transform_indices = @transform_10, window_bounds = array<i64: 41, 64>}, {pipeline_mode = #tpu.pipeline_mode<synchronous>, transform_indices = @transform_11, window_bounds = array<i64: 8, 1>}, {pipeline_mode = #tpu.pipeline_mode<synchronous>, transform_indices = @transform_12, window_bounds = array<i64: 64, 2>}, {}, {transform_indices = @transform_14, window_bounds = array<i64: 1, 64, 4096>}]} {
    %get3A = arith.constant 0 : index
    %get3A_0 = arith.constant 0 : index
    %get3A_1 = arith.constant 0 : index
    %get3A_2 = vector.load %arg1[%get3A, %get3A_0, %get3A_1] : memref<1x1x4096xi32, #tpu.memory_space<vmem>>, vector<1x1x4096xi32>
    %get3A_3 = vector.shape_cast %get3A_2 : vector<1x1x4096xi32> to vector<1x4096xi32>
    %get3A_4 = arith.constant 0 : index
    %get3A_5 = arith.constant 0 : index
    %get3A_6 = arith.constant 0 : index
    %get3A_7 = vector.load %arg2[%get3A_4, %get3A_5, %get3A_6] : memref<1x1x4096xi32, #tpu.memory_space<vmem>>, vector<1x1x4096xi32>
    %get3A_8 = vector.shape_cast %get3A_7 : vector<1x1x4096xi32> to vector<1x4096xi32>
    %get3A_9 = arith.constant 0 : index
    %get3A_10 = arith.constant 0 : index
    %get3A_11 = arith.constant 0 : index
    %get3A_12 = vector.load %arg3[%get3A_9, %get3A_10, %get3A_11] : memref<1x1x4096xi32, #tpu.memory_space<vmem>>, vector<1x1x4096xi32>
    %get3A_13 = vector.shape_cast %get3A_12 : vector<1x1x4096xi32> to vector<1x4096xi32>
    %get3A_14 = arith.constant 0 : index
    %get3A_15 = arith.constant 0 : index
    %get3A_16 = arith.constant 0 : index
    %get3A_17 = vector.load %arg4[%get3A_14, %get3A_15, %get3A_16] : memref<1x1x4096xi32, #tpu.memory_space<vmem>>, vector<1x1x4096xi32>
    %get3A_18 = vector.shape_cast %get3A_17 : vector<1x1x4096xi32> to vector<1x4096xi32>
    %iota3A = tpu.iota {dimensions = array<i32: 0>} : vector<20x4096xi32>
    %eq3A = vector.broadcast %get3A_3 : vector<1x4096xi32> to vector<20x4096xi32>
    %eq3A_19 = arith.cmpi eq, %iota3A, %eq3A : vector<20x4096xi32>
    %add3A = arith.constant 6 : i32
    %add3A_20 = vector.broadcast %add3A : i32 to vector<1x4096xi32>
    %add3A_21 = arith.addi %get3A_8, %add3A_20 : vector<1x4096xi32>
    %eq3A_22 = vector.broadcast %add3A_21 : vector<1x4096xi32> to vector<20x4096xi32>
    %eq3A_23 = arith.cmpi eq, %iota3A, %eq3A_22 : vector<20x4096xi32>
    %or3A = arith.ori %eq3A_19, %eq3A_23 : vector<20x4096xi1>
    %add3A_24 = arith.constant 14 : i32
    %add3A_25 = vector.broadcast %add3A_24 : i32 to vector<1x4096xi32>
    %add3A_26 = arith.addi %get3A_13, %add3A_25 : vector<1x4096xi32>
    %eq3A_27 = vector.broadcast %add3A_26 : vector<1x4096xi32> to vector<20x4096xi32>
    %eq3A_28 = arith.cmpi eq, %iota3A, %eq3A_27 : vector<20x4096xi32>
    %or3A_29 = arith.ori %or3A, %eq3A_28 : vector<20x4096xi1>
    %convert_element_type3A = arith.extui %or3A_29 : vector<20x4096xi1> to vector<20x4096xi32>
    %convert_element_type3A_30 = arith.sitofp %convert_element_type3A : vector<20x4096xi32> to vector<20x4096xf32>
    %abs3A = math.absi %get3A_18 : vector<1x4096xi32>
    %jit3A = arith.constant 0 : i32
    %jit3A_31 = arith.constant 364 : i32
    %max3A = vector.broadcast %jit3A : i32 to vector<1x4096xi32>
    %max3A_32 = arith.maxsi %max3A, %abs3A : vector<1x4096xi32>
    %min3A = vector.broadcast %jit3A_31 : i32 to vector<1x4096xi32>
    %min3A_33 = arith.minsi %min3A, %max3A_32 : vector<1x4096xi32>
    %convert_element_type3A_34 = arith.sitofp %min3A_33 : vector<1x4096xi32> to vector<1x4096xf32>
    %get3A_35 = arith.constant 0 : index
    %get3A_36 = arith.constant 0 : index
    %get3A_37 = vector.load %arg12[%get3A_35, %get3A_36] : memref<8x1xf32, #tpu.memory_space<vmem>>, vector<8x1xf32>
    %mul3A = vector.broadcast %get3A_37 : vector<8x1xf32> to vector<8x4096xf32>
    %mul3A_38 = vector.broadcast %convert_element_type3A_34 : vector<1x4096xf32> to vector<8x4096xf32>
    %mul3A_39 = arith.mulf %mul3A, %mul3A_38 : vector<8x4096xf32>
    %mul3A_40 = arith.constant 0.159154937 : f32
    %mul3A_41 = vector.broadcast %mul3A_40 : f32 to vector<8x4096xf32>
    %mul3A_42 = arith.mulf %mul3A_39, %mul3A_41 : vector<8x4096xf32>
    %add3A_43 = arith.constant 5.000000e-01 : f32
    %add3A_44 = vector.broadcast %add3A_43 : f32 to vector<8x4096xf32>
    %add3A_45 = arith.addf %mul3A_42, %add3A_44 : vector<8x4096xf32>
    %convert_element_type3A_46 = arith.fptosi %add3A_45 : vector<8x4096xf32> to vector<8x4096xi32>
    %convert_element_type3A_47 = arith.sitofp %convert_element_type3A_46 : vector<8x4096xi32> to vector<8x4096xf32>
    %mul3A_48 = arith.constant 6.281250e+00 : f32
    %mul3A_49 = vector.broadcast %mul3A_48 : f32 to vector<8x4096xf32>
    %mul3A_50 = arith.mulf %convert_element_type3A_47, %mul3A_49 : vector<8x4096xf32>
    %sub3A = arith.subf %mul3A_39, %mul3A_50 : vector<8x4096xf32>
    %mul3A_51 = arith.constant 0.00193530717 : f32
    %mul3A_52 = vector.broadcast %mul3A_51 : f32 to vector<8x4096xf32>
    %mul3A_53 = arith.mulf %convert_element_type3A_47, %mul3A_52 : vector<8x4096xf32>
    %sub3A_54 = arith.subf %sub3A, %mul3A_53 : vector<8x4096xf32>
    %mul3A_55 = arith.mulf %sub3A_54, %sub3A_54 : vector<8x4096xf32>
    %mul3A_56 = arith.constant 2.173210e-06 : f32
    %mul3A_57 = vector.broadcast %mul3A_56 : f32 to vector<8x4096xf32>
    %mul3A_58 = arith.mulf %mul3A_55, %mul3A_57 : vector<8x4096xf32>
    %add3A_59 = arith.constant -1.93161817E-4 : f32
    %add3A_60 = vector.broadcast %add3A_59 : f32 to vector<8x4096xf32>
    %add3A_61 = arith.addf %add3A_60, %mul3A_58 : vector<8x4096xf32>
    %mul3A_62 = arith.mulf %mul3A_55, %add3A_61 : vector<8x4096xf32>
    %add3A_63 = arith.constant 0.00831238274 : f32
    %add3A_64 = vector.broadcast %add3A_63 : f32 to vector<8x4096xf32>
    %add3A_65 = arith.addf %add3A_64, %mul3A_62 : vector<8x4096xf32>
    %mul3A_66 = arith.mulf %mul3A_55, %add3A_65 : vector<8x4096xf32>
    %add3A_67 = arith.constant -0.166632578 : f32
    %add3A_68 = vector.broadcast %add3A_67 : f32 to vector<8x4096xf32>
    %add3A_69 = arith.addf %add3A_68, %mul3A_66 : vector<8x4096xf32>
    %mul3A_70 = arith.mulf %mul3A_55, %add3A_69 : vector<8x4096xf32>
    %add3A_71 = arith.constant 0.999984562 : f32
    %add3A_72 = vector.broadcast %add3A_71 : f32 to vector<8x4096xf32>
    %add3A_73 = arith.addf %add3A_72, %mul3A_70 : vector<8x4096xf32>
    %mul3A_74 = arith.mulf %sub3A_54, %add3A_73 : vector<8x4096xf32>
    %mul3A_75 = arith.constant -2.21936943E-7 : f32
    %mul3A_76 = vector.broadcast %mul3A_75 : f32 to vector<8x4096xf32>
    %mul3A_77 = arith.mulf %mul3A_55, %mul3A_76 : vector<8x4096xf32>
    %add3A_78 = arith.constant 2.42531387E-5 : f32
    %add3A_79 = vector.broadcast %add3A_78 : f32 to vector<8x4096xf32>
    %add3A_80 = arith.addf %add3A_79, %mul3A_77 : vector<8x4096xf32>
    %mul3A_81 = arith.mulf %mul3A_55, %add3A_80 : vector<8x4096xf32>
    %add3A_82 = arith.constant -0.00138627435 : f32
    %add3A_83 = vector.broadcast %add3A_82 : f32 to vector<8x4096xf32>
    %add3A_84 = arith.addf %add3A_83, %mul3A_81 : vector<8x4096xf32>
    %mul3A_85 = arith.mulf %mul3A_55, %add3A_84 : vector<8x4096xf32>
    %add3A_86 = arith.constant 0.0416610315 : f32
    %add3A_87 = vector.broadcast %add3A_86 : f32 to vector<8x4096xf32>
    %add3A_88 = arith.addf %add3A_87, %mul3A_85 : vector<8x4096xf32>
    %mul3A_89 = arith.mulf %mul3A_55, %add3A_88 : vector<8x4096xf32>
    %add3A_90 = arith.constant -0.499995589 : f32
    %add3A_91 = vector.broadcast %add3A_90 : f32 to vector<8x4096xf32>
    %add3A_92 = arith.addf %add3A_91, %mul3A_89 : vector<8x4096xf32>
    %mul3A_93 = arith.mulf %mul3A_55, %add3A_92 : vector<8x4096xf32>
    %add3A_94 = arith.constant 0.999999463 : f32
    %add3A_95 = vector.broadcast %add3A_94 : f32 to vector<8x4096xf32>
    %add3A_96 = arith.addf %add3A_95, %mul3A_93 : vector<8x4096xf32>
    %get3A_97 = arith.constant 0 : index
    %get3A_98 = arith.constant 0 : index
    %get3A_99 = arith.constant 0 : index
    %get3A_100 = vector.load %arg5[%get3A_97, %get3A_98, %get3A_99] : memref<1x1x4096xf32, #tpu.memory_space<vmem>>, vector<1x1x4096xf32>
    %get3A_101 = vector.shape_cast %get3A_100 : vector<1x1x4096xf32> to vector<1x4096xf32>
    %get3A_102 = arith.constant 0 : index
    %get3A_103 = arith.constant 0 : index
    %get3A_104 = arith.constant 0 : index
    %get3A_105 = vector.load %arg6[%get3A_102, %get3A_103, %get3A_104] : memref<1x1x4096xf32, #tpu.memory_space<vmem>>, vector<1x1x4096xf32>
    %get3A_106 = vector.shape_cast %get3A_105 : vector<1x1x4096xf32> to vector<1x4096xf32>
    %get3A_107 = arith.constant 0 : index
    %get3A_108 = arith.constant 0 : index
    %get3A_109 = arith.constant 0 : index
    %get3A_110 = vector.load %arg7[%get3A_107, %get3A_108, %get3A_109] : memref<1x1x4096xf32, #tpu.memory_space<vmem>>, vector<1x1x4096xf32>
    %get3A_111 = vector.shape_cast %get3A_110 : vector<1x1x4096xf32> to vector<1x4096xf32>
    %get3A_112 = arith.constant 0 : index
    %get3A_113 = arith.constant 0 : index
    %get3A_114 = arith.constant 0 : index
    %get3A_115 = vector.load %arg8[%get3A_112, %get3A_113, %get3A_114] : memref<1x1x4096xf32, #tpu.memory_space<vmem>>, vector<1x1x4096xf32>
    %get3A_116 = vector.shape_cast %get3A_115 : vector<1x1x4096xf32> to vector<1x4096xf32>
    %concatenate3A = tpu.concatenate %get3A_101, %get3A_106, %get3A_111, %get3A_116 in 0 : vector<1x4096xf32>, vector<1x4096xf32>, vector<1x4096xf32>, vector<1x4096xf32> -> vector<4x4096xf32>
    %broadcast_in_dim3A = arith.constant 1.000000e+00 : f32
    %broadcast_in_dim3A_117 = vector.broadcast %broadcast_in_dim3A : f32 to vector<1x4096xf32>
    %concatenate3A_118 = tpu.concatenate %convert_element_type3A_30, %mul3A_74, %add3A_96, %concatenate3A, %broadcast_in_dim3A_117 in 0 : vector<20x4096xf32>, vector<8x4096xf32>, vector<8x4096xf32>, vector<4x4096xf32>, vector<1x4096xf32> -> vector<41x4096xf32>
    %get3A_119 = arith.constant 0 : index
    %get3A_120 = arith.constant 0 : index
    %get3A_121 = vector.load %arg11[%get3A_119, %get3A_120] : memref<41x64xf32, #tpu.memory_space<vmem>>, vector<41x64xf32>
    %dot_general3A = arith.constant dense<0.000000e+00> : vector<64x4096xf32>
    %dot_general3A_122 = tpu.matmul %get3A_121, %concatenate3A_118, %dot_general3A {dimension_numbers = #tpu.dot_dimension_numbers<[0], [0], [1], [1], [0, 1, 1, 1], [], []>, transpose_lhs_hint = false} : vector<41x64xf32>, vector<41x4096xf32>, vector<64x4096xf32> -> vector<64x4096xf32>
    %get3A_123 = arith.constant 0 : index
    %get3A_124 = arith.constant 0 : index
    %get3A_125 = vector.load %arg9[%get3A_123, %get3A_124] : memref<1024x128xf32, #tpu.memory_space<vmem>>, vector<1024x128xf32>
    %transpose3A = tpu.transpose %get3A_125, [1, 0] : vector<1024x128xf32> -> vector<128x1024xf32>
    %get3A_126 = arith.constant 0 : index
    %get3A_127 = arith.constant 0 : index
    %get3A_128 = vector.load %arg10[%get3A_126, %get3A_127] : memref<128x256xf32, #tpu.memory_space<vmem>>, vector<128x256xf32>
    %dot_general3A_129 = arith.constant dense<0.000000e+00> : vector<256x1024xf32>
    %dot_general3A_130 = tpu.matmul %get3A_128, %transpose3A, %dot_general3A_129 {dimension_numbers = #tpu.dot_dimension_numbers<[0], [0], [1], [1], [0, 1, 1, 1], [], []>, transpose_lhs_hint = false} : vector<128x256xf32>, vector<128x1024xf32>, vector<256x1024xf32> -> vector<256x1024xf32>
    %get3A_131 = arith.constant 0 : index
    %get3A_132 = arith.constant 0 : index
    %get3A_133 = vector.load %arg13[%get3A_131, %get3A_132] : memref<64x2xf32, #tpu.memory_space<vmem>>, vector<64x1xf32>
    %get3A_134 = arith.constant 0 : index
    %get3A_135 = arith.constant 1 : index
    %get3A_136 = vector.load %arg13[%get3A_134, %get3A_135] : memref<64x2xf32, #tpu.memory_space<vmem>>, vector<64x1xf32>
    %broadcast_in_dim3A_137 = arith.constant 1.000000e+00 : f32
    %broadcast_in_dim3A_138 = vector.broadcast %broadcast_in_dim3A_137 : f32 to vector<1x64xf32>
    %slice3A = vector.extract_strided_slice %dot_general3A_122 {offsets = [0, 0], sizes = [64, 1024], strides = [1, 1]} : vector<64x4096xf32> to vector<64x1024xf32>
    %slice3A_139 = vector.extract_strided_slice %dot_general3A_130 {offsets = [0, 0], sizes = [64, 1024], strides = [1, 1]} : vector<256x1024xf32> to vector<64x1024xf32>
    %add3A_140 = arith.addf %slice3A, %slice3A_139 : vector<64x1024xf32>
    %mul3A_141 = arith.mulf %add3A_140, %add3A_140 : vector<64x1024xf32>
    %dot_general3A_142 = arith.constant dense<0.000000e+00> : vector<1x1024xf32>
    %dot_general3A_143 = tpu.matmul %broadcast_in_dim3A_138, %mul3A_141, %dot_general3A_142 {dimension_numbers = #tpu.dot_dimension_numbers<[1], [0], [0], [1], [0, 0, 1, 1], [], []>, transpose_lhs_hint = false} : vector<1x64xf32>, vector<64x1024xf32>, vector<1x1024xf32> -> vector<1x1024xf32>
    %mul3A_144 = arith.constant 1.562500e-02 : f32
    %mul3A_145 = vector.broadcast %mul3A_144 : f32 to vector<1x1024xf32>
    %mul3A_146 = arith.mulf %dot_general3A_143, %mul3A_145 : vector<1x1024xf32>
    %add3A_147 = arith.constant 9.99999974E-6 : f32
    %add3A_148 = vector.broadcast %add3A_147 : f32 to vector<1x1024xf32>
    %add3A_149 = arith.addf %mul3A_146, %add3A_148 : vector<1x1024xf32>
    %rsqrt3A = math.rsqrt %add3A_149 : vector<1x1024xf32>
    %mul3A_150 = vector.broadcast %rsqrt3A : vector<1x1024xf32> to vector<64x1024xf32>
    %mul3A_151 = arith.mulf %add3A_140, %mul3A_150 : vector<64x1024xf32>
    %mul3A_152 = vector.broadcast %get3A_133 : vector<64x1xf32> to vector<64x1024xf32>
    %mul3A_153 = arith.mulf %mul3A_151, %mul3A_152 : vector<64x1024xf32>
    %add3A_154 = vector.broadcast %get3A_136 : vector<64x1xf32> to vector<64x1024xf32>
    %add3A_155 = arith.addf %mul3A_153, %add3A_154 : vector<64x1024xf32>
    %swap3A = arith.constant 0 : index
    %swap3A_156 = arith.constant 0 : index
    %swap3A_157 = arith.constant 0 : index
    %swap3A_158 = vector.load %arg15[%swap3A, %swap3A_156, %swap3A_157] : memref<1x64x4096xf32, #tpu.memory_space<vmem>>, vector<1x64x1024xf32>
    %swap3A_159 = vector.shape_cast %swap3A_158 : vector<1x64x1024xf32> to vector<64x1024xf32>
    %swap3A_160 = vector.shape_cast %add3A_155 : vector<64x1024xf32> to vector<1x64x1024xf32>
    tpu.vector_store %arg15[%swap3A, %swap3A_156, %swap3A_157], %swap3A_160 {strides = array<i32>} : memref<1x64x4096xf32, #tpu.memory_space<vmem>>, vector<1x64x1024xf32>,
    %slice3A_161 = vector.extract_strided_slice %dot_general3A_122 {offsets = [0, 1024], sizes = [64, 1024], strides = [1, 1]} : vector<64x4096xf32> to vector<64x1024xf32>
    %slice3A_162 = vector.extract_strided_slice %dot_general3A_130 {offsets = [64, 0], sizes = [64, 1024], strides = [1, 1]} : vector<256x1024xf32> to vector<64x1024xf32>
    %add3A_163 = arith.addf %slice3A_161, %slice3A_162 : vector<64x1024xf32>
    %mul3A_164 = arith.mulf %add3A_163, %add3A_163 : vector<64x1024xf32>
    %dot_general3A_165 = arith.constant dense<0.000000e+00> : vector<1x1024xf32>
    %dot_general3A_166 = tpu.matmul %broadcast_in_dim3A_138, %mul3A_164, %dot_general3A_165 {dimension_numbers = #tpu.dot_dimension_numbers<[1], [0], [0], [1], [0, 0, 1, 1], [], []>, transpose_lhs_hint = false} : vector<1x64xf32>, vector<64x1024xf32>, vector<1x1024xf32> -> vector<1x1024xf32>
    %mul3A_167 = arith.constant 1.562500e-02 : f32
    %mul3A_168 = vector.broadcast %mul3A_167 : f32 to vector<1x1024xf32>
    %mul3A_169 = arith.mulf %dot_general3A_166, %mul3A_168 : vector<1x1024xf32>
    %add3A_170 = arith.constant 9.99999974E-6 : f32
    %add3A_171 = vector.broadcast %add3A_170 : f32 to vector<1x1024xf32>
    %add3A_172 = arith.addf %mul3A_169, %add3A_171 : vector<1x1024xf32>
    %rsqrt3A_173 = math.rsqrt %add3A_172 : vector<1x1024xf32>
    %mul3A_174 = vector.broadcast %rsqrt3A_173 : vector<1x1024xf32> to vector<64x1024xf32>
    %mul3A_175 = arith.mulf %add3A_163, %mul3A_174 : vector<64x1024xf32>
    %mul3A_176 = vector.broadcast %get3A_133 : vector<64x1xf32> to vector<64x1024xf32>
    %mul3A_177 = arith.mulf %mul3A_175, %mul3A_176 : vector<64x1024xf32>
    %add3A_178 = vector.broadcast %get3A_136 : vector<64x1xf32> to vector<64x1024xf32>
    %add3A_179 = arith.addf %mul3A_177, %add3A_178 : vector<64x1024xf32>
    %swap3A_180 = arith.constant 0 : index
    %swap3A_181 = arith.constant 0 : index
    %swap3A_182 = arith.constant 1024 : index
    %swap3A_183 = vector.load %arg15[%swap3A_180, %swap3A_181, %swap3A_182] : memref<1x64x4096xf32, #tpu.memory_space<vmem>>, vector<1x64x1024xf32>
    %swap3A_184 = vector.shape_cast %swap3A_183 : vector<1x64x1024xf32> to vector<64x1024xf32>
    %swap3A_185 = vector.shape_cast %add3A_179 : vector<64x1024xf32> to vector<1x64x1024xf32>
    tpu.vector_store %arg15[%swap3A_180, %swap3A_181, %swap3A_182], %swap3A_185 {strides = array<i32>} : memref<1x64x4096xf32, #tpu.memory_space<vmem>>, vector<1x64x1024xf32>,
    %slice3A_186 = vector.extract_strided_slice %dot_general3A_122 {offsets = [0, 2048], sizes = [64, 1024], strides = [1, 1]} : vector<64x4096xf32> to vector<64x1024xf32>
    %slice3A_187 = vector.extract_strided_slice %dot_general3A_130 {offsets = [128, 0], sizes = [64, 1024], strides = [1, 1]} : vector<256x1024xf32> to vector<64x1024xf32>
    %add3A_188 = arith.addf %slice3A_186, %slice3A_187 : vector<64x1024xf32>
    %mul3A_189 = arith.mulf %add3A_188, %add3A_188 : vector<64x1024xf32>
    %dot_general3A_190 = arith.constant dense<0.000000e+00> : vector<1x1024xf32>
    %dot_general3A_191 = tpu.matmul %broadcast_in_dim3A_138, %mul3A_189, %dot_general3A_190 {dimension_numbers = #tpu.dot_dimension_numbers<[1], [0], [0], [1], [0, 0, 1, 1], [], []>, transpose_lhs_hint = false} : vector<1x64xf32>, vector<64x1024xf32>, vector<1x1024xf32> -> vector<1x1024xf32>
    %mul3A_192 = arith.constant 1.562500e-02 : f32
    %mul3A_193 = vector.broadcast %mul3A_192 : f32 to vector<1x1024xf32>
    %mul3A_194 = arith.mulf %dot_general3A_191, %mul3A_193 : vector<1x1024xf32>
    %add3A_195 = arith.constant 9.99999974E-6 : f32
    %add3A_196 = vector.broadcast %add3A_195 : f32 to vector<1x1024xf32>
    %add3A_197 = arith.addf %mul3A_194, %add3A_196 : vector<1x1024xf32>
    %rsqrt3A_198 = math.rsqrt %add3A_197 : vector<1x1024xf32>
    %mul3A_199 = vector.broadcast %rsqrt3A_198 : vector<1x1024xf32> to vector<64x1024xf32>
    %mul3A_200 = arith.mulf %add3A_188, %mul3A_199 : vector<64x1024xf32>
    %mul3A_201 = vector.broadcast %get3A_133 : vector<64x1xf32> to vector<64x1024xf32>
    %mul3A_202 = arith.mulf %mul3A_200, %mul3A_201 : vector<64x1024xf32>
    %add3A_203 = vector.broadcast %get3A_136 : vector<64x1xf32> to vector<64x1024xf32>
    %add3A_204 = arith.addf %mul3A_202, %add3A_203 : vector<64x1024xf32>
    %swap3A_205 = arith.constant 0 : index
    %swap3A_206 = arith.constant 0 : index
    %swap3A_207 = arith.constant 2048 : index
    %swap3A_208 = vector.load %arg15[%swap3A_205, %swap3A_206, %swap3A_207] : memref<1x64x4096xf32, #tpu.memory_space<vmem>>, vector<1x64x1024xf32>
    %swap3A_209 = vector.shape_cast %swap3A_208 : vector<1x64x1024xf32> to vector<64x1024xf32>
    %swap3A_210 = vector.shape_cast %add3A_204 : vector<64x1024xf32> to vector<1x64x1024xf32>
    tpu.vector_store %arg15[%swap3A_205, %swap3A_206, %swap3A_207], %swap3A_210 {strides = array<i32>} : memref<1x64x4096xf32, #tpu.memory_space<vmem>>, vector<1x64x1024xf32>,
    %slice3A_211 = vector.extract_strided_slice %dot_general3A_122 {offsets = [0, 3072], sizes = [64, 1024], strides = [1, 1]} : vector<64x4096xf32> to vector<64x1024xf32>
    %slice3A_212 = vector.extract_strided_slice %dot_general3A_130 {offsets = [192, 0], sizes = [64, 1024], strides = [1, 1]} : vector<256x1024xf32> to vector<64x1024xf32>
    %add3A_213 = arith.addf %slice3A_211, %slice3A_212 : vector<64x1024xf32>
    %mul3A_214 = arith.mulf %add3A_213, %add3A_213 : vector<64x1024xf32>
    %dot_general3A_215 = arith.constant dense<0.000000e+00> : vector<1x1024xf32>
    %dot_general3A_216 = tpu.matmul %broadcast_in_dim3A_138, %mul3A_214, %dot_general3A_215 {dimension_numbers = #tpu.dot_dimension_numbers<[1], [0], [0], [1], [0, 0, 1, 1], [], []>, transpose_lhs_hint = false} : vector<1x64xf32>, vector<64x1024xf32>, vector<1x1024xf32> -> vector<1x1024xf32>
    %mul3A_217 = arith.constant 1.562500e-02 : f32
    %mul3A_218 = vector.broadcast %mul3A_217 : f32 to vector<1x1024xf32>
    %mul3A_219 = arith.mulf %dot_general3A_216, %mul3A_218 : vector<1x1024xf32>
    %add3A_220 = arith.constant 9.99999974E-6 : f32
    %add3A_221 = vector.broadcast %add3A_220 : f32 to vector<1x1024xf32>
    %add3A_222 = arith.addf %mul3A_219, %add3A_221 : vector<1x1024xf32>
    %rsqrt3A_223 = math.rsqrt %add3A_222 : vector<1x1024xf32>
    %mul3A_224 = vector.broadcast %rsqrt3A_223 : vector<1x1024xf32> to vector<64x1024xf32>
    %mul3A_225 = arith.mulf %add3A_213, %mul3A_224 : vector<64x1024xf32>
    %mul3A_226 = vector.broadcast %get3A_133 : vector<64x1xf32> to vector<64x1024xf32>
    %mul3A_227 = arith.mulf %mul3A_225, %mul3A_226 : vector<64x1024xf32>
    %add3A_228 = vector.broadcast %get3A_136 : vector<64x1xf32> to vector<64x1024xf32>
    %add3A_229 = arith.addf %mul3A_227, %add3A_228 : vector<64x1024xf32>
    %swap3A_230 = arith.constant 0 : index
    %swap3A_231 = arith.constant 0 : index
    %swap3A_232 = arith.constant 3072 : index
    %swap3A_233 = vector.load %arg15[%swap3A_230, %swap3A_231, %swap3A_232] : memref<1x64x4096xf32, #tpu.memory_space<vmem>>, vector<1x64x1024xf32>
    %swap3A_234 = vector.shape_cast %swap3A_233 : vector<1x64x1024xf32> to vector<64x1024xf32>
    %swap3A_235 = vector.shape_cast %add3A_229 : vector<64x1024xf32> to vector<1x64x1024xf32>
    tpu.vector_store %arg15[%swap3A_230, %swap3A_231, %swap3A_232], %swap3A_235 {strides = array<i32>} : memref<1x64x4096xf32, #tpu.memory_space<vmem>>, vector<1x64x1024xf32>,
    return
  }
  func.func @transform_0(%arg0: i32) -> (i32, i32, i32) {
    %add3A = arith.constant 150 : i32
    %add3A_0 = arith.addi %arg0, %add3A : i32
    %c0_i32 = arith.constant 0 : i32
    %c0_i32_1 = arith.constant 0 : i32
    %c0_i32_2 = arith.constant 0 : i32
    return %add3A_0, %c0_i32, %c0_i32_1 : i32, i32, i32
  }
  func.func @transform_1(%arg0: i32) -> (i32, i32, i32) {
    %add3A = arith.constant 150 : i32
    %add3A_0 = arith.addi %arg0, %add3A : i32
    %c0_i32 = arith.constant 0 : i32
    %c0_i32_1 = arith.constant 0 : i32
    %c0_i32_2 = arith.constant 0 : i32
    return %add3A_0, %c0_i32, %c0_i32_1 : i32, i32, i32
  }
  func.func @transform_2(%arg0: i32) -> (i32, i32, i32) {
    %add3A = arith.constant 150 : i32
    %add3A_0 = arith.addi %arg0, %add3A : i32
    %c0_i32 = arith.constant 0 : i32
    %c0_i32_1 = arith.constant 0 : i32
    %c0_i32_2 = arith.constant 0 : i32
    return %add3A_0, %c0_i32, %c0_i32_1 : i32, i32, i32
  }
  func.func @transform_3(%arg0: i32) -> (i32, i32, i32) {
    %add3A = arith.constant 150 : i32
    %add3A_0 = arith.addi %arg0, %add3A : i32
    %c0_i32 = arith.constant 0 : i32
    %c0_i32_1 = arith.constant 0 : i32
    %c0_i32_2 = arith.constant 0 : i32
    return %add3A_0, %c0_i32, %c0_i32_1 : i32, i32, i32
  }
  func.func @transform_4(%arg0: i32) -> (i32, i32, i32) {
    %add3A = arith.constant 150 : i32
    %add3A_0 = arith.addi %arg0, %add3A : i32
    %c0_i32 = arith.constant 0 : i32
    %c0_i32_1 = arith.constant 0 : i32
    %c0_i32_2 = arith.constant 0 : i32
    return %add3A_0, %c0_i32, %c0_i32_1 : i32, i32, i32
  }
  func.func @transform_5(%arg0: i32) -> (i32, i32, i32) {
    %add3A = arith.constant 150 : i32
    %add3A_0 = arith.addi %arg0, %add3A : i32
    %c0_i32 = arith.constant 0 : i32
    %c0_i32_1 = arith.constant 0 : i32
    %c0_i32_2 = arith.constant 0 : i32
    return %add3A_0, %c0_i32, %c0_i32_1 : i32, i32, i32
  }
  func.func @transform_6(%arg0: i32) -> (i32, i32, i32) {
    %add3A = arith.constant 150 : i32
    %add3A_0 = arith.addi %arg0, %add3A : i32
    %c0_i32 = arith.constant 0 : i32
    %c0_i32_1 = arith.constant 0 : i32
    %c0_i32_2 = arith.constant 0 : i32
    return %add3A_0, %c0_i32, %c0_i32_1 : i32, i32, i32
  }
  func.func @transform_7(%arg0: i32) -> (i32, i32, i32) {
    %add3A = arith.constant 150 : i32
    %add3A_0 = arith.addi %arg0, %add3A : i32
    %c0_i32 = arith.constant 0 : i32
    %c0_i32_1 = arith.constant 0 : i32
    %c0_i32_2 = arith.constant 0 : i32
    return %add3A_0, %c0_i32, %c0_i32_1 : i32, i32, i32
  }
  func.func @transform_8(%arg0: i32) -> (i32, i32) {
    %c0_i32 = arith.constant 0 : i32
    %c0_i32_0 = arith.constant 0 : i32
    return %arg0, %c0_i32 : i32, i32
  }
  func.func @transform_9(%arg0: i32) -> (i32, i32) {
    %c0_i32 = arith.constant 0 : i32
    %c0_i32_0 = arith.constant 0 : i32
    %c0_i32_1 = arith.constant 0 : i32
    return %c0_i32, %c0_i32_0 : i32, i32
  }
  func.func @transform_10(%arg0: i32) -> (i32, i32) {
    %c0_i32 = arith.constant 0 : i32
    %c0_i32_0 = arith.constant 0 : i32
    %c0_i32_1 = arith.constant 0 : i32
    return %c0_i32, %c0_i32_0 : i32, i32
  }
  func.func @transform_11(%arg0: i32) -> (i32, i32) {
    %c0_i32 = arith.constant 0 : i32
    %c0_i32_0 = arith.constant 0 : i32
    %c0_i32_1 = arith.constant 0 : i32
    return %c0_i32, %c0_i32_0 : i32, i32
  }
  func.func @transform_12(%arg0: i32) -> (i32, i32) {
    %c0_i32 = arith.constant 0 : i32
    %c0_i32_0 = arith.constant 0 : i32
    %c0_i32_1 = arith.constant 0 : i32
    return %c0_i32, %c0_i32_0 : i32, i32
  }
  func.func @transform_14(%arg0: i32) -> (i32, i32, i32) {
    %add3A = arith.constant 150 : i32
    %add3A_0 = arith.addi %arg0, %add3A : i32
    %c0_i32 = arith.constant 0 : i32
    %c0_i32_1 = arith.constant 0 : i32
    %c0_i32_2 = arith.constant 0 : i32
    return %add3A_0, %c0_i32, %c0_i32_1 : i32, i32, i32
  }
}

</mosaic_0001>

<sc_bundles>
// kernel: kernel.10.cloned.1.call-start
scs
__scs_entry_jumppad:
0x0: {  	(pc) =	sbr.rel $0x88, $3  }
0x1: {  	(tag) =	ssettag $0x0;
	lr =	simm.s32 $0x1  }
0x2: {  	[smem:$0x3F8E] =	sst lr;
	_ =	strace $0xD0000000  }
0x3: {  	_ = 	snop  }
0x4: {  	_ = 	snop  }
0x5: {  	_ = 	snop  }
0x6: {  	_ = 	snop  }
0x7: {  	_ = 	snop  }
__scs_overlays_trampoline_lowered:
0x8: {  	[smem:$0x3F9D] =	sst s0  }
0x9: {  	[smem:$0x3F9E] =	sst s1  }
0xa: {  	[smem:$0x3F9F] =	sst s2  }
0xb: {  	[smem:$0x3FA0] =	sst s3  }
0xc: {  	[smem:$0x3FA1] =	sst s4  }
0xd: {  	[smem:$0x3FA2] =	sst s5  }
0xe: {  	[smem:$0x3FA3] =	sst s6  }
0xf: {  	[smem:$0x3FA4] =	sst s7  }
0x10: {  	[smem:$0x3FA5] =	sst s8  }
0x11: {  	[smem:$0x3FA6] =	sst s9;
	s0 =	simm.s32 @!p0 $0x0  }
0x12: {  	s1 =	sld [smem:$0x3F8C];
	s0 =	simm.s32 @p0 $0x1  }
0x13: {  	[smem:$0x3FA7] =	sst s0;
	s0 =	simm.s32 @!p1 $0x0  }
0x14: {  	s2 =	sld [smem:$0x3F8B];
	s0 =	simm.s32 @p1 $0x1  }
0x15: {  	[smem:$0x3FA8] =	sst s0;
	s0 =	simm.s32 @!p2 $0x0  }
0x16: {  	s3 =	sld [smem:$0x3FDB];
	s0 =	simm.s32 @p2 $0x1  }
0x17: {  	s4 =	simm.s32 $0x1BF5;
	[smem:$0x3FAA] =	sst s0  }
0x18: {  	s0 =	sld [smem:$0x3F8D];
	_ =	swait.ge [sflag:s4], $0x0  }
0x19: {  	s7 =	sld [smem:$0x3F8E]  }
0x1a: {  	s8 =	sadd.s32 $0xFFFFE003, lr  }
0x1b: {  	s9 =	sadd.s32 $0xFFFFFEF7, lr;
	s5 =	simm.s32 $0xFFFFFFFF;
	p2 =	slt.u32 s8, $0xFFFFF086  }
0x1c: {  	p1 =	slt.u32 s9, $0xF7A;
	s5 =	simm.s32 @!p2 $0x0  }
0x1d: {  	s5 =	simm.s32 @p1 $0x1;
	p0 =	seq.s32 s7, s2  }
0x1e: {  	s7 =	smul.u32 @!p0 $0xF7A, s2;
	p2 =	seq.s32 @!p0 s5, $0x0  }
0x1f: {  	s9 =	smul.u32 $0xF7A, s1;
	s8 =	simm.s32 @!p0 $0x1BF5;
	p2 =	por !p2, p0  }
0x20: {  	[sflag:s8] =	ssyncset.s32 @!p0 $0xFFFFF086;
	s6 =	sadd.s32 @!p0 s3, s7;
	s7 =	simm.s32 @!p0 $0x108  }
0x21: {  	s3 =	sadd.s32 s3, s9;
	s6 =	sadd.s32 @!p0 $0x88, s6;
	s7 =	simm.s32 @p2 $0x1082  }
0x22: {  	[simem:s7], [sflag:s8] =	dma.local @!p0 [hbm:s6], $0xF7A  }
0x23: {  	s9 =	sor.u32 $0xD0000000, s2;
	s6 =	simm.s32 $0x108;
	_ =	swait.ge @!p0 [sflag:s8], $0x0  }
0x24: {  	s3 =	sadd.s32 $0x88, s3;
	s6 =	simm.s32 @!p1 $0x1082;
	[sflag:s4] =	ssyncset.s32 $0xFFFFF086  }
0x25: {  	[simem:s6], [sflag:s4] =	dma.local [hbm:s3], $0xF7A  }
0x26: {  	[smem:$0x3F8E] =	sst s1;
	(tag) =	ssettag s2;
	_ =	strace s9  }
0x27: {  	s1 =	sld [smem:$0x3F9E]  }
0x28: {  	s2 =	sld [smem:$0x3F9F]  }
0x29: {  	s4 =	sld [smem:$0x3FA1]  }
0x2a: {  	p0 =	seq.s32 s5, $0x0;
	s5 =	sld [smem:$0x3FA2]  }
0x2b: {  	s6 =	sld [smem:$0x3FA3]  }
0x2c: {  	s7 =	sld [smem:$0x3FA4]  }
0x2d: {  	s3 =	simm.s32 $0x108;
	s8 =	sld [smem:$0x3FA5]  }
0x2e: {  	s3 =	simm.s32 @!p0 $0x1082;
	s9 =	sld [smem:$0x3FA6]  }
0x2f: {  	lr =	sadd.s32 s0, s3;
	s0 =	sld [smem:$0x3F9D]  }
0x30: {  	s3 =	sld [smem:$0x3FA0]  }
0x31: {  	[smem:$0x3FA9] =	sst s10  }
0x32: {  	s10 =	sld [smem:$0x3FA7];
	_ =	sdelay $0x3  }
0x33: {  	p0 =	seq.s32 s10, $0x1;
	s10 =	sld [smem:$0x3FA9];
	_ =	sdelay $0x3  }
0x34: {  	[smem:$0x3FA9] =	sst s10  }
0x35: {  	s10 =	sld [smem:$0x3FA8];
	_ =	sdelay $0x3  }
0x36: {  	p1 =	seq.s32 s10, $0x1;
	s10 =	sld [smem:$0x3FA9];
	_ =	sdelay $0x3  }
0x37: {  	[smem:$0x3FA9] =	sst s10  }
0x38: {  	s10 =	sld [smem:$0x3FAA]  }
0x39: {  	_ = 	snop;
	(pc) =	sbr.ind lr, $3  }
0x3a: {  	_ = 	snop  }
0x3b: {  	_ = 	snop  }
0x3c: {  	p2 =	seq.s32 s10, $0x1;
	s10 =	sld [smem:$0x3FA9]  }
0x3d: {  	_ =	shalt  }
0x3e: {  	_ =	shalt  }
0x3f: {  	_ =	shalt  }
0x40: {  	_ =	shalt  }
0x41: {  	_ =	shalt  }
0x42: {  	_ =	shalt  }
0x43: {  	_ =	shalt  }
0x44: {  	_ =	shalt  }
0x45: {  	_ =	shalt  }
0x46: {  	_ =	shalt  }
0x47: {  	_ =	shalt  }
0x48: {  	_ =	shalt  }
0x49: {  	_ =	shalt  }
0x4a: {  	_ =	shalt  }
0x4b: {  	_ =	shalt  }
0x4c: {  	_ =	shalt  }
0x4d: {  	_ =	shalt  }
0x4e: {  	_ =	shalt  }
0x4f: {  	_ =	shalt  }
0x50: {  	_ =	shalt  }
0x51: {  	_ =	shalt  }
0x52: {  	_ =	shalt  }
0x53: {  	_ =	shalt  }
0x54: {  	_ =	shalt  }
0x55: {  	_ =	shalt  }
0x56: {  	_ =	shalt  }
0x57: {  	_ =	shalt  }
0x58: {  	_ =	shalt  }
0x59: {  	_ =	shalt  }
0x5a: {  	_ =	shalt  }
0x5b: {  	_ =	shalt  }
0x5c: {  	_ =	shalt  }
0x5d: {  	_ =	shalt  }
0x5e: {  	_ =	shalt  }
0x5f: {  	_ =	shalt  }
0x60: {  	_ =	shalt  }
0x61: {  	_ =	shalt  }
0x62: {  	_ =	shalt  }
0x63: {  	_ =	shalt  }
0x64: {  	_ =	shalt  }
0x65: {  	_ =	shalt  }
0x66: {  	_ =	shalt  }
0x67: {  	_ =	shalt  }
0x68: {  	_ =	shalt  }
0x69: {  	_ =	shalt  }
0x6a: {  	_ =	shalt  }
0x6b: {  	_ =	shalt  }
0x6c: {  	_ =	shalt  }
0x6d: {  	_ =	shalt  }
0x6e: {  	_ =	shalt  }
0x6f: {  	_ =	shalt  }
0x70: {  	_ =	shalt  }
0x71: {  	_ =	shalt  }
0x72: {  	_ =	shalt  }
0x73: {  	_ =	shalt  }
0x74: {  	_ =	shalt  }
0x75: {  	_ =	shalt  }
0x76: {  	_ =	shalt  }
0x77: {  	_ =	shalt  }
0x78: {  	_ =	shalt  }
0x79: {  	_ =	shalt  }
0x7a: {  	_ =	shalt  }
0x7b: {  	_ =	shalt  }
0x7c: {  	_ =	shalt  }
0x7d: {  	_ =	shalt  }
0x7e: {  	_ =	shalt  }
0x7f: {  	_ =	shalt  }
0x80: {  	_ =	shalt  }
0x81: {  	_ =	shalt  }
0x82: {  	_ =	shalt  }
0x83: {  	_ =	shalt  }
0x84: {  	_ =	shalt  }
0x85: {  	_ =	shalt  }
0x86: {  	_ =	shalt  }
0x87: {  	_ =	shalt  }
.Lfunc_end0:
.L_simem_size_0:
called_computation_lowered:
.L_overlay_start_0:
0x88: {  	s2 =	sld [smem:$0x3FD9]  }
0x89: {  	s3 =	sld [smem:$0x3FFE];
	_ =	sdelay $0x1  }
0x8a: {  	s1 =	srdreg.scid  }
0x8b: {  	s0 =	sand.u32 $0x1, s1  }
0x8c: {  	s17 =	sshll.u32 s0, $0xA;
	s2 =	sadd.s32 s3, s2  }
0x8d: {  	s2 =	sadd.s32 s2, s17  }
0x8e: {  	[smem:$0x3FB5] =	sst s2  }
0x8f: {  	_ = 	snop  }
0x90: {  	s2 =	sld [smem:$0x3FD0];
	(tm) =	ssettm $0x1  }
0x91: {  	s18 =	sld [smem:$0x3FFB];
	_ =	sdelay $0x3  }
0x92: {  	_ =	strace s18  }
0x93: {  	s3 =	sld [smem:$0x3FFC];
	_ =	sdelay $0x3  }
0x94: {  	_ =	strace s3  }
0x95: {  	s3 =	sld [smem:$0x3FFD];
	_ =	sdelay $0x3  }
0x96: {  	_ =	strace s3  }
0x97: {  	_ =	strace $0x8FFFFFFF  }
0x98: {  	s19 =	sld [smem:$0x3FDB];
	_ =	sdelay $0x1  }
0x99: {  	s4 =	simm.s32 $_scs_section_size  }
0x9a: {  	s5 =	simm.s32 $_size__tile_overlayer_lowered;
	s6 =	simm.s32 $_tile_overlayer_lowered  }
0x9b: {  	s22 =	simm.s32 $0x1BFF;
	s21 =	sshll.u32 s6, $0x1;
	s3 =	sadd.s32 s4, s19  }
0x9c: {  	s7 =	simm.s32 $0x0;
	s20 =	sshll.u32 s5, $0x1;
	s5 =	sadd.s32 s21, s3  }
0x9d: {  	[timem:s7], [sflag:s22] =	dma.local [hbm:s5], s20  }
0x9e: {  	_ =	swait.ge [sflag:s22], s20  }
0x9f: {  	s4 =	ssub.s32 $0x0, s20;
	[sflag:s22] =	ssyncset.done $0x0  }
0xa0: {  	[sflag:s22] =	ssyncadd.s32 s4;
	_ =	sdelay $0x1  }
0xa1: {  	s23 =	simm.s32 $0x1B8B  }
0xa2: {  	_ =	swait.ge [sflag:s23], $0x1  }
0xa3: {  	[sflag:s23] =	ssyncset.done $0x0  }
0xa4: {  	s25 =	simm.s32 $0x1B8E;
	s24 =	sld [smem:$0x3FFE];
	[sflag:s23] =	ssyncadd.s32 $0xFFFFFFFF  }
0xa5: {  	s26 =	simm.s32 $execute0_lowered;
	[smem:$0x3FD2] =	sst s25  }
0xa6: {  	s5 =	sshll.u32 s26, $0x1;
	_ =	strace $0x80000046;
	[dreg:$0x1] =	wrdreg $0xFFFFFFFF  }
0xa7: {  	s28 =	simm.s32 $_size_execute0_lowered;
	s3 =	sadd.s32 s3, s5;
	[dreg:$0x0] =	wrdreg $0x0  }
0xa8: {  	s5 =	sshll.u32 s28, $0x1;
	[dreg:$0x2] =	wrdreg s3  }
0xa9: {  	[dreg:$0x3] =	wrdreg s5  }
0xaa: {  	[dreg:$0x4] =	wrdreg $0xC0  }
0xab: {  	_ =	task [dreg:s7], $0x5FFFF  }
0xac: {  	[dreg:$0x1] =	wrdreg $0xFFFFFFFF  }
0xad: {  	[dreg:$0x0] =	wrdreg $0x60  }
0xae: {  	[dreg:$0x2] =	wrdreg s24  }
0xaf: {  	[dreg:$0x3] =	wrdreg s2  }
0xb0: {  	[dreg:$0x4] =	wrdreg $0x9  }
0xb1: {  	_ =	task.clear_ibuf [dreg:s7], $0x5FFFF;
	_ =	strace $0x90000046  }
0xb2: {  	s29 =	simm.s32 $0x9;
	_ =	strace $0x80000048  }
0xb3: {  	_ =	swait.ge [sflag:s29], $0x1  }
0xb4: {  	[sflag:s29] =	ssyncadd.s32 $0xFFFFFFFF  }
0xb5: {  	_ =	strace $0x90000048  }
0xb6: {  	_ =	sfence  }
0xb7: {  	s30 =	sld [smem:$0x0];
	_ =	sdelay $0x2  }
0xb8: {  	s31 =	sshll.u32 s1, $0xD;
	s1 =	sshrl.u32 s1, $0x2  }
0xb9: {  	s3 =	sand.u32 $0x4000, s31;
	s1 =	sadd.s32 s1, s30  }
0xba: {  	s0 =	sor.u32 s3, s0;
	s1 =	sshll.u32 s1, $0x11  }
0xbb: {  	s0 =	sor.u32 s1, s0  }
0xbc: {  	s0 =	sadd.s32 $0x8F2B, s0  }
0xbd: {  	[sflag:s0] =	ssyncadd.remote.s32 $0x1  }
0xbe: {  	_ =	sfence.sel $0xFFFF  }
0xbf: {  	[dreg:$0x0] =	wrdreg $0xFFFFFFFF;
	(pc) =	sbr.abs _section_cstart, $3  }
0xc0: {  	[dreg:$0x1] =	wrdreg $0xFFFFFFFF  }
0xc1: {  	_ =	task.clear_ibuf [dreg:s7], $0x2FFFF;
	_ =	strace $0x9FFFFFFF  }
0xc2: {  	(tm) =	ssettm $0x7FFFFFFF  }
0xc3: {  	_ =	shalt  }
tec
execute0_lowered:
.L_overlay_start_1:
0x0: {  	(tag) =	ssettag $0x1  }
0x1: {  	s1 =	srdreg.scid;
	s0 =	stileid.u32  }
0x2: {  	s12 =	sand.u32 $0x1, s1;
	s28 =	sshll.u32 s0, $0x1  }
0x3: {  	s10 =	rddreg [dreg:$0x0];
	s11 =	sor.u32 s12, s28  }
0x4: {  	s13 =	rddreg [dreg:$0x1];
	s14 =	smul.u32 $0x1900, s11  }
0x5: {  	s2 =	simm.s32 $0x0;
	s1 =	rddreg [dreg:$0x2]  }
0x6: {  	[smem:$0x7FF] =	sst s2;
	s3 =	sshrl.u32 s14, $0x3  }
0x7: {  	_ =	strace $0x80000047;
	s4 =	sadd.s32 s13, s3;
	s3 =	simm.s32 $0x2  }
0x8: {  	[tilespmem:s2], [sflag:$0x2] =	stream.linear.gather [hbm4b:s4+s2], $0xC80, $0x38;
	[tilespmem:$0x1A900] =	vst v63  }
0x9: {  	_ =	swait.ge [sflag:s3], $0xC80  }
0xa: {  	s6 =	simm.s32 $0xC80;
	[sflag:s3] =	ssyncset.done $0x0  }
0xb: {  	s7 =	simm.s32 $0x1;
	s5 =	sadd.s32 $0x65200, s10;
	[sflag:s3] =	ssyncadd.s32 $0xFFFFF380  }
0xc: {  	[tilespmem:s6], [sflag:$0x1] =	stream.indirect.gather [hbm4b:s5+s6], $0x1, s2, s6, $0xb8;
	[tilespmem:$0x1A900] =	vst v63  }
0xd: {  	_ =	swait.ge [sflag:s7], $0xC80  }
0xe: {  	[sflag:s7] =	ssyncset.done $0x0  }
0xf: {  	s9 =	simm.s32 $0x1900;
	s8 =	sadd.s32 $0x3600, s10;
	[sflag:s7] =	ssyncadd.s32 $0xFFFFF380  }
0x10: {  	[tilespmem:s9], [sflag:$0x1] =	stream.indirect.gather [hbm4b:s8+s6], $0x20, s6, s6, $0xb8;
	[tilespmem:$0x1A900] =	vst v63  }
0x11: {  	s11 =	smul.u32 $0x6400, s11;
	_ =	swait.ge [sflag:s7], $0x19000  }
0x12: {  	s15 =	sadd.s32 $0x7E200, s10;
	[sflag:s7] =	ssyncset.done $0x0  }
0x13: {  	s10 =	sadd.s32 s15, s11;
	[sflag:s7] =	ssyncadd.s32 $0xFFFE7000  }
0x14: {  	[hbm4b:s10+s2] =	stream.linear.scatter [tilespmem:s9], [sflag:$0x2], $0x19000, $0x38;
	[tilespmem:$0x1A900] =	vst v63  }
0x15: {  	s14 =	sadd.s32 $0xC80, s14;
	_ =	swait.ge [sflag:s3], $0x19000  }
0x16: {  	s29 =	sshrl.u32 s14, $0x3;
	[sflag:s3] =	ssyncset.done $0x0  }
0x17: {  	s11 =	sadd.s32 s13, s29;
	[sflag:s3] =	ssyncadd.s32 $0xFFFE7000  }
0x18: {  	[tilespmem:s2], [sflag:$0x2] =	stream.linear.gather [hbm4b:s11+s2], $0xC80, $0x38;
	[tilespmem:$0x1A900] =	vst v63  }
0x19: {  	_ =	swait.ge [sflag:s3], $0xC80  }
0x1a: {  	[sflag:s3] =	ssyncset.done $0x0  }
0x1b: {  	s12 =	ssub.s32 $0x2, s12;
	[sflag:s3] =	ssyncadd.s32 $0xFFFFF380  }
0x1c: {  	[tilespmem:s6], [sflag:$0x1] =	stream.indirect.gather [hbm4b:s5+s6], $0x1, s2, s6, $0xb8;
	[tilespmem:$0x1A900] =	vst v63  }
0x1d: {  	s30 =	sshrl.u32 s12, $0x1;
	_ =	swait.ge [sflag:s7], $0xC80  }
0x1e: {  	s13 =	ssub.s32 s12, s30;
	[sflag:s7] =	ssyncset.done $0x0  }
0x1f: {  	s13 =	smax.u32 s13, $0x1;
	[sflag:s7] =	ssyncadd.s32 $0xFFFFF380  }
0x20: {  	[tilespmem:s9], [sflag:$0x1] =	stream.indirect.gather [hbm4b:s8+s6], $0x20, s6, s6, $0xb8;
	[tilespmem:$0x1A900] =	vst v63  }
0x21: {  	p0 =	sne.s32 s13, $0x1;
	_ =	swait.ge [sflag:s7], $0x19000  }
.Ltmp0:
0x22: {  	s31 =	sshll.u32 s14, $0x2;
	[sflag:s7] =	ssyncset.done $0x0;
	(pc) =	sbr.rel @!p0 .LBB2_2-.Ltmp0, $4  }
0x23: {  	s12 =	sadd.s32 s15, s31;
	[sflag:s7] =	ssyncadd.s32 $0xFFFE7000  }
0x24: {  	[hbm4b:s12+s2] =	stream.linear.scatter [tilespmem:s9], [sflag:$0x2], $0x19000, $0x38;
	[tilespmem:$0x1A900] =	vst v63  }
0x25: {  	_ =	swait.ge [sflag:s3], $0x19000  }
0x26: {  	s13 =	sadd.s32 $0xFFFFFFFF, s13;
	[sflag:s3] =	ssyncset.done $0x0  }
.LBB2_1:
0x27: {  	p0 =	sne.s32 s13, $0x1;
	s13 =	sadd.s32 $0xFFFFFFFF, s13;
	[sflag:s3] =	ssyncadd.s32 $0xFFFE7000  }
0x28: {  	[tilespmem:s2], [sflag:$0x2] =	stream.linear.gather [hbm4b:s4+s2], $0xC80, $0x38;
	[tilespmem:$0x1A900] =	vst v63  }
0x29: {  	_ =	swait.ge [sflag:s3], $0xC80  }
0x2a: {  	[sflag:s3] =	ssyncset.done $0x0  }
0x2b: {  	[sflag:s3] =	ssyncadd.s32 $0xFFFFF380  }
0x2c: {  	[tilespmem:s6], [sflag:$0x1] =	stream.indirect.gather [hbm4b:s5+s6], $0x1, s2, s6, $0xb8;
	[tilespmem:$0x1A900] =	vst v63  }
0x2d: {  	_ =	swait.ge [sflag:s7], $0xC80  }
0x2e: {  	[sflag:s7] =	ssyncset.done $0x0  }
0x2f: {  	[sflag:s7] =	ssyncadd.s32 $0xFFFFF380  }
0x30: {  	[tilespmem:s9], [sflag:$0x1] =	stream.indirect.gather [hbm4b:s8+s6], $0x20, s6, s6, $0xb8;
	[tilespmem:$0x1A900] =	vst v63  }
0x31: {  	_ =	swait.ge [sflag:s7], $0x19000  }
0x32: {  	[sflag:s7] =	ssyncset.done $0x0  }
0x33: {  	[sflag:s7] =	ssyncadd.s32 $0xFFFE7000  }
0x34: {  	[hbm4b:s10+s2] =	stream.linear.scatter [tilespmem:s9], [sflag:$0x2], $0x19000, $0x38;
	[tilespmem:$0x1A900] =	vst v63  }
0x35: {  	_ =	swait.ge [sflag:s3], $0x19000  }
0x36: {  	[sflag:s3] =	ssyncset.done $0x0  }
0x37: {  	[sflag:s3] =	ssyncadd.s32 $0xFFFE7000  }
0x38: {  	[tilespmem:s2], [sflag:$0x2] =	stream.linear.gather [hbm4b:s11+s2], $0xC80, $0x38;
	[tilespmem:$0x1A900] =	vst v63  }
0x39: {  	_ =	swait.ge [sflag:s3], $0xC80  }
0x3a: {  	[sflag:s3] =	ssyncset.done $0x0  }
0x3b: {  	[sflag:s3] =	ssyncadd.s32 $0xFFFFF380  }
0x3c: {  	[tilespmem:s6], [sflag:$0x1] =	stream.indirect.gather [hbm4b:s5+s6], $0x1, s2, s6, $0xb8;
	[tilespmem:$0x1A900] =	vst v63  }
0x3d: {  	_ =	swait.ge [sflag:s7], $0xC80  }
0x3e: {  	[sflag:s7] =	ssyncset.done $0x0  }
0x3f: {  	[sflag:s7] =	ssyncadd.s32 $0xFFFFF380  }
0x40: {  	[tilespmem:s9], [sflag:$0x1] =	stream.indirect.gather [hbm4b:s8+s6], $0x20, s6, s6, $0xb8;
	[tilespmem:$0x1A900] =	vst v63  }
0x41: {  	_ =	swait.ge [sflag:s7], $0x19000  }
.Ltmp1:
0x42: {  	[sflag:s7] =	ssyncset.done $0x0;
	(pc) =	sbr.rel @p0 .LBB2_1-.Ltmp1, $4  }
0x43: {  	[sflag:s7] =	ssyncadd.s32 $0xFFFE7000  }
0x44: {  	[hbm4b:s12+s2] =	stream.linear.scatter [tilespmem:s9], [sflag:$0x2], $0x19000, $0x38;
	[tilespmem:$0x1A900] =	vst v63  }
0x45: {  	_ =	swait.ge [sflag:s3], $0x19000  }
0x46: {  	[sflag:s3] =	ssyncset.done $0x0  }
.LBB2_2:
0x47: {  	[sflag:s3] =	ssyncadd.s32 $0xFFFE7000  }
0x48: {  	_ =	sfence.sel $0x180000  }
0x49: {  	[bflag:$0x0] =	sbarrier.arrive $0xFFFF  }
0x4a: {  	p0 =	sne.s32 s0, $0x0;
	_ =	strace $0x90000047  }
0x4b: {  	s0 =	sadd.s32 @!p0 $0x100000, s1;
	[bflag:$0x2] =	sbarrier.arrive $0xFFFF  }
0x4c: {  	[sflag:s0] =	ssyncadd.tile.s32 @!p0 $0x1;
	_ =	shalt  }
.Lfunc_end2:
_tile_overlayer_lowered:
.L_overlay_start_2:
0x4d: {  	(tag) =	ssettag $0x2  }
0x4e: {  	s0 =	rddreg [dreg:$0x0];
	s2 =	stileid.u32  }
0x4f: {  	s1 =	rddreg [dreg:$0x1];
	p0 =	sne.s32 s2, $0x0  }
0x50: {  	s3 =	rddreg [dreg:$0x2];
	[bflag:$0x3] =	sbarrier.arrive $0xFFFF;
	s2 =	simm.s32 @!p0 $0x1C02  }
0x51: {  	[timem:s3], [sflag:s2] =	dma.local @!p0 [hbm:s0], s1  }
0x52: {  	s0 =	simm.s32 @!p0 $0x2  }
0x53: {  	_ =	swait.ge @!p0 [sflag:s0], s1  }
0x54: {  	s1 =	ssub.s32 @!p0 $0x0, s1;
	[sflag:s0] =	ssyncset.done @!p0 $0x0  }
0x55: {  	[sflag:s0] =	ssyncadd.s32 @!p0 s1  }
0x56: {  	[bflag:$0x3] =	sbarrier.arrive $0xFFFF  }
0x57: {  	_ =	shalt  }

// kernel: kernel.13.cloned.1.call-start
scs
__scs_entry_jumppad:
0x0: {  	(pc) =	sbr.rel $0x88, $3  }
0x1: {  	(tag) =	ssettag $0x0;
	lr =	simm.s32 $0x1  }
0x2: {  	[smem:$0x3F8E] =	sst lr;
	_ =	strace $0xD0000000  }
0x3: {  	_ = 	snop  }
0x4: {  	_ = 	snop  }
0x5: {  	_ = 	snop  }
0x6: {  	_ = 	snop  }
0x7: {  	_ = 	snop  }
__scs_overlays_trampoline_lowered:
0x8: {  	[smem:$0x3F9D] =	sst s0  }
0x9: {  	[smem:$0x3F9E] =	sst s1  }
0xa: {  	[smem:$0x3F9F] =	sst s2  }
0xb: {  	[smem:$0x3FA0] =	sst s3  }
0xc: {  	[smem:$0x3FA1] =	sst s4  }
0xd: {  	[smem:$0x3FA2] =	sst s5  }
0xe: {  	[smem:$0x3FA3] =	sst s6  }
0xf: {  	[smem:$0x3FA4] =	sst s7  }
0x10: {  	[smem:$0x3FA5] =	sst s8  }
0x11: {  	[smem:$0x3FA6] =	sst s9;
	s0 =	simm.s32 @!p0 $0x0  }
0x12: {  	s1 =	sld [smem:$0x3F8C];
	s0 =	simm.s32 @p0 $0x1  }
0x13: {  	[smem:$0x3FA7] =	sst s0;
	s0 =	simm.s32 @!p1 $0x0  }
0x14: {  	s2 =	sld [smem:$0x3F8B];
	s0 =	simm.s32 @p1 $0x1  }
0x15: {  	[smem:$0x3FA8] =	sst s0;
	s0 =	simm.s32 @!p2 $0x0  }
0x16: {  	s3 =	sld [smem:$0x3FDB];
	s0 =	simm.s32 @p2 $0x1  }
0x17: {  	s4 =	simm.s32 $0x1BF5;
	[smem:$0x3FAA] =	sst s0  }
0x18: {  	s0 =	sld [smem:$0x3F8D];
	_ =	swait.ge [sflag:s4], $0x0  }
0x19: {  	s7 =	sld [smem:$0x3F8E]  }
0x1a: {  	s8 =	sadd.s32 $0xFFFFE003, lr  }
0x1b: {  	s9 =	sadd.s32 $0xFFFFFEF7, lr;
	s5 =	simm.s32 $0xFFFFFFFF;
	p2 =	slt.u32 s8, $0xFFFFF086  }
0x1c: {  	p1 =	slt.u32 s9, $0xF7A;
	s5 =	simm.s32 @!p2 $0x0  }
0x1d: {  	s5 =	simm.s32 @p1 $0x1;
	p0 =	seq.s32 s7, s2  }
0x1e: {  	s7 =	smul.u32 @!p0 $0xF7A, s2;
	p2 =	seq.s32 @!p0 s5, $0x0  }
0x1f: {  	s9 =	smul.u32 $0xF7A, s1;
	s8 =	simm.s32 @!p0 $0x1BF5;
	p2 =	por !p2, p0  }
0x20: {  	[sflag:s8] =	ssyncset.s32 @!p0 $0xFFFFF086;
	s6 =	sadd.s32 @!p0 s3, s7;
	s7 =	simm.s32 @!p0 $0x108  }
0x21: {  	s3 =	sadd.s32 s3, s9;
	s6 =	sadd.s32 @!p0 $0x88, s6;
	s7 =	simm.s32 @p2 $0x1082  }
0x22: {  	[simem:s7], [sflag:s8] =	dma.local @!p0 [hbm:s6], $0xF7A  }
0x23: {  	s9 =	sor.u32 $0xD0000000, s2;
	s6 =	simm.s32 $0x108;
	_ =	swait.ge @!p0 [sflag:s8], $0x0  }
0x24: {  	s3 =	sadd.s32 $0x88, s3;
	s6 =	simm.s32 @!p1 $0x1082;
	[sflag:s4] =	ssyncset.s32 $0xFFFFF086  }
0x25: {  	[simem:s6], [sflag:s4] =	dma.local [hbm:s3], $0xF7A  }
0x26: {  	[smem:$0x3F8E] =	sst s1;
	(tag) =	ssettag s2;
	_ =	strace s9  }
0x27: {  	s1 =	sld [smem:$0x3F9E]  }
0x28: {  	s2 =	sld [smem:$0x3F9F]  }
0x29: {  	s4 =	sld [smem:$0x3FA1]  }
0x2a: {  	p0 =	seq.s32 s5, $0x0;
	s5 =	sld [smem:$0x3FA2]  }
0x2b: {  	s6 =	sld [smem:$0x3FA3]  }
0x2c: {  	s7 =	sld [smem:$0x3FA4]  }
0x2d: {  	s3 =	simm.s32 $0x108;
	s8 =	sld [smem:$0x3FA5]  }
0x2e: {  	s3 =	simm.s32 @!p0 $0x1082;
	s9 =	sld [smem:$0x3FA6]  }
0x2f: {  	lr =	sadd.s32 s0, s3;
	s0 =	sld [smem:$0x3F9D]  }
0x30: {  	s3 =	sld [smem:$0x3FA0]  }
0x31: {  	[smem:$0x3FA9] =	sst s10  }
0x32: {  	s10 =	sld [smem:$0x3FA7];
	_ =	sdelay $0x3  }
0x33: {  	p0 =	seq.s32 s10, $0x1;
	s10 =	sld [smem:$0x3FA9];
	_ =	sdelay $0x3  }
0x34: {  	[smem:$0x3FA9] =	sst s10  }
0x35: {  	s10 =	sld [smem:$0x3FA8];
	_ =	sdelay $0x3  }
0x36: {  	p1 =	seq.s32 s10, $0x1;
	s10 =	sld [smem:$0x3FA9];
	_ =	sdelay $0x3  }
0x37: {  	[smem:$0x3FA9] =	sst s10  }
0x38: {  	s10 =	sld [smem:$0x3FAA]  }
0x39: {  	_ = 	snop;
	(pc) =	sbr.ind lr, $3  }
0x3a: {  	_ = 	snop  }
0x3b: {  	_ = 	snop  }
0x3c: {  	p2 =	seq.s32 s10, $0x1;
	s10 =	sld [smem:$0x3FA9]  }
0x3d: {  	_ =	shalt  }
0x3e: {  	_ =	shalt  }
0x3f: {  	_ =	shalt  }
0x40: {  	_ =	shalt  }
0x41: {  	_ =	shalt  }
0x42: {  	_ =	shalt  }
0x43: {  	_ =	shalt  }
0x44: {  	_ =	shalt  }
0x45: {  	_ =	shalt  }
0x46: {  	_ =	shalt  }
0x47: {  	_ =	shalt  }
0x48: {  	_ =	shalt  }
0x49: {  	_ =	shalt  }
0x4a: {  	_ =	shalt  }
0x4b: {  	_ =	shalt  }
0x4c: {  	_ =	shalt  }
0x4d: {  	_ =	shalt  }
0x4e: {  	_ =	shalt  }
0x4f: {  	_ =	shalt  }
0x50: {  	_ =	shalt  }
0x51: {  	_ =	shalt  }
0x52: {  	_ =	shalt  }
0x53: {  	_ =	shalt  }
0x54: {  	_ =	shalt  }
0x55: {  	_ =	shalt  }
0x56: {  	_ =	shalt  }
0x57: {  	_ =	shalt  }
0x58: {  	_ =	shalt  }
0x59: {  	_ =	shalt  }
0x5a: {  	_ =	shalt  }
0x5b: {  	_ =	shalt  }
0x5c: {  	_ =	shalt  }
0x5d: {  	_ =	shalt  }
0x5e: {  	_ =	shalt  }
0x5f: {  	_ =	shalt  }
0x60: {  	_ =	shalt  }
0x61: {  	_ =	shalt  }
0x62: {  	_ =	shalt  }
0x63: {  	_ =	shalt  }
0x64: {  	_ =	shalt  }
0x65: {  	_ =	shalt  }
0x66: {  	_ =	shalt  }
0x67: {  	_ =	shalt  }
0x68: {  	_ =	shalt  }
0x69: {  	_ =	shalt  }
0x6a: {  	_ =	shalt  }
0x6b: {  	_ =	shalt  }
0x6c: {  	_ =	shalt  }
0x6d: {  	_ =	shalt  }
0x6e: {  	_ =	shalt  }
0x6f: {  	_ =	shalt  }
0x70: {  	_ =	shalt  }
0x71: {  	_ =	shalt  }
0x72: {  	_ =	shalt  }
0x73: {  	_ =	shalt  }
0x74: {  	_ =	shalt  }
0x75: {  	_ =	shalt  }
0x76: {  	_ =	shalt  }
0x77: {  	_ =	shalt  }
0x78: {  	_ =	shalt  }
0x79: {  	_ =	shalt  }
0x7a: {  	_ =	shalt  }
0x7b: {  	_ =	shalt  }
0x7c: {  	_ =	shalt  }
0x7d: {  	_ =	shalt  }
0x7e: {  	_ =	shalt  }
0x7f: {  	_ =	shalt  }
0x80: {  	_ =	shalt  }
0x81: {  	_ =	shalt  }
0x82: {  	_ =	shalt  }
0x83: {  	_ =	shalt  }
0x84: {  	_ =	shalt  }
0x85: {  	_ =	shalt  }
0x86: {  	_ =	shalt  }
0x87: {  	_ =	shalt  }
.Lfunc_end0:
.L_simem_size_0:
called_computation.1_lowered:
.L_overlay_start_0:
0x88: {  	s2 =	sld [smem:$0x3FD9]  }
0x89: {  	s3 =	sld [smem:$0x3FFE];
	_ =	sdelay $0x1  }
0x8a: {  	s1 =	srdreg.scid  }
0x8b: {  	s0 =	sand.u32 $0x1, s1  }
0x8c: {  	s17 =	sshll.u32 s0, $0xA;
	s2 =	sadd.s32 s3, s2  }
0x8d: {  	s2 =	sadd.s32 s2, s17  }
0x8e: {  	[smem:$0x3FB5] =	sst s2  }
0x8f: {  	_ = 	snop  }
0x90: {  	(tm) =	ssettm $0x1  }
0x91: {  	s18 =	sld [smem:$0x3FFB];
	_ =	sdelay $0x3  }
0x92: {  	_ =	strace s18  }
0x93: {  	s2 =	sld [smem:$0x3FFC];
	_ =	sdelay $0x3  }
0x94: {  	_ =	strace s2  }
0x95: {  	s2 =	sld [smem:$0x3FFD];
	_ =	sdelay $0x3  }
0x96: {  	_ =	strace s2  }
0x97: {  	_ =	strace $0x8FFFFFFF  }
0x98: {  	s19 =	sld [smem:$0x3FDB];
	_ =	sdelay $0x1  }
0x99: {  	s20 =	simm.s32 $_scs_section_size  }
0x9a: {  	s4 =	simm.s32 $_size__tile_overlayer_lowered;
	s5 =	simm.s32 $_tile_overlayer_lowered  }
0x9b: {  	s6 =	simm.s32 $0x1BFF;
	s21 =	sshll.u32 s5, $0x1;
	s3 =	sadd.s32 s20, s19  }
0x9c: {  	s22 =	simm.s32 $0x0;
	s4 =	sshll.u32 s4, $0x1;
	s5 =	sadd.s32 s21, s3  }
0x9d: {  	[timem:s22], [sflag:s6] =	dma.local [hbm:s5], s4  }
0x9e: {  	_ =	swait.ge [sflag:s6], s4  }
0x9f: {  	s4 =	ssub.s32 $0x0, s4;
	[sflag:s6] =	ssyncset.done $0x0  }
0xa0: {  	[sflag:s6] =	ssyncadd.s32 s4;
	_ =	sdelay $0x1  }
0xa1: {  	s23 =	simm.s32 $0x1B8B  }
0xa2: {  	_ =	swait.ge [sflag:s23], $0x1  }
0xa3: {  	[sflag:s23] =	ssyncset.done $0x0  }
0xa4: {  	[sflag:s23] =	ssyncadd.s32 $0xFFFFFFFF  }
0xa5: {  	s4 =	sld [smem:$0x0]  }
0xa6: {  	s5 =	sand.u32 $0xFFFFFFFE, s1  }
0xa7: {  	p0 =	sne.s32 s1, s5  }
0xa8: {  	s5 =	sshll.u32 @p0 s5, $0xE  }
0xa9: {  	s5 =	sadd.s32 @p0 $0x11B8D, s5;
	s6 =	sshll.u32 @p0 s4, $0x11  }
0xaa: {  	s5 =	sor.u32 @p0 s6, s5  }
0xab: {  	[sflag:s5] =	ssyncadd.remote.s32 @p0 $0x1;
	_ =	sdelay $0x1  }
0xac: {  	s5 =	simm.s32 @p0 $0x1B8D  }
0xad: {  	_ =	swait.eq @p0 [sflag:s5], $0x1  }
0xae: {  	[sflag:s5] =	ssyncadd.s32 @p0 $0xFFFFFFFF  }
0xaf: {  	s6 =	sshll.u32 @!p0 s1, $0xE  }
0xb0: {  	s6 =	sor.u32 @!p0 $0x4000, s6;
	s5 =	simm.s32 @!p0 $0x1B8D  }
0xb1: {  	s4 =	sshll.u32 @!p0 s4, $0x11;
	s6 =	sadd.s32 @!p0 $0x11B8D, s6;
	_ =	swait.eq @!p0 [sflag:s5], $0x1  }
0xb2: {  	s4 =	sor.u32 @!p0 s4, s6;
	[sflag:s5] =	ssyncadd.s32 @!p0 $0xFFFFFFFF  }
0xb3: {  	s25 =	simm.s32 $0x1B8E;
	s24 =	sld [smem:$0x3FFE];
	[sflag:s4] =	ssyncadd.remote.s32 @!p0 $0x1  }
0xb4: {  	s26 =	simm.s32 $execute0_lowered;
	[smem:$0x3FD2] =	sst s25  }
0xb5: {  	s5 =	sshll.u32 s26, $0x1;
	_ =	strace $0x80000049;
	[dreg:$0x1] =	wrdreg $0xFFFFFFFF  }
0xb6: {  	s28 =	simm.s32 $_size_execute0_lowered;
	s3 =	sadd.s32 s3, s5;
	[dreg:$0x0] =	wrdreg $0x0  }
0xb7: {  	s5 =	sshll.u32 s28, $0x1;
	[dreg:$0x2] =	wrdreg s3  }
0xb8: {  	[dreg:$0x3] =	wrdreg s5  }
0xb9: {  	[dreg:$0x4] =	wrdreg $0xC0  }
0xba: {  	_ =	task [dreg:s22], $0x5FFFF  }
0xbb: {  	[dreg:$0x1] =	wrdreg $0xFFFFFFFF  }
0xbc: {  	[dreg:$0x0] =	wrdreg $0x60  }
0xbd: {  	[dreg:$0x2] =	wrdreg s24  }
0xbe: {  	[dreg:$0x3] =	wrdreg $0xA  }
0xbf: {  	_ =	task.clear_ibuf [dreg:s22], $0x4FFFF;
	_ =	strace $0x90000049  }
0xc0: {  	s29 =	simm.s32 $0xA;
	_ =	strace $0x8000004B  }
0xc1: {  	_ =	swait.ge [sflag:s29], $0x1  }
0xc2: {  	[sflag:s29] =	ssyncadd.s32 $0xFFFFFFFF  }
0xc3: {  	_ =	strace $0x9000004B  }
0xc4: {  	_ =	sfence  }
0xc5: {  	s30 =	sld [smem:$0x0];
	_ =	sdelay $0x2  }
0xc6: {  	s31 =	sshll.u32 s1, $0xD;
	s1 =	sshrl.u32 s1, $0x2  }
0xc7: {  	s4 =	sand.u32 $0x4000, s31;
	s1 =	sadd.s32 s1, s30  }
0xc8: {  	s0 =	sor.u32 s4, s0;
	s1 =	sshll.u32 s1, $0x11  }
0xc9: {  	s0 =	sor.u32 s1, s0  }
0xca: {  	s0 =	sadd.s32 $0x8F2B, s0  }
0xcb: {  	[sflag:s0] =	ssyncadd.remote.s32 $0x1  }
0xcc: {  	_ =	sfence.sel $0xFFFF  }
0xcd: {  	[dreg:$0x0] =	wrdreg $0xFFFFFFFF;
	(pc) =	sbr.abs _section_cstart, $3  }
0xce: {  	[dreg:$0x1] =	wrdreg $0xFFFFFFFF  }
0xcf: {  	_ =	task.clear_ibuf [dreg:s22], $0x2FFFF;
	_ =	strace $0x9FFFFFFF  }
0xd0: {  	(tm) =	ssettm $0x7FFFFFFF  }
0xd1: {  	_ =	shalt  }
tec
execute0_lowered:
.L_overlay_start_1:
0x0: {  	(tag) =	ssettag $0x1  }
0x1: {  	s1 =	srdreg.scid;
	s0 =	stileid.u32  }
0x2: {  	s12 =	sand.u32 $0x1, s1;
	s26 =	sshll.u32 s0, $0x1  }
0x3: {  	s10 =	sor.u32 s12, s26  }
0x4: {  	s11 =	rddreg [dreg:$0x0];
	s13 =	smul.u32 $0x1900, s10  }
0x5: {  	s2 =	simm.s32 $0x0;
	s1 =	rddreg [dreg:$0x1]  }
0x6: {  	[smem:$0x7FF] =	sst s2;
	s14 =	sadd.s32 $0x146200, s11;
	s3 =	sshrl.u32 s13, $0x3  }
0x7: {  	_ =	strace $0x8000004A;
	s4 =	sadd.s32 s14, s3;
	s3 =	simm.s32 $0x2  }
0x8: {  	[tilespmem:s2], [sflag:$0x2] =	stream.linear.gather [hbm4b:s4+s2], $0xC80, $0x38;
	[tilespmem:$0x1A900] =	vst v63  }
0x9: {  	_ =	swait.ge [sflag:s3], $0xC80  }
0xa: {  	s6 =	simm.s32 $0xC80;
	[sflag:s3] =	ssyncset.done $0x0  }
0xb: {  	s7 =	simm.s32 $0x1;
	s5 =	sadd.s32 $0x65200, s11;
	[sflag:s3] =	ssyncadd.s32 $0xFFFFF380  }
0xc: {  	[tilespmem:s6], [sflag:$0x1] =	stream.indirect.gather [hbm4b:s5+s6], $0x1, s2, s6, $0xb8;
	[tilespmem:$0x1A900] =	vst v63  }
0xd: {  	_ =	swait.ge [sflag:s7], $0xC80  }
0xe: {  	[sflag:s7] =	ssyncset.done $0x0  }
0xf: {  	s9 =	simm.s32 $0x1900;
	s8 =	sadd.s32 $0x3600, s11;
	[sflag:s7] =	ssyncadd.s32 $0xFFFFF380  }
0x10: {  	[tilespmem:s9], [sflag:$0x1] =	stream.indirect.gather [hbm4b:s8+s6], $0x20, s6, s6, $0xb8;
	[tilespmem:$0x1A900] =	vst v63  }
0x11: {  	s10 =	smul.u32 $0x6400, s10;
	_ =	swait.ge [sflag:s7], $0x19000  }
0x12: {  	s15 =	sadd.s32 $0x14C600, s11;
	[sflag:s7] =	ssyncset.done $0x0  }
0x13: {  	s10 =	sadd.s32 s15, s10;
	[sflag:s7] =	ssyncadd.s32 $0xFFFE7000  }
0x14: {  	[hbm4b:s10+s2] =	stream.linear.scatter [tilespmem:s9], [sflag:$0x2], $0x19000, $0x38;
	[tilespmem:$0x1A900] =	vst v63  }
0x15: {  	s13 =	sadd.s32 $0xC80, s13;
	_ =	swait.ge [sflag:s3], $0x19000  }
0x16: {  	s28 =	sshrl.u32 s13, $0x3;
	[sflag:s3] =	ssyncset.done $0x0  }
0x17: {  	s11 =	sadd.s32 s14, s28;
	[sflag:s3] =	ssyncadd.s32 $0xFFFE7000  }
0x18: {  	[tilespmem:s2], [sflag:$0x2] =	stream.linear.gather [hbm4b:s11+s2], $0xC80, $0x38;
	[tilespmem:$0x1A900] =	vst v63  }
0x19: {  	_ =	swait.ge [sflag:s3], $0xC80  }
0x1a: {  	[sflag:s3] =	ssyncset.done $0x0  }
0x1b: {  	s12 =	ssub.s32 $0x2, s12;
	[sflag:s3] =	ssyncadd.s32 $0xFFFFF380  }
0x1c: {  	[tilespmem:s6], [sflag:$0x1] =	stream.indirect.gather [hbm4b:s5+s6], $0x1, s2, s6, $0xb8;
	[tilespmem:$0x1A900] =	vst v63  }
0x1d: {  	s29 =	sshrl.u32 s12, $0x1;
	_ =	swait.ge [sflag:s7], $0xC80  }
0x1e: {  	s14 =	ssub.s32 s12, s29;
	[sflag:s7] =	ssyncset.done $0x0  }
0x1f: {  	s31 =	smax.u32 s14, $0x1;
	[sflag:s7] =	ssyncadd.s32 $0xFFFFF380  }
0x20: {  	[tilespmem:s9], [sflag:$0x1] =	stream.indirect.gather [hbm4b:s8+s6], $0x20, s6, s6, $0xb8;
	[tilespmem:$0x1A900] =	vst v63  }
0x21: {  	p0 =	sne.s32 s31, $0x1;
	_ =	swait.ge [sflag:s7], $0x19000  }
.Ltmp0:
0x22: {  	s30 =	sshll.u32 s13, $0x2;
	[sflag:s7] =	ssyncset.done $0x0;
	(pc) =	sbr.rel @!p0 .LBB2_2-.Ltmp0, $4  }
0x23: {  	s12 =	sadd.s32 s15, s30;
	[sflag:s7] =	ssyncadd.s32 $0xFFFE7000  }
0x24: {  	[hbm4b:s12+s2] =	stream.linear.scatter [tilespmem:s9], [sflag:$0x2], $0x19000, $0x38;
	[tilespmem:$0x1A900] =	vst v63  }
0x25: {  	_ =	swait.ge [sflag:s3], $0x19000  }
0x26: {  	s13 =	sadd.s32 $0xFFFFFFFF, s31;
	[sflag:s3] =	ssyncset.done $0x0  }
.LBB2_1:
0x27: {  	p0 =	sne.s32 s13, $0x1;
	s13 =	sadd.s32 $0xFFFFFFFF, s13;
	[sflag:s3] =	ssyncadd.s32 $0xFFFE7000  }
0x28: {  	[tilespmem:s2], [sflag:$0x2] =	stream.linear.gather [hbm4b:s4+s2], $0xC80, $0x38;
	[tilespmem:$0x1A900] =	vst v63  }
0x29: {  	_ =	swait.ge [sflag:s3], $0xC80  }
0x2a: {  	[sflag:s3] =	ssyncset.done $0x0  }
0x2b: {  	[sflag:s3] =	ssyncadd.s32 $0xFFFFF380  }
0x2c: {  	[tilespmem:s6], [sflag:$0x1] =	stream.indirect.gather [hbm4b:s5+s6], $0x1, s2, s6, $0xb8;
	[tilespmem:$0x1A900] =	vst v63  }
0x2d: {  	_ =	swait.ge [sflag:s7], $0xC80  }
0x2e: {  	[sflag:s7] =	ssyncset.done $0x0  }
0x2f: {  	[sflag:s7] =	ssyncadd.s32 $0xFFFFF380  }
0x30: {  	[tilespmem:s9], [sflag:$0x1] =	stream.indirect.gather [hbm4b:s8+s6], $0x20, s6, s6, $0xb8;
	[tilespmem:$0x1A900] =	vst v63  }
0x31: {  	_ =	swait.ge [sflag:s7], $0x19000  }
0x32: {  	[sflag:s7] =	ssyncset.done $0x0  }
0x33: {  	[sflag:s7] =	ssyncadd.s32 $0xFFFE7000  }
0x34: {  	[hbm4b:s10+s2] =	stream.linear.scatter [tilespmem:s9], [sflag:$0x2], $0x19000, $0x38;
	[tilespmem:$0x1A900] =	vst v63  }
0x35: {  	_ =	swait.ge [sflag:s3], $0x19000  }
0x36: {  	[sflag:s3] =	ssyncset.done $0x0  }
0x37: {  	[sflag:s3] =	ssyncadd.s32 $0xFFFE7000  }
0x38: {  	[tilespmem:s2], [sflag:$0x2] =	stream.linear.gather [hbm4b:s11+s2], $0xC80, $0x38;
	[tilespmem:$0x1A900] =	vst v63  }
0x39: {  	_ =	swait.ge [sflag:s3], $0xC80  }
0x3a: {  	[sflag:s3] =	ssyncset.done $0x0  }
0x3b: {  	[sflag:s3] =	ssyncadd.s32 $0xFFFFF380  }
0x3c: {  	[tilespmem:s6], [sflag:$0x1] =	stream.indirect.gather [hbm4b:s5+s6], $0x1, s2, s6, $0xb8;
	[tilespmem:$0x1A900] =	vst v63  }
0x3d: {  	_ =	swait.ge [sflag:s7], $0xC80  }
0x3e: {  	[sflag:s7] =	ssyncset.done $0x0  }
0x3f: {  	[sflag:s7] =	ssyncadd.s32 $0xFFFFF380  }
0x40: {  	[tilespmem:s9], [sflag:$0x1] =	stream.indirect.gather [hbm4b:s8+s6], $0x20, s6, s6, $0xb8;
	[tilespmem:$0x1A900] =	vst v63  }
0x41: {  	_ =	swait.ge [sflag:s7], $0x19000  }
.Ltmp1:
0x42: {  	[sflag:s7] =	ssyncset.done $0x0;
	(pc) =	sbr.rel @p0 .LBB2_1-.Ltmp1, $4  }
0x43: {  	[sflag:s7] =	ssyncadd.s32 $0xFFFE7000  }
0x44: {  	[hbm4b:s12+s2] =	stream.linear.scatter [tilespmem:s9], [sflag:$0x2], $0x19000, $0x38;
	[tilespmem:$0x1A900] =	vst v63  }
0x45: {  	_ =	swait.ge [sflag:s3], $0x19000  }
0x46: {  	[sflag:s3] =	ssyncset.done $0x0  }
.LBB2_2:
0x47: {  	[sflag:s3] =	ssyncadd.s32 $0xFFFE7000  }
0x48: {  	_ =	sfence.sel $0x180000  }
0x49: {  	[bflag:$0x0] =	sbarrier.arrive $0xFFFF  }
0x4a: {  	p0 =	sne.s32 s0, $0x0;
	_ =	strace $0x9000004A  }
0x4b: {  	s0 =	sadd.s32 @!p0 $0x100000, s1;
	[bflag:$0x2] =	sbarrier.arrive $0xFFFF  }
0x4c: {  	[sflag:s0] =	ssyncadd.tile.s32 @!p0 $0x1;
	_ =	shalt  }
.Lfunc_end2:
_tile_overlayer_lowered:
.L_overlay_start_2:
0x4d: {  	(tag) =	ssettag $0x2  }
0x4e: {  	s0 =	rddreg [dreg:$0x0];
	s2 =	stileid.u32  }
0x4f: {  	s1 =	rddreg [dreg:$0x1];
	p0 =	sne.s32 s2, $0x0  }
0x50: {  	s3 =	rddreg [dreg:$0x2];
	[bflag:$0x3] =	sbarrier.arrive $0xFFFF;
	s2 =	simm.s32 @!p0 $0x1C02  }
0x51: {  	[timem:s3], [sflag:s2] =	dma.local @!p0 [hbm:s0], s1  }
0x52: {  	s0 =	simm.s32 @!p0 $0x2  }
0x53: {  	_ =	swait.ge @!p0 [sflag:s0], s1  }
0x54: {  	s1 =	ssub.s32 @!p0 $0x0, s1;
	[sflag:s0] =	ssyncset.done @!p0 $0x0  }
0x55: {  	[sflag:s0] =	ssyncadd.s32 @!p0 s1  }
0x56: {  	[bflag:$0x3] =	sbarrier.arrive $0xFFFF  }
0x57: {  	_ =	shalt  }

// kernel: kernel.16.cloned.1.call-start
scs
__scs_entry_jumppad:
0x0: {  	(pc) =	sbr.rel $0x88, $3  }
0x1: {  	(tag) =	ssettag $0x0;
	lr =	simm.s32 $0x1  }
0x2: {  	[smem:$0x3F8E] =	sst lr;
	_ =	strace $0xD0000000  }
0x3: {  	_ = 	snop  }
0x4: {  	_ = 	snop  }
0x5: {  	_ = 	snop  }
0x6: {  	_ = 	snop  }
0x7: {  	_ = 	snop  }
__scs_overlays_trampoline_lowered:
0x8: {  	[smem:$0x3F9D] =	sst s0  }
0x9: {  	[smem:$0x3F9E] =	sst s1  }
0xa: {  	[smem:$0x3F9F] =	sst s2  }
0xb: {  	[smem:$0x3FA0] =	sst s3  }
0xc: {  	[smem:$0x3FA1] =	sst s4  }
0xd: {  	[smem:$0x3FA2] =	sst s5  }
0xe: {  	[smem:$0x3FA3] =	sst s6  }
0xf: {  	[smem:$0x3FA4] =	sst s7  }
0x10: {  	[smem:$0x3FA5] =	sst s8  }
0x11: {  	[smem:$0x3FA6] =	sst s9;
	s0 =	simm.s32 @!p0 $0x0  }
0x12: {  	s1 =	sld [smem:$0x3F8C];
	s0 =	simm.s32 @p0 $0x1  }
0x13: {  	[smem:$0x3FA7] =	sst s0;
	s0 =	simm.s32 @!p1 $0x0  }
0x14: {  	s2 =	sld [smem:$0x3F8B];
	s0 =	simm.s32 @p1 $0x1  }
0x15: {  	[smem:$0x3FA8] =	sst s0;
	s0 =	simm.s32 @!p2 $0x0  }
0x16: {  	s3 =	sld [smem:$0x3FDB];
	s0 =	simm.s32 @p2 $0x1  }
0x17: {  	s4 =	simm.s32 $0x1BF5;
	[smem:$0x3FAA] =	sst s0  }
0x18: {  	s0 =	sld [smem:$0x3F8D];
	_ =	swait.ge [sflag:s4], $0x0  }
0x19: {  	s7 =	sld [smem:$0x3F8E]  }
0x1a: {  	s8 =	sadd.s32 $0xFFFFE003, lr  }
0x1b: {  	s9 =	sadd.s32 $0xFFFFFEF7, lr;
	s5 =	simm.s32 $0xFFFFFFFF;
	p2 =	slt.u32 s8, $0xFFFFF086  }
0x1c: {  	p1 =	slt.u32 s9, $0xF7A;
	s5 =	simm.s32 @!p2 $0x0  }
0x1d: {  	s5 =	simm.s32 @p1 $0x1;
	p0 =	seq.s32 s7, s2  }
0x1e: {  	s7 =	smul.u32 @!p0 $0xF7A, s2;
	p2 =	seq.s32 @!p0 s5, $0x0  }
0x1f: {  	s9 =	smul.u32 $0xF7A, s1;
	s8 =	simm.s32 @!p0 $0x1BF5;
	p2 =	por !p2, p0  }
0x20: {  	[sflag:s8] =	ssyncset.s32 @!p0 $0xFFFFF086;
	s6 =	sadd.s32 @!p0 s3, s7;
	s7 =	simm.s32 @!p0 $0x108  }
0x21: {  	s3 =	sadd.s32 s3, s9;
	s6 =	sadd.s32 @!p0 $0x88, s6;
	s7 =	simm.s32 @p2 $0x1082  }
0x22: {  	[simem:s7], [sflag:s8] =	dma.local @!p0 [hbm:s6], $0xF7A  }
0x23: {  	s9 =	sor.u32 $0xD0000000, s2;
	s6 =	simm.s32 $0x108;
	_ =	swait.ge @!p0 [sflag:s8], $0x0  }
0x24: {  	s3 =	sadd.s32 $0x88, s3;
	s6 =	simm.s32 @!p1 $0x1082;
	[sflag:s4] =	ssyncset.s32 $0xFFFFF086  }
0x25: {  	[simem:s6], [sflag:s4] =	dma.local [hbm:s3], $0xF7A  }
0x26: {  	[smem:$0x3F8E] =	sst s1;
	(tag) =	ssettag s2;
	_ =	strace s9  }
0x27: {  	s1 =	sld [smem:$0x3F9E]  }
0x28: {  	s2 =	sld [smem:$0x3F9F]  }
0x29: {  	s4 =	sld [smem:$0x3FA1]  }
0x2a: {  	p0 =	seq.s32 s5, $0x0;
	s5 =	sld [smem:$0x3FA2]  }
0x2b: {  	s6 =	sld [smem:$0x3FA3]  }
0x2c: {  	s7 =	sld [smem:$0x3FA4]  }
0x2d: {  	s3 =	simm.s32 $0x108;
	s8 =	sld [smem:$0x3FA5]  }
0x2e: {  	s3 =	simm.s32 @!p0 $0x1082;
	s9 =	sld [smem:$0x3FA6]  }
0x2f: {  	lr =	sadd.s32 s0, s3;
	s0 =	sld [smem:$0x3F9D]  }
0x30: {  	s3 =	sld [smem:$0x3FA0]  }
0x31: {  	[smem:$0x3FA9] =	sst s10  }
0x32: {  	s10 =	sld [smem:$0x3FA7];
	_ =	sdelay $0x3  }
0x33: {  	p0 =	seq.s32 s10, $0x1;
	s10 =	sld [smem:$0x3FA9];
	_ =	sdelay $0x3  }
0x34: {  	[smem:$0x3FA9] =	sst s10  }
0x35: {  	s10 =	sld [smem:$0x3FA8];
	_ =	sdelay $0x3  }
0x36: {  	p1 =	seq.s32 s10, $0x1;
	s10 =	sld [smem:$0x3FA9];
	_ =	sdelay $0x3  }
0x37: {  	[smem:$0x3FA9] =	sst s10  }
0x38: {  	s10 =	sld [smem:$0x3FAA]  }
0x39: {  	_ = 	snop;
	(pc) =	sbr.ind lr, $3  }
0x3a: {  	_ = 	snop  }
0x3b: {  	_ = 	snop  }
0x3c: {  	p2 =	seq.s32 s10, $0x1;
	s10 =	sld [smem:$0x3FA9]  }
0x3d: {  	_ =	shalt  }
0x3e: {  	_ =	shalt  }
0x3f: {  	_ =	shalt  }
0x40: {  	_ =	shalt  }
0x41: {  	_ =	shalt  }
0x42: {  	_ =	shalt  }
0x43: {  	_ =	shalt  }
0x44: {  	_ =	shalt  }
0x45: {  	_ =	shalt  }
0x46: {  	_ =	shalt  }
0x47: {  	_ =	shalt  }
0x48: {  	_ =	shalt  }
0x49: {  	_ =	shalt  }
0x4a: {  	_ =	shalt  }
0x4b: {  	_ =	shalt  }
0x4c: {  	_ =	shalt  }
0x4d: {  	_ =	shalt  }
0x4e: {  	_ =	shalt  }
0x4f: {  	_ =	shalt  }
0x50: {  	_ =	shalt  }
0x51: {  	_ =	shalt  }
0x52: {  	_ =	shalt  }
0x53: {  	_ =	shalt  }
0x54: {  	_ =	shalt  }
0x55: {  	_ =	shalt  }
0x56: {  	_ =	shalt  }
0x57: {  	_ =	shalt  }
0x58: {  	_ =	shalt  }
0x59: {  	_ =	shalt  }
0x5a: {  	_ =	shalt  }
0x5b: {  	_ =	shalt  }
0x5c: {  	_ =	shalt  }
0x5d: {  	_ =	shalt  }
0x5e: {  	_ =	shalt  }
0x5f: {  	_ =	shalt  }
0x60: {  	_ =	shalt  }
0x61: {  	_ =	shalt  }
0x62: {  	_ =	shalt  }
0x63: {  	_ =	shalt  }
0x64: {  	_ =	shalt  }
0x65: {  	_ =	shalt  }
0x66: {  	_ =	shalt  }
0x67: {  	_ =	shalt  }
0x68: {  	_ =	shalt  }
0x69: {  	_ =	shalt  }
0x6a: {  	_ =	shalt  }
0x6b: {  	_ =	shalt  }
0x6c: {  	_ =	shalt  }
0x6d: {  	_ =	shalt  }
0x6e: {  	_ =	shalt  }
0x6f: {  	_ =	shalt  }
0x70: {  	_ =	shalt  }
0x71: {  	_ =	shalt  }
0x72: {  	_ =	shalt  }
0x73: {  	_ =	shalt  }
0x74: {  	_ =	shalt  }
0x75: {  	_ =	shalt  }
0x76: {  	_ =	shalt  }
0x77: {  	_ =	shalt  }
0x78: {  	_ =	shalt  }
0x79: {  	_ =	shalt  }
0x7a: {  	_ =	shalt  }
0x7b: {  	_ =	shalt  }
0x7c: {  	_ =	shalt  }
0x7d: {  	_ =	shalt  }
0x7e: {  	_ =	shalt  }
0x7f: {  	_ =	shalt  }
0x80: {  	_ =	shalt  }
0x81: {  	_ =	shalt  }
0x82: {  	_ =	shalt  }
0x83: {  	_ =	shalt  }
0x84: {  	_ =	shalt  }
0x85: {  	_ =	shalt  }
0x86: {  	_ =	shalt  }
0x87: {  	_ =	shalt  }
.Lfunc_end0:
.L_simem_size_0:
called_computation.2_lowered:
.L_overlay_start_0:
0x88: {  	s2 =	sld [smem:$0x3FD9]  }
0x89: {  	s3 =	sld [smem:$0x3FFE];
	_ =	sdelay $0x1  }
0x8a: {  	s1 =	srdreg.scid  }
0x8b: {  	s0 =	sand.u32 $0x1, s1  }
0x8c: {  	s17 =	sshll.u32 s0, $0xA;
	s2 =	sadd.s32 s3, s2  }
0x8d: {  	s2 =	sadd.s32 s2, s17  }
0x8e: {  	[smem:$0x3FB5] =	sst s2  }
0x8f: {  	_ = 	snop  }
0x90: {  	(tm) =	ssettm $0x1  }
0x91: {  	s18 =	sld [smem:$0x3FFB];
	_ =	sdelay $0x3  }
0x92: {  	_ =	strace s18  }
0x93: {  	s2 =	sld [smem:$0x3FFC];
	_ =	sdelay $0x3  }
0x94: {  	_ =	strace s2  }
0x95: {  	s2 =	sld [smem:$0x3FFD];
	_ =	sdelay $0x3  }
0x96: {  	_ =	strace s2  }
0x97: {  	_ =	strace $0x8FFFFFFF  }
0x98: {  	s19 =	sld [smem:$0x3FDB];
	_ =	sdelay $0x1  }
0x99: {  	s20 =	simm.s32 $_scs_section_size  }
0x9a: {  	s4 =	simm.s32 $_size__tile_overlayer_lowered;
	s5 =	simm.s32 $_tile_overlayer_lowered  }
0x9b: {  	s6 =	simm.s32 $0x1BFF;
	s21 =	sshll.u32 s5, $0x1;
	s3 =	sadd.s32 s20, s19  }
0x9c: {  	s22 =	simm.s32 $0x0;
	s4 =	sshll.u32 s4, $0x1;
	s5 =	sadd.s32 s21, s3  }
0x9d: {  	[timem:s22], [sflag:s6] =	dma.local [hbm:s5], s4  }
0x9e: {  	_ =	swait.ge [sflag:s6], s4  }
0x9f: {  	s4 =	ssub.s32 $0x0, s4;
	[sflag:s6] =	ssyncset.done $0x0  }
0xa0: {  	[sflag:s6] =	ssyncadd.s32 s4;
	_ =	sdelay $0x1  }
0xa1: {  	s23 =	simm.s32 $0x1B8B  }
0xa2: {  	_ =	swait.ge [sflag:s23], $0x1  }
0xa3: {  	[sflag:s23] =	ssyncset.done $0x0  }
0xa4: {  	[sflag:s23] =	ssyncadd.s32 $0xFFFFFFFF  }
0xa5: {  	s4 =	sld [smem:$0x0]  }
0xa6: {  	s5 =	sand.u32 $0xFFFFFFFE, s1  }
0xa7: {  	p0 =	sne.s32 s1, s5  }
0xa8: {  	s5 =	sshll.u32 @p0 s5, $0xE  }
0xa9: {  	s5 =	sadd.s32 @p0 $0x11B8D, s5;
	s6 =	sshll.u32 @p0 s4, $0x11  }
0xaa: {  	s5 =	sor.u32 @p0 s6, s5  }
0xab: {  	[sflag:s5] =	ssyncadd.remote.s32 @p0 $0x1;
	_ =	sdelay $0x1  }
0xac: {  	s5 =	simm.s32 @p0 $0x1B8D  }
0xad: {  	_ =	swait.eq @p0 [sflag:s5], $0x1  }
0xae: {  	[sflag:s5] =	ssyncadd.s32 @p0 $0xFFFFFFFF  }
0xaf: {  	s6 =	sshll.u32 @!p0 s1, $0xE  }
0xb0: {  	s6 =	sor.u32 @!p0 $0x4000, s6;
	s5 =	simm.s32 @!p0 $0x1B8D  }
0xb1: {  	s4 =	sshll.u32 @!p0 s4, $0x11;
	s6 =	sadd.s32 @!p0 $0x11B8D, s6;
	_ =	swait.eq @!p0 [sflag:s5], $0x1  }
0xb2: {  	s4 =	sor.u32 @!p0 s4, s6;
	[sflag:s5] =	ssyncadd.s32 @!p0 $0xFFFFFFFF  }
0xb3: {  	s25 =	simm.s32 $0x1B8E;
	s24 =	sld [smem:$0x3FFE];
	[sflag:s4] =	ssyncadd.remote.s32 @!p0 $0x1  }
0xb4: {  	s26 =	simm.s32 $execute0_lowered;
	[smem:$0x3FD2] =	sst s25  }
0xb5: {  	s5 =	sshll.u32 s26, $0x1;
	_ =	strace $0x8000004C;
	[dreg:$0x1] =	wrdreg $0xFFFFFFFF  }
0xb6: {  	s28 =	simm.s32 $_size_execute0_lowered;
	s3 =	sadd.s32 s3, s5;
	[dreg:$0x0] =	wrdreg $0x0  }
0xb7: {  	s5 =	sshll.u32 s28, $0x1;
	[dreg:$0x2] =	wrdreg s3  }
0xb8: {  	[dreg:$0x3] =	wrdreg s5  }
0xb9: {  	[dreg:$0x4] =	wrdreg $0xC0  }
0xba: {  	_ =	task [dreg:s22], $0x5FFFF  }
0xbb: {  	[dreg:$0x1] =	wrdreg $0xFFFFFFFF  }
0xbc: {  	[dreg:$0x0] =	wrdreg $0x60  }
0xbd: {  	[dreg:$0x2] =	wrdreg s24  }
0xbe: {  	[dreg:$0x3] =	wrdreg $0xB  }
0xbf: {  	_ =	task.clear_ibuf [dreg:s22], $0x4FFFF;
	_ =	strace $0x9000004C  }
0xc0: {  	s29 =	simm.s32 $0xB;
	_ =	strace $0x8000004E  }
0xc1: {  	_ =	swait.ge [sflag:s29], $0x1  }
0xc2: {  	[sflag:s29] =	ssyncadd.s32 $0xFFFFFFFF  }
0xc3: {  	_ =	strace $0x9000004E  }
0xc4: {  	_ =	sfence  }
0xc5: {  	s30 =	sld [smem:$0x0];
	_ =	sdelay $0x2  }
0xc6: {  	s31 =	sshll.u32 s1, $0xD;
	s1 =	sshrl.u32 s1, $0x2  }
0xc7: {  	s4 =	sand.u32 $0x4000, s31;
	s1 =	sadd.s32 s1, s30  }
0xc8: {  	s0 =	sor.u32 s4, s0;
	s1 =	sshll.u32 s1, $0x11  }
0xc9: {  	s0 =	sor.u32 s1, s0  }
0xca: {  	s0 =	sadd.s32 $0x8F2B, s0  }
0xcb: {  	[sflag:s0] =	ssyncadd.remote.s32 $0x1  }
0xcc: {  	_ =	sfence.sel $0xFFFF  }
0xcd: {  	[dreg:$0x0] =	wrdreg $0xFFFFFFFF;
	(pc) =	sbr.abs _section_cstart, $3  }
0xce: {  	[dreg:$0x1] =	wrdreg $0xFFFFFFFF  }
0xcf: {  	_ =	task.clear_ibuf [dreg:s22], $0x2FFFF;
	_ =	strace $0x9FFFFFFF  }
0xd0: {  	(tm) =	ssettm $0x7FFFFFFF  }
0xd1: {  	_ =	shalt  }
tec
execute0_lowered:
.L_overlay_start_1:
0x0: {  	(tag) =	ssettag $0x1  }
0x1: {  	s1 =	srdreg.scid;
	s0 =	stileid.u32  }
0x2: {  	s12 =	sand.u32 $0x1, s1;
	s26 =	sshll.u32 s0, $0x1  }
0x3: {  	s10 =	sor.u32 s12, s26  }
0x4: {  	s11 =	rddreg [dreg:$0x0];
	s13 =	smul.u32 $0x1900, s10  }
0x5: {  	s2 =	simm.s32 $0x0;
	s1 =	rddreg [dreg:$0x1]  }
0x6: {  	[smem:$0x7FF] =	sst s2;
	s14 =	sadd.s32 $0x214600, s11;
	s3 =	sshrl.u32 s13, $0x3  }
0x7: {  	_ =	strace $0x8000004D;
	s4 =	sadd.s32 s14, s3;
	s3 =	simm.s32 $0x2  }
0x8: {  	[tilespmem:s2], [sflag:$0x2] =	stream.linear.gather [hbm4b:s4+s2], $0xC80, $0x38;
	[tilespmem:$0x1A900] =	vst v63  }
0x9: {  	_ =	swait.ge [sflag:s3], $0xC80  }
0xa: {  	s6 =	simm.s32 $0xC80;
	[sflag:s3] =	ssyncset.done $0x0  }
0xb: {  	s7 =	simm.s32 $0x1;
	s5 =	sadd.s32 $0x65200, s11;
	[sflag:s3] =	ssyncadd.s32 $0xFFFFF380  }
0xc: {  	[tilespmem:s6], [sflag:$0x1] =	stream.indirect.gather [hbm4b:s5+s6], $0x1, s2, s6, $0xb8;
	[tilespmem:$0x1A900] =	vst v63  }
0xd: {  	_ =	swait.ge [sflag:s7], $0xC80  }
0xe: {  	[sflag:s7] =	ssyncset.done $0x0  }
0xf: {  	s9 =	simm.s32 $0x1900;
	s8 =	sadd.s32 $0x3600, s11;
	[sflag:s7] =	ssyncadd.s32 $0xFFFFF380  }
0x10: {  	[tilespmem:s9], [sflag:$0x1] =	stream.indirect.gather [hbm4b:s8+s6], $0x20, s6, s6, $0xb8;
	[tilespmem:$0x1A900] =	vst v63  }
0x11: {  	s10 =	smul.u32 $0x6400, s10;
	_ =	swait.ge [sflag:s7], $0x19000  }
0x12: {  	s15 =	sadd.s32 $0x21AA00, s11;
	[sflag:s7] =	ssyncset.done $0x0  }
0x13: {  	s10 =	sadd.s32 s15, s10;
	[sflag:s7] =	ssyncadd.s32 $0xFFFE7000  }
0x14: {  	[hbm4b:s10+s2] =	stream.linear.scatter [tilespmem:s9], [sflag:$0x2], $0x19000, $0x38;
	[tilespmem:$0x1A900] =	vst v63  }
0x15: {  	s13 =	sadd.s32 $0xC80, s13;
	_ =	swait.ge [sflag:s3], $0x19000  }
0x16: {  	s28 =	sshrl.u32 s13, $0x3;
	[sflag:s3] =	ssyncset.done $0x0  }
0x17: {  	s11 =	sadd.s32 s14, s28;
	[sflag:s3] =	ssyncadd.s32 $0xFFFE7000  }
0x18: {  	[tilespmem:s2], [sflag:$0x2] =	stream.linear.gather [hbm4b:s11+s2], $0xC80, $0x38;
	[tilespmem:$0x1A900] =	vst v63  }
0x19: {  	_ =	swait.ge [sflag:s3], $0xC80  }
0x1a: {  	[sflag:s3] =	ssyncset.done $0x0  }
0x1b: {  	s12 =	ssub.s32 $0x2, s12;
	[sflag:s3] =	ssyncadd.s32 $0xFFFFF380  }
0x1c: {  	[tilespmem:s6], [sflag:$0x1] =	stream.indirect.gather [hbm4b:s5+s6], $0x1, s2, s6, $0xb8;
	[tilespmem:$0x1A900] =	vst v63  }
0x1d: {  	s29 =	sshrl.u32 s12, $0x1;
	_ =	swait.ge [sflag:s7], $0xC80  }
0x1e: {  	s14 =	ssub.s32 s12, s29;
	[sflag:s7] =	ssyncset.done $0x0  }
0x1f: {  	s31 =	smax.u32 s14, $0x1;
	[sflag:s7] =	ssyncadd.s32 $0xFFFFF380  }
0x20: {  	[tilespmem:s9], [sflag:$0x1] =	stream.indirect.gather [hbm4b:s8+s6], $0x20, s6, s6, $0xb8;
	[tilespmem:$0x1A900] =	vst v63  }
0x21: {  	p0 =	sne.s32 s31, $0x1;
	_ =	swait.ge [sflag:s7], $0x19000  }
.Ltmp0:
0x22: {  	s30 =	sshll.u32 s13, $0x2;
	[sflag:s7] =	ssyncset.done $0x0;
	(pc) =	sbr.rel @!p0 .LBB2_2-.Ltmp0, $4  }
0x23: {  	s12 =	sadd.s32 s15, s30;
	[sflag:s7] =	ssyncadd.s32 $0xFFFE7000  }
0x24: {  	[hbm4b:s12+s2] =	stream.linear.scatter [tilespmem:s9], [sflag:$0x2], $0x19000, $0x38;
	[tilespmem:$0x1A900] =	vst v63  }
0x25: {  	_ =	swait.ge [sflag:s3], $0x19000  }
0x26: {  	s13 =	sadd.s32 $0xFFFFFFFF, s31;
	[sflag:s3] =	ssyncset.done $0x0  }
.LBB2_1:
0x27: {  	p0 =	sne.s32 s13, $0x1;
	s13 =	sadd.s32 $0xFFFFFFFF, s13;
	[sflag:s3] =	ssyncadd.s32 $0xFFFE7000  }
0x28: {  	[tilespmem:s2], [sflag:$0x2] =	stream.linear.gather [hbm4b:s4+s2], $0xC80, $0x38;
	[tilespmem:$0x1A900] =	vst v63  }
0x29: {  	_ =	swait.ge [sflag:s3], $0xC80  }
0x2a: {  	[sflag:s3] =	ssyncset.done $0x0  }
0x2b: {  	[sflag:s3] =	ssyncadd.s32 $0xFFFFF380  }
0x2c: {  	[tilespmem:s6], [sflag:$0x1] =	stream.indirect.gather [hbm4b:s5+s6], $0x1, s2, s6, $0xb8;
	[tilespmem:$0x1A900] =	vst v63  }
0x2d: {  	_ =	swait.ge [sflag:s7], $0xC80  }
0x2e: {  	[sflag:s7] =	ssyncset.done $0x0  }
0x2f: {  	[sflag:s7] =	ssyncadd.s32 $0xFFFFF380  }
0x30: {  	[tilespmem:s9], [sflag:$0x1] =	stream.indirect.gather [hbm4b:s8+s6], $0x20, s6, s6, $0xb8;
	[tilespmem:$0x1A900] =	vst v63  }
0x31: {  	_ =	swait.ge [sflag:s7], $0x19000  }
0x32: {  	[sflag:s7] =	ssyncset.done $0x0  }
0x33: {  	[sflag:s7] =	ssyncadd.s32 $0xFFFE7000  }
0x34: {  	[hbm4b:s10+s2] =	stream.linear.scatter [tilespmem:s9], [sflag:$0x2], $0x19000, $0x38;
	[tilespmem:$0x1A900] =	vst v63  }
0x35: {  	_ =	swait.ge [sflag:s3], $0x19000  }
0x36: {  	[sflag:s3] =	ssyncset.done $0x0  }
0x37: {  	[sflag:s3] =	ssyncadd.s32 $0xFFFE7000  }
0x38: {  	[tilespmem:s2], [sflag:$0x2] =	stream.linear.gather [hbm4b:s11+s2], $0xC80, $0x38;
	[tilespmem:$0x1A900] =	vst v63  }
0x39: {  	_ =	swait.ge [sflag:s3], $0xC80  }
0x3a: {  	[sflag:s3] =	ssyncset.done $0x0  }
0x3b: {  	[sflag:s3] =	ssyncadd.s32 $0xFFFFF380  }
0x3c: {  	[tilespmem:s6], [sflag:$0x1] =	stream.indirect.gather [hbm4b:s5+s6], $0x1, s2, s6, $0xb8;
	[tilespmem:$0x1A900] =	vst v63  }
0x3d: {  	_ =	swait.ge [sflag:s7], $0xC80  }
0x3e: {  	[sflag:s7] =	ssyncset.done $0x0  }
0x3f: {  	[sflag:s7] =	ssyncadd.s32 $0xFFFFF380  }
0x40: {  	[tilespmem:s9], [sflag:$0x1] =	stream.indirect.gather [hbm4b:s8+s6], $0x20, s6, s6, $0xb8;
	[tilespmem:$0x1A900] =	vst v63  }
0x41: {  	_ =	swait.ge [sflag:s7], $0x19000  }
.Ltmp1:
0x42: {  	[sflag:s7] =	ssyncset.done $0x0;
	(pc) =	sbr.rel @p0 .LBB2_1-.Ltmp1, $4  }
0x43: {  	[sflag:s7] =	ssyncadd.s32 $0xFFFE7000  }
0x44: {  	[hbm4b:s12+s2] =	stream.linear.scatter [tilespmem:s9], [sflag:$0x2], $0x19000, $0x38;
	[tilespmem:$0x1A900] =	vst v63  }
0x45: {  	_ =	swait.ge [sflag:s3], $0x19000  }
0x46: {  	[sflag:s3] =	ssyncset.done $0x0  }
.LBB2_2:
0x47: {  	[sflag:s3] =	ssyncadd.s32 $0xFFFE7000  }
0x48: {  	_ =	sfence.sel $0x180000  }
0x49: {  	[bflag:$0x0] =	sbarrier.arrive $0xFFFF  }
0x4a: {  	p0 =	sne.s32 s0, $0x0;
	_ =	strace $0x9000004D  }
0x4b: {  	s0 =	sadd.s32 @!p0 $0x100000, s1;
	[bflag:$0x2] =	sbarrier.arrive $0xFFFF  }
0x4c: {  	[sflag:s0] =	ssyncadd.tile.s32 @!p0 $0x1;
	_ =	shalt  }
.Lfunc_end2:
_tile_overlayer_lowered:
.L_overlay_start_2:
0x4d: {  	(tag) =	ssettag $0x2  }
0x4e: {  	s0 =	rddreg [dreg:$0x0];
	s2 =	stileid.u32  }
0x4f: {  	s1 =	rddreg [dreg:$0x1];
	p0 =	sne.s32 s2, $0x0  }
0x50: {  	s3 =	rddreg [dreg:$0x2];
	[bflag:$0x3] =	sbarrier.arrive $0xFFFF;
	s2 =	simm.s32 @!p0 $0x1C02  }
0x51: {  	[timem:s3], [sflag:s2] =	dma.local @!p0 [hbm:s0], s1  }
0x52: {  	s0 =	simm.s32 @!p0 $0x2  }
0x53: {  	_ =	swait.ge @!p0 [sflag:s0], s1  }
0x54: {  	s1 =	ssub.s32 @!p0 $0x0, s1;
	[sflag:s0] =	ssyncset.done @!p0 $0x0  }
0x55: {  	[sflag:s0] =	ssyncadd.s32 @!p0 s1  }
0x56: {  	[bflag:$0x3] =	sbarrier.arrive $0xFFFF  }
0x57: {  	_ =	shalt  }

// kernel: kernel.19.cloned.1.call-start
scs
__scs_entry_jumppad:
0x0: {  	(pc) =	sbr.rel $0x88, $3  }
0x1: {  	(tag) =	ssettag $0x0;
	lr =	simm.s32 $0x1  }
0x2: {  	[smem:$0x3F8E] =	sst lr;
	_ =	strace $0xD0000000  }
0x3: {  	_ = 	snop  }
0x4: {  	_ = 	snop  }
0x5: {  	_ = 	snop  }
0x6: {  	_ = 	snop  }
0x7: {  	_ = 	snop  }
__scs_overlays_trampoline_lowered:
0x8: {  	[smem:$0x3F9D] =	sst s0  }
0x9: {  	[smem:$0x3F9E] =	sst s1  }
0xa: {  	[smem:$0x3F9F] =	sst s2  }
0xb: {  	[smem:$0x3FA0] =	sst s3  }
0xc: {  	[smem:$0x3FA1] =	sst s4  }
0xd: {  	[smem:$0x3FA2] =	sst s5  }
0xe: {  	[smem:$0x3FA3] =	sst s6  }
0xf: {  	[smem:$0x3FA4] =	sst s7  }
0x10: {  	[smem:$0x3FA5] =	sst s8  }
0x11: {  	[smem:$0x3FA6] =	sst s9;
	s0 =	simm.s32 @!p0 $0x0  }
0x12: {  	s1 =	sld [smem:$0x3F8C];
	s0 =	simm.s32 @p0 $0x1  }
0x13: {  	[smem:$0x3FA7] =	sst s0;
	s0 =	simm.s32 @!p1 $0x0  }
0x14: {  	s2 =	sld [smem:$0x3F8B];
	s0 =	simm.s32 @p1 $0x1  }
0x15: {  	[smem:$0x3FA8] =	sst s0;
	s0 =	simm.s32 @!p2 $0x0  }
0x16: {  	s3 =	sld [smem:$0x3FDB];
	s0 =	simm.s32 @p2 $0x1  }
0x17: {  	s4 =	simm.s32 $0x1BF5;
	[smem:$0x3FAA] =	sst s0  }
0x18: {  	s0 =	sld [smem:$0x3F8D];
	_ =	swait.ge [sflag:s4], $0x0  }
0x19: {  	s7 =	sld [smem:$0x3F8E]  }
0x1a: {  	s8 =	sadd.s32 $0xFFFFE003, lr  }
0x1b: {  	s9 =	sadd.s32 $0xFFFFFEF7, lr;
	s5 =	simm.s32 $0xFFFFFFFF;
	p2 =	slt.u32 s8, $0xFFFFF086  }
0x1c: {  	p1 =	slt.u32 s9, $0xF7A;
	s5 =	simm.s32 @!p2 $0x0  }
0x1d: {  	s5 =	simm.s32 @p1 $0x1;
	p0 =	seq.s32 s7, s2  }
0x1e: {  	s7 =	smul.u32 @!p0 $0xF7A, s2;
	p2 =	seq.s32 @!p0 s5, $0x0  }
0x1f: {  	s9 =	smul.u32 $0xF7A, s1;
	s8 =	simm.s32 @!p0 $0x1BF5;
	p2 =	por !p2, p0  }
0x20: {  	[sflag:s8] =	ssyncset.s32 @!p0 $0xFFFFF086;
	s6 =	sadd.s32 @!p0 s3, s7;
	s7 =	simm.s32 @!p0 $0x108  }
0x21: {  	s3 =	sadd.s32 s3, s9;
	s6 =	sadd.s32 @!p0 $0x88, s6;
	s7 =	simm.s32 @p2 $0x1082  }
0x22: {  	[simem:s7], [sflag:s8] =	dma.local @!p0 [hbm:s6], $0xF7A  }
0x23: {  	s9 =	sor.u32 $0xD0000000, s2;
	s6 =	simm.s32 $0x108;
	_ =	swait.ge @!p0 [sflag:s8], $0x0  }
0x24: {  	s3 =	sadd.s32 $0x88, s3;
	s6 =	simm.s32 @!p1 $0x1082;
	[sflag:s4] =	ssyncset.s32 $0xFFFFF086  }
0x25: {  	[simem:s6], [sflag:s4] =	dma.local [hbm:s3], $0xF7A  }
0x26: {  	[smem:$0x3F8E] =	sst s1;
	(tag) =	ssettag s2;
	_ =	strace s9  }
0x27: {  	s1 =	sld [smem:$0x3F9E]  }
0x28: {  	s2 =	sld [smem:$0x3F9F]  }
0x29: {  	s4 =	sld [smem:$0x3FA1]  }
0x2a: {  	p0 =	seq.s32 s5, $0x0;
	s5 =	sld [smem:$0x3FA2]  }
0x2b: {  	s6 =	sld [smem:$0x3FA3]  }
0x2c: {  	s7 =	sld [smem:$0x3FA4]  }
0x2d: {  	s3 =	simm.s32 $0x108;
	s8 =	sld [smem:$0x3FA5]  }
0x2e: {  	s3 =	simm.s32 @!p0 $0x1082;
	s9 =	sld [smem:$0x3FA6]  }
0x2f: {  	lr =	sadd.s32 s0, s3;
	s0 =	sld [smem:$0x3F9D]  }
0x30: {  	s3 =	sld [smem:$0x3FA0]  }
0x31: {  	[smem:$0x3FA9] =	sst s10  }
0x32: {  	s10 =	sld [smem:$0x3FA7];
	_ =	sdelay $0x3  }
0x33: {  	p0 =	seq.s32 s10, $0x1;
	s10 =	sld [smem:$0x3FA9];
	_ =	sdelay $0x3  }
0x34: {  	[smem:$0x3FA9] =	sst s10  }
0x35: {  	s10 =	sld [smem:$0x3FA8];
	_ =	sdelay $0x3  }
0x36: {  	p1 =	seq.s32 s10, $0x1;
	s10 =	sld [smem:$0x3FA9];
	_ =	sdelay $0x3  }
0x37: {  	[smem:$0x3FA9] =	sst s10  }
0x38: {  	s10 =	sld [smem:$0x3FAA]  }
0x39: {  	_ = 	snop;
	(pc) =	sbr.ind lr, $3  }
0x3a: {  	_ = 	snop  }
0x3b: {  	_ = 	snop  }
0x3c: {  	p2 =	seq.s32 s10, $0x1;
	s10 =	sld [smem:$0x3FA9]  }
0x3d: {  	_ =	shalt  }
0x3e: {  	_ =	shalt  }
0x3f: {  	_ =	shalt  }
0x40: {  	_ =	shalt  }
0x41: {  	_ =	shalt  }
0x42: {  	_ =	shalt  }
0x43: {  	_ =	shalt  }
0x44: {  	_ =	shalt  }
0x45: {  	_ =	shalt  }
0x46: {  	_ =	shalt  }
0x47: {  	_ =	shalt  }
0x48: {  	_ =	shalt  }
0x49: {  	_ =	shalt  }
0x4a: {  	_ =	shalt  }
0x4b: {  	_ =	shalt  }
0x4c: {  	_ =	shalt  }
0x4d: {  	_ =	shalt  }
0x4e: {  	_ =	shalt  }
0x4f: {  	_ =	shalt  }
0x50: {  	_ =	shalt  }
0x51: {  	_ =	shalt  }
0x52: {  	_ =	shalt  }
0x53: {  	_ =	shalt  }
0x54: {  	_ =	shalt  }
0x55: {  	_ =	shalt  }
0x56: {  	_ =	shalt  }
0x57: {  	_ =	shalt  }
0x58: {  	_ =	shalt  }
0x59: {  	_ =	shalt  }
0x5a: {  	_ =	shalt  }
0x5b: {  	_ =	shalt  }
0x5c: {  	_ =	shalt  }
0x5d: {  	_ =	shalt  }
0x5e: {  	_ =	shalt  }
0x5f: {  	_ =	shalt  }
0x60: {  	_ =	shalt  }
0x61: {  	_ =	shalt  }
0x62: {  	_ =	shalt  }
0x63: {  	_ =	shalt  }
0x64: {  	_ =	shalt  }
0x65: {  	_ =	shalt  }
0x66: {  	_ =	shalt  }
0x67: {  	_ =	shalt  }
0x68: {  	_ =	shalt  }
0x69: {  	_ =	shalt  }
0x6a: {  	_ =	shalt  }
0x6b: {  	_ =	shalt  }
0x6c: {  	_ =	shalt  }
0x6d: {  	_ =	shalt  }
0x6e: {  	_ =	shalt  }
0x6f: {  	_ =	shalt  }
0x70: {  	_ =	shalt  }
0x71: {  	_ =	shalt  }
0x72: {  	_ =	shalt  }
0x73: {  	_ =	shalt  }
0x74: {  	_ =	shalt  }
0x75: {  	_ =	shalt  }
0x76: {  	_ =	shalt  }
0x77: {  	_ =	shalt  }
0x78: {  	_ =	shalt  }
0x79: {  	_ =	shalt  }
0x7a: {  	_ =	shalt  }
0x7b: {  	_ =	shalt  }
0x7c: {  	_ =	shalt  }
0x7d: {  	_ =	shalt  }
0x7e: {  	_ =	shalt  }
0x7f: {  	_ =	shalt  }
0x80: {  	_ =	shalt  }
0x81: {  	_ =	shalt  }
0x82: {  	_ =	shalt  }
0x83: {  	_ =	shalt  }
0x84: {  	_ =	shalt  }
0x85: {  	_ =	shalt  }
0x86: {  	_ =	shalt  }
0x87: {  	_ =	shalt  }
.Lfunc_end0:
.L_simem_size_0:
called_computation.3_lowered:
.L_overlay_start_0:
0x88: {  	s2 =	sld [smem:$0x3FD9]  }
0x89: {  	s3 =	sld [smem:$0x3FFE];
	_ =	sdelay $0x1  }
0x8a: {  	s1 =	srdreg.scid  }
0x8b: {  	s0 =	sand.u32 $0x1, s1  }
0x8c: {  	s17 =	sshll.u32 s0, $0xA;
	s2 =	sadd.s32 s3, s2  }
0x8d: {  	s2 =	sadd.s32 s2, s17  }
0x8e: {  	[smem:$0x3FB5] =	sst s2  }
0x8f: {  	_ = 	snop  }
0x90: {  	(tm) =	ssettm $0x1  }
0x91: {  	s18 =	sld [smem:$0x3FFB];
	_ =	sdelay $0x3  }
0x92: {  	_ =	strace s18  }
0x93: {  	s2 =	sld [smem:$0x3FFC];
	_ =	sdelay $0x3  }
0x94: {  	_ =	strace s2  }
0x95: {  	s2 =	sld [smem:$0x3FFD];
	_ =	sdelay $0x3  }
0x96: {  	_ =	strace s2  }
0x97: {  	_ =	strace $0x8FFFFFFF  }
0x98: {  	s19 =	sld [smem:$0x3FDB];
	_ =	sdelay $0x1  }
0x99: {  	s20 =	simm.s32 $_scs_section_size  }
0x9a: {  	s4 =	simm.s32 $_size__tile_overlayer_lowered;
	s5 =	simm.s32 $_tile_overlayer_lowered  }
0x9b: {  	s6 =	simm.s32 $0x1BFF;
	s21 =	sshll.u32 s5, $0x1;
	s3 =	sadd.s32 s20, s19  }
0x9c: {  	s22 =	simm.s32 $0x0;
	s4 =	sshll.u32 s4, $0x1;
	s5 =	sadd.s32 s21, s3  }
0x9d: {  	[timem:s22], [sflag:s6] =	dma.local [hbm:s5], s4  }
0x9e: {  	_ =	swait.ge [sflag:s6], s4  }
0x9f: {  	s4 =	ssub.s32 $0x0, s4;
	[sflag:s6] =	ssyncset.done $0x0  }
0xa0: {  	[sflag:s6] =	ssyncadd.s32 s4;
	_ =	sdelay $0x1  }
0xa1: {  	s23 =	simm.s32 $0x1B8B  }
0xa2: {  	_ =	swait.ge [sflag:s23], $0x1  }
0xa3: {  	[sflag:s23] =	ssyncset.done $0x0  }
0xa4: {  	[sflag:s23] =	ssyncadd.s32 $0xFFFFFFFF  }
0xa5: {  	s4 =	sld [smem:$0x0]  }
0xa6: {  	s5 =	sand.u32 $0xFFFFFFFE, s1  }
0xa7: {  	p0 =	sne.s32 s1, s5  }
0xa8: {  	s5 =	sshll.u32 @p0 s5, $0xE  }
0xa9: {  	s5 =	sadd.s32 @p0 $0x11B8D, s5;
	s6 =	sshll.u32 @p0 s4, $0x11  }
0xaa: {  	s5 =	sor.u32 @p0 s6, s5  }
0xab: {  	[sflag:s5] =	ssyncadd.remote.s32 @p0 $0x1;
	_ =	sdelay $0x1  }
0xac: {  	s5 =	simm.s32 @p0 $0x1B8D  }
0xad: {  	_ =	swait.eq @p0 [sflag:s5], $0x1  }
0xae: {  	[sflag:s5] =	ssyncadd.s32 @p0 $0xFFFFFFFF  }
0xaf: {  	s6 =	sshll.u32 @!p0 s1, $0xE  }
0xb0: {  	s6 =	sor.u32 @!p0 $0x4000, s6;
	s5 =	simm.s32 @!p0 $0x1B8D  }
0xb1: {  	s4 =	sshll.u32 @!p0 s4, $0x11;
	s6 =	sadd.s32 @!p0 $0x11B8D, s6;
	_ =	swait.eq @!p0 [sflag:s5], $0x1  }
0xb2: {  	s4 =	sor.u32 @!p0 s4, s6;
	[sflag:s5] =	ssyncadd.s32 @!p0 $0xFFFFFFFF  }
0xb3: {  	s25 =	simm.s32 $0x1B8E;
	s24 =	sld [smem:$0x3FFE];
	[sflag:s4] =	ssyncadd.remote.s32 @!p0 $0x1  }
0xb4: {  	s26 =	simm.s32 $execute0_lowered;
	[smem:$0x3FD2] =	sst s25  }
0xb5: {  	s5 =	sshll.u32 s26, $0x1;
	_ =	strace $0x8000004F;
	[dreg:$0x1] =	wrdreg $0xFFFFFFFF  }
0xb6: {  	s28 =	simm.s32 $_size_execute0_lowered;
	s3 =	sadd.s32 s3, s5;
	[dreg:$0x0] =	wrdreg $0x0  }
0xb7: {  	s5 =	sshll.u32 s28, $0x1;
	[dreg:$0x2] =	wrdreg s3  }
0xb8: {  	[dreg:$0x3] =	wrdreg s5  }
0xb9: {  	[dreg:$0x4] =	wrdreg $0xC0  }
0xba: {  	_ =	task [dreg:s22], $0x5FFFF  }
0xbb: {  	[dreg:$0x1] =	wrdreg $0xFFFFFFFF  }
0xbc: {  	[dreg:$0x0] =	wrdreg $0x60  }
0xbd: {  	[dreg:$0x2] =	wrdreg s24  }
0xbe: {  	[dreg:$0x3] =	wrdreg $0xC  }
0xbf: {  	_ =	task.clear_ibuf [dreg:s22], $0x4FFFF;
	_ =	strace $0x9000004F  }
0xc0: {  	s29 =	simm.s32 $0xC;
	_ =	strace $0x80000051  }
0xc1: {  	_ =	swait.ge [sflag:s29], $0x1  }
0xc2: {  	[sflag:s29] =	ssyncadd.s32 $0xFFFFFFFF  }
0xc3: {  	_ =	strace $0x90000051  }
0xc4: {  	_ =	sfence  }
0xc5: {  	s30 =	sld [smem:$0x0];
	_ =	sdelay $0x2  }
0xc6: {  	s31 =	sshll.u32 s1, $0xD;
	s1 =	sshrl.u32 s1, $0x2  }
0xc7: {  	s4 =	sand.u32 $0x4000, s31;
	s1 =	sadd.s32 s1, s30  }
0xc8: {  	s0 =	sor.u32 s4, s0;
	s1 =	sshll.u32 s1, $0x11  }
0xc9: {  	s0 =	sor.u32 s1, s0  }
0xca: {  	s0 =	sadd.s32 $0x8F2B, s0  }
0xcb: {  	[sflag:s0] =	ssyncadd.remote.s32 $0x1  }
0xcc: {  	_ =	sfence.sel $0xFFFF  }
0xcd: {  	[dreg:$0x0] =	wrdreg $0xFFFFFFFF;
	(pc) =	sbr.abs _section_cstart, $3  }
0xce: {  	[dreg:$0x1] =	wrdreg $0xFFFFFFFF  }
0xcf: {  	_ =	task.clear_ibuf [dreg:s22], $0x2FFFF;
	_ =	strace $0x9FFFFFFF  }
0xd0: {  	(tm) =	ssettm $0x7FFFFFFF  }
0xd1: {  	_ =	shalt  }
tec
execute0_lowered:
.L_overlay_start_1:
0x0: {  	(tag) =	ssettag $0x1  }
0x1: {  	s1 =	srdreg.scid;
	s0 =	stileid.u32  }
0x2: {  	s12 =	sand.u32 $0x1, s1;
	s26 =	sshll.u32 s0, $0x1  }
0x3: {  	s10 =	sor.u32 s12, s26  }
0x4: {  	s11 =	rddreg [dreg:$0x0];
	s13 =	smul.u32 $0x1900, s10  }
0x5: {  	s2 =	simm.s32 $0x0;
	s1 =	rddreg [dreg:$0x1]  }
0x6: {  	[smem:$0x7FF] =	sst s2;
	s14 =	sadd.s32 $0x2E2A00, s11;
	s3 =	sshrl.u32 s13, $0x3  }
0x7: {  	_ =	strace $0x80000050;
	s4 =	sadd.s32 s14, s3;
	s3 =	simm.s32 $0x2  }
0x8: {  	[tilespmem:s2], [sflag:$0x2] =	stream.linear.gather [hbm4b:s4+s2], $0xC80, $0x38;
	[tilespmem:$0x1A900] =	vst v63  }
0x9: {  	_ =	swait.ge [sflag:s3], $0xC80  }
0xa: {  	s6 =	simm.s32 $0xC80;
	[sflag:s3] =	ssyncset.done $0x0  }
0xb: {  	s7 =	simm.s32 $0x1;
	s5 =	sadd.s32 $0x65200, s11;
	[sflag:s3] =	ssyncadd.s32 $0xFFFFF380  }
0xc: {  	[tilespmem:s6], [sflag:$0x1] =	stream.indirect.gather [hbm4b:s5+s6], $0x1, s2, s6, $0xb8;
	[tilespmem:$0x1A900] =	vst v63  }
0xd: {  	_ =	swait.ge [sflag:s7], $0xC80  }
0xe: {  	[sflag:s7] =	ssyncset.done $0x0  }
0xf: {  	s9 =	simm.s32 $0x1900;
	s8 =	sadd.s32 $0x3600, s11;
	[sflag:s7] =	ssyncadd.s32 $0xFFFFF380  }
0x10: {  	[tilespmem:s9], [sflag:$0x1] =	stream.indirect.gather [hbm4b:s8+s6], $0x20, s6, s6, $0xb8;
	[tilespmem:$0x1A900] =	vst v63  }
0x11: {  	s10 =	smul.u32 $0x6400, s10;
	_ =	swait.ge [sflag:s7], $0x19000  }
0x12: {  	s15 =	sadd.s32 $0x2E8E00, s11;
	[sflag:s7] =	ssyncset.done $0x0  }
0x13: {  	s10 =	sadd.s32 s15, s10;
	[sflag:s7] =	ssyncadd.s32 $0xFFFE7000  }
0x14: {  	[hbm4b:s10+s2] =	stream.linear.scatter [tilespmem:s9], [sflag:$0x2], $0x19000, $0x38;
	[tilespmem:$0x1A900] =	vst v63  }
0x15: {  	s13 =	sadd.s32 $0xC80, s13;
	_ =	swait.ge [sflag:s3], $0x19000  }
0x16: {  	s28 =	sshrl.u32 s13, $0x3;
	[sflag:s3] =	ssyncset.done $0x0  }
0x17: {  	s11 =	sadd.s32 s14, s28;
	[sflag:s3] =	ssyncadd.s32 $0xFFFE7000  }
0x18: {  	[tilespmem:s2], [sflag:$0x2] =	stream.linear.gather [hbm4b:s11+s2], $0xC80, $0x38;
	[tilespmem:$0x1A900] =	vst v63  }
0x19: {  	_ =	swait.ge [sflag:s3], $0xC80  }
0x1a: {  	[sflag:s3] =	ssyncset.done $0x0  }
0x1b: {  	s12 =	ssub.s32 $0x2, s12;
	[sflag:s3] =	ssyncadd.s32 $0xFFFFF380  }
0x1c: {  	[tilespmem:s6], [sflag:$0x1] =	stream.indirect.gather [hbm4b:s5+s6], $0x1, s2, s6, $0xb8;
	[tilespmem:$0x1A900] =	vst v63  }
0x1d: {  	s29 =	sshrl.u32 s12, $0x1;
	_ =	swait.ge [sflag:s7], $0xC80  }
0x1e: {  	s14 =	ssub.s32 s12, s29;
	[sflag:s7] =	ssyncset.done $0x0  }
0x1f: {  	s31 =	smax.u32 s14, $0x1;
	[sflag:s7] =	ssyncadd.s32 $0xFFFFF380  }
0x20: {  	[tilespmem:s9], [sflag:$0x1] =	stream.indirect.gather [hbm4b:s8+s6], $0x20, s6, s6, $0xb8;
	[tilespmem:$0x1A900] =	vst v63  }
0x21: {  	p0 =	sne.s32 s31, $0x1;
	_ =	swait.ge [sflag:s7], $0x19000  }
.Ltmp0:
0x22: {  	s30 =	sshll.u32 s13, $0x2;
	[sflag:s7] =	ssyncset.done $0x0;
	(pc) =	sbr.rel @!p0 .LBB2_2-.Ltmp0, $4  }
0x23: {  	s12 =	sadd.s32 s15, s30;
	[sflag:s7] =	ssyncadd.s32 $0xFFFE7000  }
0x24: {  	[hbm4b:s12+s2] =	stream.linear.scatter [tilespmem:s9], [sflag:$0x2], $0x19000, $0x38;
	[tilespmem:$0x1A900] =	vst v63  }
0x25: {  	_ =	swait.ge [sflag:s3], $0x19000  }
0x26: {  	s13 =	sadd.s32 $0xFFFFFFFF, s31;
	[sflag:s3] =	ssyncset.done $0x0  }
.LBB2_1:
0x27: {  	p0 =	sne.s32 s13, $0x1;
	s13 =	sadd.s32 $0xFFFFFFFF, s13;
	[sflag:s3] =	ssyncadd.s32 $0xFFFE7000  }
0x28: {  	[tilespmem:s2], [sflag:$0x2] =	stream.linear.gather [hbm4b:s4+s2], $0xC80, $0x38;
	[tilespmem:$0x1A900] =	vst v63  }
0x29: {  	_ =	swait.ge [sflag:s3], $0xC80  }
0x2a: {  	[sflag:s3] =	ssyncset.done $0x0  }
0x2b: {  	[sflag:s3] =	ssyncadd.s32 $0xFFFFF380  }
0x2c: {  	[tilespmem:s6], [sflag:$0x1] =	stream.indirect.gather [hbm4b:s5+s6], $0x1, s2, s6, $0xb8;
	[tilespmem:$0x1A900] =	vst v63  }
0x2d: {  	_ =	swait.ge [sflag:s7], $0xC80  }
0x2e: {  	[sflag:s7] =	ssyncset.done $0x0  }
0x2f: {  	[sflag:s7] =	ssyncadd.s32 $0xFFFFF380  }
0x30: {  	[tilespmem:s9], [sflag:$0x1] =	stream.indirect.gather [hbm4b:s8+s6], $0x20, s6, s6, $0xb8;
	[tilespmem:$0x1A900] =	vst v63  }
0x31: {  	_ =	swait.ge [sflag:s7], $0x19000  }
0x32: {  	[sflag:s7] =	ssyncset.done $0x0  }
0x33: {  	[sflag:s7] =	ssyncadd.s32 $0xFFFE7000  }
0x34: {  	[hbm4b:s10+s2] =	stream.linear.scatter [tilespmem:s9], [sflag:$0x2], $0x19000, $0x38;
	[tilespmem:$0x1A900] =	vst v63  }
0x35: {  	_ =	swait.ge [sflag:s3], $0x19000  }
0x36: {  	[sflag:s3] =	ssyncset.done $0x0  }
0x37: {  	[sflag:s3] =	ssyncadd.s32 $0xFFFE7000  }
0x38: {  	[tilespmem:s2], [sflag:$0x2] =	stream.linear.gather [hbm4b:s11+s2], $0xC80, $0x38;
	[tilespmem:$0x1A900] =	vst v63  }
0x39: {  	_ =	swait.ge [sflag:s3], $0xC80  }
0x3a: {  	[sflag:s3] =	ssyncset.done $0x0  }
0x3b: {  	[sflag:s3] =	ssyncadd.s32 $0xFFFFF380  }
0x3c: {  	[tilespmem:s6], [sflag:$0x1] =	stream.indirect.gather [hbm4b:s5+s6], $0x1, s2, s6, $0xb8;
	[tilespmem:$0x1A900] =	vst v63  }
0x3d: {  	_ =	swait.ge [sflag:s7], $0xC80  }
0x3e: {  	[sflag:s7] =	ssyncset.done $0x0  }
0x3f: {  	[sflag:s7] =	ssyncadd.s32 $0xFFFFF380  }
0x40: {  	[tilespmem:s9], [sflag:$0x1] =	stream.indirect.gather [hbm4b:s8+s6], $0x20, s6, s6, $0xb8;
	[tilespmem:$0x1A900] =	vst v63  }
0x41: {  	_ =	swait.ge [sflag:s7], $0x19000  }
.Ltmp1:
0x42: {  	[sflag:s7] =	ssyncset.done $0x0;
	(pc) =	sbr.rel @p0 .LBB2_1-.Ltmp1, $4  }
0x43: {  	[sflag:s7] =	ssyncadd.s32 $0xFFFE7000  }
0x44: {  	[hbm4b:s12+s2] =	stream.linear.scatter [tilespmem:s9], [sflag:$0x2], $0x19000, $0x38;
	[tilespmem:$0x1A900] =	vst v63  }
0x45: {  	_ =	swait.ge [sflag:s3], $0x19000  }
0x46: {  	[sflag:s3] =	ssyncset.done $0x0  }
.LBB2_2:
0x47: {  	[sflag:s3] =	ssyncadd.s32 $0xFFFE7000  }
0x48: {  	_ =	sfence.sel $0x180000  }
0x49: {  	[bflag:$0x0] =	sbarrier.arrive $0xFFFF  }
0x4a: {  	p0 =	sne.s32 s0, $0x0;
	_ =	strace $0x90000050  }
0x4b: {  	s0 =	sadd.s32 @!p0 $0x100000, s1;
	[bflag:$0x2] =	sbarrier.arrive $0xFFFF  }
0x4c: {  	[sflag:s0] =	ssyncadd.tile.s32 @!p0 $0x1;
	_ =	shalt  }
.Lfunc_end2:
_tile_overlayer_lowered:
.L_overlay_start_2:
0x4d: {  	(tag) =	ssettag $0x2  }
0x4e: {  	s0 =	rddreg [dreg:$0x0];
	s2 =	stileid.u32  }
0x4f: {  	s1 =	rddreg [dreg:$0x1];
	p0 =	sne.s32 s2, $0x0  }
0x50: {  	s3 =	rddreg [dreg:$0x2];
	[bflag:$0x3] =	sbarrier.arrive $0xFFFF;
	s2 =	simm.s32 @!p0 $0x1C02  }
0x51: {  	[timem:s3], [sflag:s2] =	dma.local @!p0 [hbm:s0], s1  }
0x52: {  	s0 =	simm.s32 @!p0 $0x2  }
0x53: {  	_ =	swait.ge @!p0 [sflag:s0], s1  }
0x54: {  	s1 =	ssub.s32 @!p0 $0x0, s1;
	[sflag:s0] =	ssyncset.done @!p0 $0x0  }
0x55: {  	[sflag:s0] =	ssyncadd.s32 @!p0 s1  }
0x56: {  	[bflag:$0x3] =	sbarrier.arrive $0xFFFF  }
0x57: {  	_ =	shalt  }

</sc_bundles>
